<compile_context>
chip_gen: v7x
topology: tpu7x:2x2x1
jax: 0.10.2.dev20260603
libtpu: 0.0.44.dev20260713+nightly
codegen_flags: <defaults>
</compile_context>

<pallas_src>
import jax
import jax.numpy as jnp
from jax import lax
from jax.experimental import pallas as pl
from jax.experimental.pallas import tpu as pltpu
from jax.experimental.pallas import tpu_sc as plsc

EMBD = 1024
B = 4
T = 2048

NC = 2
NS = 16
NW = NC * NS

ROWS_PER_W = B * T // NW
TSPAN = T // NW
CHUNK = 16
SUBS = TSPAN // CHUNK
NCHUNK = B * SUBS
NSLOT = 4
VEC = 16
NVEC = EMBD // VEC


def _sc_kernel(x_hbm, word_hbm, pos_hbm, out_hbm, idx_v,
               buf0, buf1, buf2, buf3, posb0, posb1,
               gsem, osem, psem, isem):
    wid = lax.axis_index("s") * NC + lax.axis_index("c")
    t0 = wid * TSPAN

    bufs = (buf0, buf1, buf2, buf3)
    posb = (posb0, posb1)

    idx_copies = [
        pltpu.async_copy(x_hbm.at[b, pl.ds(t0, TSPAN)],
                         idx_v.at[pl.ds(b * TSPAN, TSPAN)], isem)
        for b in range(B)
    ]

    def chunk_coords(c):
        sub, b = divmod(c, B)
        return b, t0 + sub * CHUNK, b * TSPAN + sub * CHUNK, sub

    def issue_gather(c):
        s = c % NSLOT
        _, _, idx_off, _ = chunk_coords(c)
        return pltpu.async_copy(
            word_hbm.at[idx_v.at[pl.ds(idx_off, CHUNK)]], bufs[s], gsem)

    def issue_pos(sub):
        return pltpu.async_copy(
            pos_hbm.at[pl.ds(t0 + sub * CHUNK, CHUNK)], posb[sub % 2],
            psem)

    pending_g = {}
    pending_p = {}
    waited_idx = set()

    def need_idx(bb):
        if bb not in waited_idx:
            idx_copies[bb].wait()
            waited_idx.add(bb)

    need_idx(0)
    pending_g[0] = issue_gather(0)
    pending_p[0] = issue_pos(0)
    for c in range(1, NSLOT - 1):
        need_idx(c % B)
        pending_g[c] = issue_gather(c)
    for bb in range(B):
        need_idx(bb)
    pending_p[1] = issue_pos(1)
    pending_o = {}

    for c in range(NCHUNK):
        s = c % NSLOT
        b, t_off, _, sub = chunk_coords(c)
        if c % B == 0:
            pending_p.pop(sub).wait()
        pos = posb[sub % 2]
        pending_g.pop(c).wait()
        buf = bufs[s]

        def add_rows(r0, nrows):
            @plsc.parallel_loop(0, nrows * NVEC, 1, unroll=8)
            def vec(n):
                r = r0 + lax.shift_right_logical(n, 6)
                o = pl.multiple_of(
                    lax.shift_left(lax.bitwise_and(n, NVEC - 1), 4), VEC)
                sl = pl.ds(o, VEC)
                plsc.addupdate(buf.at[r, sl], pos[r, sl])

        if c == NCHUNK - 1:
            H = CHUNK // 2
            add_rows(0, H)
            tail_o = [pltpu.async_copy(
                bufs[s].at[pl.ds(0, H)],
                out_hbm.at[b, pl.ds(t_off, H)], osem)]
            add_rows(H, H)
            tail_o.append(pltpu.async_copy(
                bufs[s].at[pl.ds(H, H)],
                out_hbm.at[b, pl.ds(t_off + H, H)], osem))
            pending_o[c] = tail_o
        else:
            add_rows(0, CHUNK)

        if c % B == B - 1 and sub + 2 < SUBS:
            pending_p[sub + 2] = issue_pos(sub + 2)
        if c - 1 in pending_o:
            for o in pending_o.pop(c - 1):
                o.wait()
        if c + NSLOT - 1 < NCHUNK:
            pending_g[c + NSLOT - 1] = issue_gather(c + NSLOT - 1)
        if c != NCHUNK - 1:
            pending_o[c] = [pltpu.async_copy(
                bufs[s], out_hbm.at[b, pl.ds(t_off, CHUNK)], osem)]
    for c in sorted(pending_o):
        for o in pending_o.pop(c):
            o.wait()


@jax.jit
def _run(x, word_table, pos_table):
    mesh = plsc.VectorSubcoreMesh(
        core_axis_name="c", subcore_axis_name="s", num_cores=NC,
        num_subcores=NS,
    )
    return pl.kernel(
        _sc_kernel,
        out_type=jax.ShapeDtypeStruct((B, T, EMBD), jnp.float32),
        mesh=mesh,
        scratch_types=(
            [pltpu.VMEM((ROWS_PER_W,), jnp.int32)]
            + [pltpu.VMEM((CHUNK, EMBD), jnp.float32)] * (NSLOT + 2)
            + [pltpu.SemaphoreType.DMA] * 4
        ),
    )(x, word_table, pos_table)


def kernel(x, word_table, pos_table):
    return _run(x.astype(jnp.int32), word_table, pos_table)

# --- scband reference (transcript-rebuilt; emitter-appended) ---
"""Pipeline reference for scband-pos-and-word-embedding-51230369906866 (READ-ONLY COPY).

The authoritative reference and input builder live on the scoring server;
editing this copy changes nothing except your own understanding.
"""

import jax, jax.numpy as jnp
import numpy as np

VOCAB = 100000
EMBD = 1024
BLOCK = 2048
B = 4
T = 2048

def setup_inputs(seed: int = 0) -> dict:
    key = jax.random.key(seed)
    k1, k2, k3 = jax.random.split(key, 3)
    x = jax.random.randint(k1, (B, T), 0, VOCAB, dtype=jnp.int64 if jax.config.read('jax_enable_x64') else jnp.int32)
    word_table = jax.random.normal(k2, (VOCAB, EMBD), dtype=jnp.float32) * 0.02
    pos_table = jax.random.normal(k3, (BLOCK, EMBD), dtype=jnp.float32) * 0.02
    return {"x": x, "word_table": word_table, "pos_table": pos_table}

def reference(x, word_table, pos_table):
    # token embedding lookup (gather)
    tok = jnp.take(word_table, x, axis=0)  # [B, T, EMBD]
    t = x.shape[1]
    pos_ids = jnp.arange(0, t, dtype=jnp.int32)
    pos = jnp.take(pos_table, pos_ids, axis=0)  # [T, EMBD]
    out = tok + pos[None, :, :]
    # dropout is identity in eval mode / deterministic reference
    return out

if __name__ == "__main__":
    import jax
    _d = setup_inputs()
    print(jax.jit(kernel)(*tuple(_d.values())))

</pallas_src>

<mosaic_0001>
#map = affine_map<(d0, d1) -> (0, 0)>
#map1 = affine_map<(d0, d1) -> (0, 0, 0)>
module attributes {stable_mosaic.version = 14 : i64} {
  func.func @_sc_kernel(%arg0: i32, %arg1: i32, %arg2: memref<4x2048xi32, #tpu.memory_space<hbm>>, %arg3: memref<100000x1024xf32, #tpu.memory_space<hbm>>, %arg4: memref<2048x1024xf32, #tpu.memory_space<hbm>>, %arg5: memref<4x2048x1024xf32, #tpu.memory_space<hbm>>, %arg6: memref<256xi32, #tpu.memory_space<vmem>>, %arg7: memref<16x1024xf32, #tpu.memory_space<vmem>>, %arg8: memref<16x1024xf32, #tpu.memory_space<vmem>>, %arg9: memref<16x1024xf32, #tpu.memory_space<vmem>>, %arg10: memref<16x1024xf32, #tpu.memory_space<vmem>>, %arg11: memref<16x1024xf32, #tpu.memory_space<vmem>>, %arg12: memref<16x1024xf32, #tpu.memory_space<vmem>>, %arg13: memref<!tpu.dma_semaphore, #tpu.memory_space<semaphore_mem>>, %arg14: memref<!tpu.dma_semaphore, #tpu.memory_space<semaphore_mem>>, %arg15: memref<!tpu.dma_semaphore, #tpu.memory_space<semaphore_mem>>, %arg16: memref<!tpu.dma_semaphore, #tpu.memory_space<semaphore_mem>>) attributes {dimension_semantics = [#tpu.dimension_semantics<core_parallel>, #tpu.dimension_semantics<subcore_parallel>], iteration_bounds = array<i64: 2, 16>, scalar_prefetch = 0 : i64, scratch_operands = 11 : i64, tpu.core_type = #tpu.core_type<sc_vector_subcore>, window_params = [{transform_indices = #map}, {transform_indices = #map}, {transform_indices = #map}, {transform_indices = #map1}]} {
    %mul3A = arith.constant 2 : i32
    %mul3A_0 = arith.muli %arg1, %mul3A : i32
    %add3A = arith.addi %mul3A_0, %arg0 : i32
    %mul3A_1 = arith.constant 64 : i32
    %mul3A_2 = arith.muli %add3A, %mul3A_1 : i32
    %dma_start3A = arith.constant 0 : i32
    %dma_start3A_3 = arith.constant 0 : i32
    %dma_start3A_4 = tpu.memref_slice %arg6[%dma_start3A_3] : memref<256xi32, #tpu.memory_space<vmem>> -> memref<64xi32, #tpu.memory_space<vmem>>
    %dma_start3A_5 = tpu.memref_slice %arg2[%dma_start3A, %mul3A_2] : memref<4x2048xi32, #tpu.memory_space<hbm>> -> memref<1x64xi32, #tpu.memory_space<hbm>>
    %dma_start3A_6 = tpu.memref_squeeze %dma_start3A_5 : memref<1x64xi32, #tpu.memory_space<hbm>> -> memref<64xi32, #tpu.memory_space<hbm>>
    %dma_start3A_7 = arith.constant 0 : i32
    %dma_start3A_8 = tpu.memref_slice %arg6[%dma_start3A_7] : memref<256xi32, #tpu.memory_space<vmem>> -> memref<64xi32, #tpu.memory_space<vmem>>
    %dma_start3A_9 = tpu.memref_slice %arg2[%dma_start3A, %mul3A_2] : memref<4x2048xi32, #tpu.memory_space<hbm>> -> memref<1x64xi32, #tpu.memory_space<hbm>>
    %dma_start3A_10 = tpu.memref_squeeze %dma_start3A_9 : memref<1x64xi32, #tpu.memory_space<hbm>> -> memref<64xi32, #tpu.memory_space<hbm>>
    tpu.enqueue_dma source(%dma_start3A_10 : memref<64xi32, #tpu.memory_space<hbm>>) target(%dma_start3A_8 : memref<64xi32, #tpu.memory_space<vmem>>) target_semaphore(%arg16 : memref<!tpu.dma_semaphore, #tpu.memory_space<semaphore_mem>>)
    %dma_start3A_11 = arith.constant 1 : i32
    %dma_start3A_12 = arith.constant 64 : i32
    %dma_start3A_13 = tpu.memref_slice %arg6[%dma_start3A_12] : memref<256xi32, #tpu.memory_space<vmem>> -> memref<64xi32, #tpu.memory_space<vmem>>
    %dma_start3A_14 = tpu.memref_slice %arg2[%dma_start3A_11, %mul3A_2] : memref<4x2048xi32, #tpu.memory_space<hbm>> -> memref<1x64xi32, #tpu.memory_space<hbm>>
    %dma_start3A_15 = tpu.memref_squeeze %dma_start3A_14 : memref<1x64xi32, #tpu.memory_space<hbm>> -> memref<64xi32, #tpu.memory_space<hbm>>
    %dma_start3A_16 = arith.constant 64 : i32
    %dma_start3A_17 = tpu.memref_slice %arg6[%dma_start3A_16] : memref<256xi32, #tpu.memory_space<vmem>> -> memref<64xi32, #tpu.memory_space<vmem>>
    %dma_start3A_18 = tpu.memref_slice %arg2[%dma_start3A_11, %mul3A_2] : memref<4x2048xi32, #tpu.memory_space<hbm>> -> memref<1x64xi32, #tpu.memory_space<hbm>>
    %dma_start3A_19 = tpu.memref_squeeze %dma_start3A_18 : memref<1x64xi32, #tpu.memory_space<hbm>> -> memref<64xi32, #tpu.memory_space<hbm>>
    tpu.enqueue_dma source(%dma_start3A_19 : memref<64xi32, #tpu.memory_space<hbm>>) target(%dma_start3A_17 : memref<64xi32, #tpu.memory_space<vmem>>) target_semaphore(%arg16 : memref<!tpu.dma_semaphore, #tpu.memory_space<semaphore_mem>>)
    %dma_start3A_20 = arith.constant 2 : i32
    %dma_start3A_21 = arith.constant 128 : i32
    %dma_start3A_22 = tpu.memref_slice %arg6[%dma_start3A_21] : memref<256xi32, #tpu.memory_space<vmem>> -> memref<64xi32, #tpu.memory_space<vmem>>
    %dma_start3A_23 = tpu.memref_slice %arg2[%dma_start3A_20, %mul3A_2] : memref<4x2048xi32, #tpu.memory_space<hbm>> -> memref<1x64xi32, #tpu.memory_space<hbm>>
    %dma_start3A_24 = tpu.memref_squeeze %dma_start3A_23 : memref<1x64xi32, #tpu.memory_space<hbm>> -> memref<64xi32, #tpu.memory_space<hbm>>
    %dma_start3A_25 = arith.constant 128 : i32
    %dma_start3A_26 = tpu.memref_slice %arg6[%dma_start3A_25] : memref<256xi32, #tpu.memory_space<vmem>> -> memref<64xi32, #tpu.memory_space<vmem>>
    %dma_start3A_27 = tpu.memref_slice %arg2[%dma_start3A_20, %mul3A_2] : memref<4x2048xi32, #tpu.memory_space<hbm>> -> memref<1x64xi32, #tpu.memory_space<hbm>>
    %dma_start3A_28 = tpu.memref_squeeze %dma_start3A_27 : memref<1x64xi32, #tpu.memory_space<hbm>> -> memref<64xi32, #tpu.memory_space<hbm>>
    tpu.enqueue_dma source(%dma_start3A_28 : memref<64xi32, #tpu.memory_space<hbm>>) target(%dma_start3A_26 : memref<64xi32, #tpu.memory_space<vmem>>) target_semaphore(%arg16 : memref<!tpu.dma_semaphore, #tpu.memory_space<semaphore_mem>>)
    %dma_start3A_29 = arith.constant 3 : i32
    %dma_start3A_30 = arith.constant 192 : i32
    %dma_start3A_31 = tpu.memref_slice %arg6[%dma_start3A_30] : memref<256xi32, #tpu.memory_space<vmem>> -> memref<64xi32, #tpu.memory_space<vmem>>
    %dma_start3A_32 = tpu.memref_slice %arg2[%dma_start3A_29, %mul3A_2] : memref<4x2048xi32, #tpu.memory_space<hbm>> -> memref<1x64xi32, #tpu.memory_space<hbm>>
    %dma_start3A_33 = tpu.memref_squeeze %dma_start3A_32 : memref<1x64xi32, #tpu.memory_space<hbm>> -> memref<64xi32, #tpu.memory_space<hbm>>
    %dma_start3A_34 = arith.constant 192 : i32
    %dma_start3A_35 = tpu.memref_slice %arg6[%dma_start3A_34] : memref<256xi32, #tpu.memory_space<vmem>> -> memref<64xi32, #tpu.memory_space<vmem>>
    %dma_start3A_36 = tpu.memref_slice %arg2[%dma_start3A_29, %mul3A_2] : memref<4x2048xi32, #tpu.memory_space<hbm>> -> memref<1x64xi32, #tpu.memory_space<hbm>>
    %dma_start3A_37 = tpu.memref_squeeze %dma_start3A_36 : memref<1x64xi32, #tpu.memory_space<hbm>> -> memref<64xi32, #tpu.memory_space<hbm>>
    tpu.enqueue_dma source(%dma_start3A_37 : memref<64xi32, #tpu.memory_space<hbm>>) target(%dma_start3A_35 : memref<64xi32, #tpu.memory_space<vmem>>) target_semaphore(%arg16 : memref<!tpu.dma_semaphore, #tpu.memory_space<semaphore_mem>>)
    %dma_wait3A = arith.constant 0 : i32
    %dma_wait3A_38 = arith.constant 0 : i32
    %dma_wait3A_39 = tpu.memref_slice %arg6[%dma_wait3A_38] : memref<256xi32, #tpu.memory_space<vmem>> -> memref<64xi32, #tpu.memory_space<vmem>>
    %dma_wait3A_40 = tpu.memref_slice %arg2[%dma_wait3A, %mul3A_2] : memref<4x2048xi32, #tpu.memory_space<hbm>> -> memref<1x64xi32, #tpu.memory_space<hbm>>
    %dma_wait3A_41 = tpu.memref_squeeze %dma_wait3A_40 : memref<1x64xi32, #tpu.memory_space<hbm>> -> memref<64xi32, #tpu.memory_space<hbm>>
    %dma_wait3A_42 = arith.constant 0 : i32
    %dma_wait3A_43 = tpu.memref_slice %arg6[%dma_wait3A_42] : memref<256xi32, #tpu.memory_space<vmem>> -> memref<64xi32, #tpu.memory_space<vmem>>
    %dma_wait3A_44 = tpu.memref_slice %arg2[%dma_wait3A, %mul3A_2] : memref<4x2048xi32, #tpu.memory_space<hbm>> -> memref<1x64xi32, #tpu.memory_space<hbm>>
    %dma_wait3A_45 = tpu.memref_squeeze %dma_wait3A_44 : memref<1x64xi32, #tpu.memory_space<hbm>> -> memref<64xi32, #tpu.memory_space<hbm>>
    tpu.wait_dma2 semaphore(%arg16 : memref<!tpu.dma_semaphore, #tpu.memory_space<semaphore_mem>>) src(%dma_wait3A_45 : memref<64xi32, #tpu.memory_space<hbm>>) dst(%dma_wait3A_43 : memref<64xi32, #tpu.memory_space<vmem>>)
    %add3A_46 = arith.constant 0 : i32
    %add3A_47 = arith.addi %mul3A_2, %add3A_46 : i32
    %dma_start3A_48 = arith.constant 0 : i32
    %dma_start3A_49 = tpu.memref_slice %arg6[%dma_start3A_48] : memref<256xi32, #tpu.memory_space<vmem>> -> memref<16xi32, #tpu.memory_space<vmem>>
    %dma_start3A_50 = arith.constant 0 : i32
    %dma_start3A_51 = arith.constant 0 : i32
    %dma_start3A_52 = tpu.memref_slice %arg3[%dma_start3A_50, %dma_start3A_51] : memref<100000x1024xf32, #tpu.memory_space<hbm>> -> memref<100000x1024xf32, #tpu.memory_space<hbm>>
    tpu.enqueue_indirect_dma source(%dma_start3A_52 : memref<100000x1024xf32, #tpu.memory_space<hbm>>) target(%arg7 : memref<16x1024xf32, #tpu.memory_space<vmem>>) offsets(%dma_start3A_49 : memref<16xi32, #tpu.memory_space<vmem>>) semaphore(%arg13 : memref<!tpu.dma_semaphore, #tpu.memory_space<semaphore_mem>>)
    %add3A_53 = arith.constant 0 : i32
    %add3A_54 = arith.addi %mul3A_2, %add3A_53 : i32
    %dma_start3A_55 = arith.constant 0 : i32
    %dma_start3A_56 = tpu.memref_slice %arg4[%add3A_54, %dma_start3A_55] : memref<2048x1024xf32, #tpu.memory_space<hbm>> -> memref<16x1024xf32, #tpu.memory_space<hbm>>
    %dma_start3A_57 = arith.constant 0 : i32
    %dma_start3A_58 = tpu.memref_slice %arg4[%add3A_54, %dma_start3A_57] : memref<2048x1024xf32, #tpu.memory_space<hbm>> -> memref<16x1024xf32, #tpu.memory_space<hbm>>
    tpu.enqueue_dma source(%dma_start3A_58 : memref<16x1024xf32, #tpu.memory_space<hbm>>) target(%arg11 : memref<16x1024xf32, #tpu.memory_space<vmem>>) target_semaphore(%arg15 : memref<!tpu.dma_semaphore, #tpu.memory_space<semaphore_mem>>)
    %dma_wait3A_59 = arith.constant 1 : i32
    %dma_wait3A_60 = arith.constant 64 : i32
    %dma_wait3A_61 = tpu.memref_slice %arg6[%dma_wait3A_60] : memref<256xi32, #tpu.memory_space<vmem>> -> memref<64xi32, #tpu.memory_space<vmem>>
    %dma_wait3A_62 = tpu.memref_slice %arg2[%dma_wait3A_59, %mul3A_2] : memref<4x2048xi32, #tpu.memory_space<hbm>> -> memref<1x64xi32, #tpu.memory_space<hbm>>
    %dma_wait3A_63 = tpu.memref_squeeze %dma_wait3A_62 : memref<1x64xi32, #tpu.memory_space<hbm>> -> memref<64xi32, #tpu.memory_space<hbm>>
    %dma_wait3A_64 = arith.constant 64 : i32
    %dma_wait3A_65 = tpu.memref_slice %arg6[%dma_wait3A_64] : memref<256xi32, #tpu.memory_space<vmem>> -> memref<64xi32, #tpu.memory_space<vmem>>
    %dma_wait3A_66 = tpu.memref_slice %arg2[%dma_wait3A_59, %mul3A_2] : memref<4x2048xi32, #tpu.memory_space<hbm>> -> memref<1x64xi32, #tpu.memory_space<hbm>>
    %dma_wait3A_67 = tpu.memref_squeeze %dma_wait3A_66 : memref<1x64xi32, #tpu.memory_space<hbm>> -> memref<64xi32, #tpu.memory_space<hbm>>
    tpu.wait_dma2 semaphore(%arg16 : memref<!tpu.dma_semaphore, #tpu.memory_space<semaphore_mem>>) src(%dma_wait3A_67 : memref<64xi32, #tpu.memory_space<hbm>>) dst(%dma_wait3A_65 : memref<64xi32, #tpu.memory_space<vmem>>)
    %add3A_68 = arith.constant 0 : i32
    %add3A_69 = arith.addi %mul3A_2, %add3A_68 : i32
    %dma_start3A_70 = arith.constant 64 : i32
    %dma_start3A_71 = tpu.memref_slice %arg6[%dma_start3A_70] : memref<256xi32, #tpu.memory_space<vmem>> -> memref<16xi32, #tpu.memory_space<vmem>>
    %dma_start3A_72 = arith.constant 0 : i32
    %dma_start3A_73 = arith.constant 0 : i32
    %dma_start3A_74 = tpu.memref_slice %arg3[%dma_start3A_72, %dma_start3A_73] : memref<100000x1024xf32, #tpu.memory_space<hbm>> -> memref<100000x1024xf32, #tpu.memory_space<hbm>>
    tpu.enqueue_indirect_dma source(%dma_start3A_74 : memref<100000x1024xf32, #tpu.memory_space<hbm>>) target(%arg8 : memref<16x1024xf32, #tpu.memory_space<vmem>>) offsets(%dma_start3A_71 : memref<16xi32, #tpu.memory_space<vmem>>) semaphore(%arg13 : memref<!tpu.dma_semaphore, #tpu.memory_space<semaphore_mem>>)
    %dma_wait3A_75 = arith.constant 2 : i32
    %dma_wait3A_76 = arith.constant 128 : i32
    %dma_wait3A_77 = tpu.memref_slice %arg6[%dma_wait3A_76] : memref<256xi32, #tpu.memory_space<vmem>> -> memref<64xi32, #tpu.memory_space<vmem>>
    %dma_wait3A_78 = tpu.memref_slice %arg2[%dma_wait3A_75, %mul3A_2] : memref<4x2048xi32, #tpu.memory_space<hbm>> -> memref<1x64xi32, #tpu.memory_space<hbm>>
    %dma_wait3A_79 = tpu.memref_squeeze %dma_wait3A_78 : memref<1x64xi32, #tpu.memory_space<hbm>> -> memref<64xi32, #tpu.memory_space<hbm>>
    %dma_wait3A_80 = arith.constant 128 : i32
    %dma_wait3A_81 = tpu.memref_slice %arg6[%dma_wait3A_80] : memref<256xi32, #tpu.memory_space<vmem>> -> memref<64xi32, #tpu.memory_space<vmem>>
    %dma_wait3A_82 = tpu.memref_slice %arg2[%dma_wait3A_75, %mul3A_2] : memref<4x2048xi32, #tpu.memory_space<hbm>> -> memref<1x64xi32, #tpu.memory_space<hbm>>
    %dma_wait3A_83 = tpu.memref_squeeze %dma_wait3A_82 : memref<1x64xi32, #tpu.memory_space<hbm>> -> memref<64xi32, #tpu.memory_space<hbm>>
    tpu.wait_dma2 semaphore(%arg16 : memref<!tpu.dma_semaphore, #tpu.memory_space<semaphore_mem>>) src(%dma_wait3A_83 : memref<64xi32, #tpu.memory_space<hbm>>) dst(%dma_wait3A_81 : memref<64xi32, #tpu.memory_space<vmem>>)
    %add3A_84 = arith.constant 0 : i32
    %add3A_85 = arith.addi %mul3A_2, %add3A_84 : i32
    %dma_start3A_86 = arith.constant 128 : i32
    %dma_start3A_87 = tpu.memref_slice %arg6[%dma_start3A_86] : memref<256xi32, #tpu.memory_space<vmem>> -> memref<16xi32, #tpu.memory_space<vmem>>
    %dma_start3A_88 = arith.constant 0 : i32
    %dma_start3A_89 = arith.constant 0 : i32
    %dma_start3A_90 = tpu.memref_slice %arg3[%dma_start3A_88, %dma_start3A_89] : memref<100000x1024xf32, #tpu.memory_space<hbm>> -> memref<100000x1024xf32, #tpu.memory_space<hbm>>
    tpu.enqueue_indirect_dma source(%dma_start3A_90 : memref<100000x1024xf32, #tpu.memory_space<hbm>>) target(%arg9 : memref<16x1024xf32, #tpu.memory_space<vmem>>) offsets(%dma_start3A_87 : memref<16xi32, #tpu.memory_space<vmem>>) semaphore(%arg13 : memref<!tpu.dma_semaphore, #tpu.memory_space<semaphore_mem>>)
    %dma_wait3A_91 = arith.constant 3 : i32
    %dma_wait3A_92 = arith.constant 192 : i32
    %dma_wait3A_93 = tpu.memref_slice %arg6[%dma_wait3A_92] : memref<256xi32, #tpu.memory_space<vmem>> -> memref<64xi32, #tpu.memory_space<vmem>>
    %dma_wait3A_94 = tpu.memref_slice %arg2[%dma_wait3A_91, %mul3A_2] : memref<4x2048xi32, #tpu.memory_space<hbm>> -> memref<1x64xi32, #tpu.memory_space<hbm>>
    %dma_wait3A_95 = tpu.memref_squeeze %dma_wait3A_94 : memref<1x64xi32, #tpu.memory_space<hbm>> -> memref<64xi32, #tpu.memory_space<hbm>>
    %dma_wait3A_96 = arith.constant 192 : i32
    %dma_wait3A_97 = tpu.memref_slice %arg6[%dma_wait3A_96] : memref<256xi32, #tpu.memory_space<vmem>> -> memref<64xi32, #tpu.memory_space<vmem>>
    %dma_wait3A_98 = tpu.memref_slice %arg2[%dma_wait3A_91, %mul3A_2] : memref<4x2048xi32, #tpu.memory_space<hbm>> -> memref<1x64xi32, #tpu.memory_space<hbm>>
    %dma_wait3A_99 = tpu.memref_squeeze %dma_wait3A_98 : memref<1x64xi32, #tpu.memory_space<hbm>> -> memref<64xi32, #tpu.memory_space<hbm>>
    tpu.wait_dma2 semaphore(%arg16 : memref<!tpu.dma_semaphore, #tpu.memory_space<semaphore_mem>>) src(%dma_wait3A_99 : memref<64xi32, #tpu.memory_space<hbm>>) dst(%dma_wait3A_97 : memref<64xi32, #tpu.memory_space<vmem>>)
    %add3A_100 = arith.constant 16 : i32
    %add3A_101 = arith.addi %mul3A_2, %add3A_100 : i32
    %dma_start3A_102 = arith.constant 0 : i32
    %dma_start3A_103 = tpu.memref_slice %arg4[%add3A_101, %dma_start3A_102] : memref<2048x1024xf32, #tpu.memory_space<hbm>> -> memref<16x1024xf32, #tpu.memory_space<hbm>>
    %dma_start3A_104 = arith.constant 0 : i32
    %dma_start3A_105 = tpu.memref_slice %arg4[%add3A_101, %dma_start3A_104] : memref<2048x1024xf32, #tpu.memory_space<hbm>> -> memref<16x1024xf32, #tpu.memory_space<hbm>>
    tpu.enqueue_dma source(%dma_start3A_105 : memref<16x1024xf32, #tpu.memory_space<hbm>>) target(%arg12 : memref<16x1024xf32, #tpu.memory_space<vmem>>) target_semaphore(%arg15 : memref<!tpu.dma_semaphore, #tpu.memory_space<semaphore_mem>>)
    %add3A_106 = arith.constant 0 : i32
    %add3A_107 = arith.addi %mul3A_2, %add3A_106 : i32
    %dma_wait3A_108 = arith.constant 0 : i32
    %dma_wait3A_109 = tpu.memref_slice %arg4[%add3A_54, %dma_wait3A_108] : memref<2048x1024xf32, #tpu.memory_space<hbm>> -> memref<16x1024xf32, #tpu.memory_space<hbm>>
    %dma_wait3A_110 = arith.constant 0 : i32
    %dma_wait3A_111 = tpu.memref_slice %arg4[%add3A_54, %dma_wait3A_110] : memref<2048x1024xf32, #tpu.memory_space<hbm>> -> memref<16x1024xf32, #tpu.memory_space<hbm>>
    tpu.wait_dma2 semaphore(%arg15 : memref<!tpu.dma_semaphore, #tpu.memory_space<semaphore_mem>>) src(%dma_wait3A_111 : memref<16x1024xf32, #tpu.memory_space<hbm>>) dst(%arg11 : memref<16x1024xf32, #tpu.memory_space<vmem>>)
    %dma_wait3A_112 = arith.constant 0 : i32
    %dma_wait3A_113 = tpu.memref_slice %arg6[%dma_wait3A_112] : memref<256xi32, #tpu.memory_space<vmem>> -> memref<16xi32, #tpu.memory_space<vmem>>
    %dma_wait3A_114 = arith.constant 0 : i32
    %dma_wait3A_115 = arith.constant 0 : i32
    %dma_wait3A_116 = tpu.memref_slice %arg3[%dma_wait3A_114, %dma_wait3A_115] : memref<100000x1024xf32, #tpu.memory_space<hbm>> -> memref<100000x1024xf32, #tpu.memory_space<hbm>>
    tpu.wait_indirect_dma semaphore(%arg13 : memref<!tpu.dma_semaphore, #tpu.memory_space<semaphore_mem>>) src(%dma_wait3A_116 : memref<100000x1024xf32, #tpu.memory_space<hbm>>) dst(%arg7 : memref<16x1024xf32, #tpu.memory_space<vmem>>)
    %parallel_loop3A = arith.constant 0 : i32
    %parallel_loop3A_117 = arith.constant 1024 : i32
    %parallel_loop3A_118 = arith.constant 1 : i32
    scf.for %parallel_loop3A_651 = %parallel_loop3A to %parallel_loop3A_117 step %parallel_loop3A_118  : i32 {
      %parallel_loop3A_652 = arith.constant 6 : i32
      %parallel_loop3A_653 = arith.shrui %parallel_loop3A_651, %parallel_loop3A_652 : i32
      %parallel_loop3A_654 = arith.constant 0 : i32
      %parallel_loop3A_655 = arith.addi %parallel_loop3A_654, %parallel_loop3A_653 : i32
      %parallel_loop3A_656 = arith.constant 63 : i32
      %parallel_loop3A_657 = arith.andi %parallel_loop3A_651, %parallel_loop3A_656 : i32
      %parallel_loop3A_658 = arith.constant 4 : i32
      %parallel_loop3A_659 = arith.shli %parallel_loop3A_657, %parallel_loop3A_658 : i32
      %parallel_loop3A_660 = tpu.assume_multiple %parallel_loop3A_659, 16 : i32
      %parallel_loop3A_661 = arith.index_cast %parallel_loop3A_655 : i32 to index
      %parallel_loop3A_662 = arith.index_cast %parallel_loop3A_660 : i32 to index
      %parallel_loop3A_663 = tpu.vector_load %arg11[%parallel_loop3A_661, %parallel_loop3A_662] {strides = array<i32>} : memref<16x1024xf32, #tpu.memory_space<vmem>>, vector<1x16xf32>,
      %parallel_loop3A_664 = vector.shape_cast %parallel_loop3A_663 : vector<1x16xf32> to vector<16xf32>
      %parallel_loop3A_665 = arith.index_cast %parallel_loop3A_655 : i32 to index
      %parallel_loop3A_666 = arith.index_cast %parallel_loop3A_660 : i32 to index
      %parallel_loop3A_667 = tpu.vector_load %arg7[%parallel_loop3A_665, %parallel_loop3A_666] {strides = array<i32>} : memref<16x1024xf32, #tpu.memory_space<vmem>>, vector<1x16xf32>,
      %parallel_loop3A_668 = vector.shape_cast %parallel_loop3A_667 : vector<1x16xf32> to vector<16xf32>
      %parallel_loop3A_669 = vector.shape_cast %parallel_loop3A_664 : vector<16xf32> to vector<1x16xf32>
      tpu.vector_store %arg7[%parallel_loop3A_665, %parallel_loop3A_666], %parallel_loop3A_669 {add = true, strides = array<i32>} : memref<16x1024xf32, #tpu.memory_space<vmem>>, vector<1x16xf32>,
    } {sc.loop_unroll_factor = 8 : i64, sc.parallel_access}
    %add3A_119 = arith.constant 0 : i32
    %add3A_120 = arith.addi %mul3A_2, %add3A_119 : i32
    %dma_start3A_121 = arith.constant 192 : i32
    %dma_start3A_122 = tpu.memref_slice %arg6[%dma_start3A_121] : memref<256xi32, #tpu.memory_space<vmem>> -> memref<16xi32, #tpu.memory_space<vmem>>
    %dma_start3A_123 = arith.constant 0 : i32
    %dma_start3A_124 = arith.constant 0 : i32
    %dma_start3A_125 = tpu.memref_slice %arg3[%dma_start3A_123, %dma_start3A_124] : memref<100000x1024xf32, #tpu.memory_space<hbm>> -> memref<100000x1024xf32, #tpu.memory_space<hbm>>
    tpu.enqueue_indirect_dma source(%dma_start3A_125 : memref<100000x1024xf32, #tpu.memory_space<hbm>>) target(%arg10 : memref<16x1024xf32, #tpu.memory_space<vmem>>) offsets(%dma_start3A_122 : memref<16xi32, #tpu.memory_space<vmem>>) semaphore(%arg13 : memref<!tpu.dma_semaphore, #tpu.memory_space<semaphore_mem>>)
    %dma_start3A_126 = arith.constant 0 : i32
    %dma_start3A_127 = arith.constant 0 : i32
    %dma_start3A_128 = tpu.memref_slice %arg5[%dma_start3A_126, %add3A_107, %dma_start3A_127] : memref<4x2048x1024xf32, #tpu.memory_space<hbm>> -> memref<1x16x1024xf32, #tpu.memory_space<hbm>>
    %dma_start3A_129 = tpu.memref_squeeze %dma_start3A_128 : memref<1x16x1024xf32, #tpu.memory_space<hbm>> -> memref<16x1024xf32, #tpu.memory_space<hbm>>
    %dma_start3A_130 = arith.constant 0 : i32
    %dma_start3A_131 = tpu.memref_slice %arg5[%dma_start3A_126, %add3A_107, %dma_start3A_130] : memref<4x2048x1024xf32, #tpu.memory_space<hbm>> -> memref<1x16x1024xf32, #tpu.memory_space<hbm>>
    %dma_start3A_132 = tpu.memref_squeeze %dma_start3A_131 : memref<1x16x1024xf32, #tpu.memory_space<hbm>> -> memref<16x1024xf32, #tpu.memory_space<hbm>>
    tpu.enqueue_dma source(%arg7 : memref<16x1024xf32, #tpu.memory_space<vmem>>) target(%dma_start3A_132 : memref<16x1024xf32, #tpu.memory_space<hbm>>) target_semaphore(%arg14 : memref<!tpu.dma_semaphore, #tpu.memory_space<semaphore_mem>>)
    %add3A_133 = arith.constant 0 : i32
    %add3A_134 = arith.addi %mul3A_2, %add3A_133 : i32
    %dma_wait3A_135 = arith.constant 64 : i32
    %dma_wait3A_136 = tpu.memref_slice %arg6[%dma_wait3A_135] : memref<256xi32, #tpu.memory_space<vmem>> -> memref<16xi32, #tpu.memory_space<vmem>>
    %dma_wait3A_137 = arith.constant 0 : i32
    %dma_wait3A_138 = arith.constant 0 : i32
    %dma_wait3A_139 = tpu.memref_slice %arg3[%dma_wait3A_137, %dma_wait3A_138] : memref<100000x1024xf32, #tpu.memory_space<hbm>> -> memref<100000x1024xf32, #tpu.memory_space<hbm>>
    tpu.wait_indirect_dma semaphore(%arg13 : memref<!tpu.dma_semaphore, #tpu.memory_space<semaphore_mem>>) src(%dma_wait3A_139 : memref<100000x1024xf32, #tpu.memory_space<hbm>>) dst(%arg8 : memref<16x1024xf32, #tpu.memory_space<vmem>>)
    %parallel_loop3A_140 = arith.constant 0 : i32
    %parallel_loop3A_141 = arith.constant 1024 : i32
    %parallel_loop3A_142 = arith.constant 1 : i32
    scf.for %parallel_loop3A_651 = %parallel_loop3A_140 to %parallel_loop3A_141 step %parallel_loop3A_142  : i32 {
      %parallel_loop3A_652 = arith.constant 6 : i32
      %parallel_loop3A_653 = arith.shrui %parallel_loop3A_651, %parallel_loop3A_652 : i32
      %parallel_loop3A_654 = arith.constant 0 : i32
      %parallel_loop3A_655 = arith.addi %parallel_loop3A_654, %parallel_loop3A_653 : i32
      %parallel_loop3A_656 = arith.constant 63 : i32
      %parallel_loop3A_657 = arith.andi %parallel_loop3A_651, %parallel_loop3A_656 : i32
      %parallel_loop3A_658 = arith.constant 4 : i32
      %parallel_loop3A_659 = arith.shli %parallel_loop3A_657, %parallel_loop3A_658 : i32
      %parallel_loop3A_660 = tpu.assume_multiple %parallel_loop3A_659, 16 : i32
      %parallel_loop3A_661 = arith.index_cast %parallel_loop3A_655 : i32 to index
      %parallel_loop3A_662 = arith.index_cast %parallel_loop3A_660 : i32 to index
      %parallel_loop3A_663 = tpu.vector_load %arg11[%parallel_loop3A_661, %parallel_loop3A_662] {strides = array<i32>} : memref<16x1024xf32, #tpu.memory_space<vmem>>, vector<1x16xf32>,
      %parallel_loop3A_664 = vector.shape_cast %parallel_loop3A_663 : vector<1x16xf32> to vector<16xf32>
      %parallel_loop3A_665 = arith.index_cast %parallel_loop3A_655 : i32 to index
      %parallel_loop3A_666 = arith.index_cast %parallel_loop3A_660 : i32 to index
      %parallel_loop3A_667 = tpu.vector_load %arg8[%parallel_loop3A_665, %parallel_loop3A_666] {strides = array<i32>} : memref<16x1024xf32, #tpu.memory_space<vmem>>, vector<1x16xf32>,
      %parallel_loop3A_668 = vector.shape_cast %parallel_loop3A_667 : vector<1x16xf32> to vector<16xf32>
      %parallel_loop3A_669 = vector.shape_cast %parallel_loop3A_664 : vector<16xf32> to vector<1x16xf32>
      tpu.vector_store %arg8[%parallel_loop3A_665, %parallel_loop3A_666], %parallel_loop3A_669 {add = true, strides = array<i32>} : memref<16x1024xf32, #tpu.memory_space<vmem>>, vector<1x16xf32>,
    } {sc.loop_unroll_factor = 8 : i64, sc.parallel_access}
    %dma_wait3A_143 = arith.constant 0 : i32
    %dma_wait3A_144 = arith.constant 0 : i32
    %dma_wait3A_145 = tpu.memref_slice %arg5[%dma_wait3A_143, %add3A_107, %dma_wait3A_144] : memref<4x2048x1024xf32, #tpu.memory_space<hbm>> -> memref<1x16x1024xf32, #tpu.memory_space<hbm>>
    %dma_wait3A_146 = tpu.memref_squeeze %dma_wait3A_145 : memref<1x16x1024xf32, #tpu.memory_space<hbm>> -> memref<16x1024xf32, #tpu.memory_space<hbm>>
    %dma_wait3A_147 = arith.constant 0 : i32
    %dma_wait3A_148 = tpu.memref_slice %arg5[%dma_wait3A_143, %add3A_107, %dma_wait3A_147] : memref<4x2048x1024xf32, #tpu.memory_space<hbm>> -> memref<1x16x1024xf32, #tpu.memory_space<hbm>>
    %dma_wait3A_149 = tpu.memref_squeeze %dma_wait3A_148 : memref<1x16x1024xf32, #tpu.memory_space<hbm>> -> memref<16x1024xf32, #tpu.memory_space<hbm>>
    tpu.wait_dma2 semaphore(%arg14 : memref<!tpu.dma_semaphore, #tpu.memory_space<semaphore_mem>>) src(%arg7 : memref<16x1024xf32, #tpu.memory_space<vmem>>) dst(%dma_wait3A_149 : memref<16x1024xf32, #tpu.memory_space<hbm>>)
    %add3A_150 = arith.constant 16 : i32
    %add3A_151 = arith.addi %mul3A_2, %add3A_150 : i32
    %dma_start3A_152 = arith.constant 16 : i32
    %dma_start3A_153 = tpu.memref_slice %arg6[%dma_start3A_152] : memref<256xi32, #tpu.memory_space<vmem>> -> memref<16xi32, #tpu.memory_space<vmem>>
    %dma_start3A_154 = arith.constant 0 : i32
    %dma_start3A_155 = arith.constant 0 : i32
    %dma_start3A_156 = tpu.memref_slice %arg3[%dma_start3A_154, %dma_start3A_155] : memref<100000x1024xf32, #tpu.memory_space<hbm>> -> memref<100000x1024xf32, #tpu.memory_space<hbm>>
    tpu.enqueue_indirect_dma source(%dma_start3A_156 : memref<100000x1024xf32, #tpu.memory_space<hbm>>) target(%arg7 : memref<16x1024xf32, #tpu.memory_space<vmem>>) offsets(%dma_start3A_153 : memref<16xi32, #tpu.memory_space<vmem>>) semaphore(%arg13 : memref<!tpu.dma_semaphore, #tpu.memory_space<semaphore_mem>>)
    %dma_start3A_157 = arith.constant 1 : i32
    %dma_start3A_158 = arith.constant 0 : i32
    %dma_start3A_159 = tpu.memref_slice %arg5[%dma_start3A_157, %add3A_134, %dma_start3A_158] : memref<4x2048x1024xf32, #tpu.memory_space<hbm>> -> memref<1x16x1024xf32, #tpu.memory_space<hbm>>
    %dma_start3A_160 = tpu.memref_squeeze %dma_start3A_159 : memref<1x16x1024xf32, #tpu.memory_space<hbm>> -> memref<16x1024xf32, #tpu.memory_space<hbm>>
    %dma_start3A_161 = arith.constant 0 : i32
    %dma_start3A_162 = tpu.memref_slice %arg5[%dma_start3A_157, %add3A_134, %dma_start3A_161] : memref<4x2048x1024xf32, #tpu.memory_space<hbm>> -> memref<1x16x1024xf32, #tpu.memory_space<hbm>>
    %dma_start3A_163 = tpu.memref_squeeze %dma_start3A_162 : memref<1x16x1024xf32, #tpu.memory_space<hbm>> -> memref<16x1024xf32, #tpu.memory_space<hbm>>
    tpu.enqueue_dma source(%arg8 : memref<16x1024xf32, #tpu.memory_space<vmem>>) target(%dma_start3A_163 : memref<16x1024xf32, #tpu.memory_space<hbm>>) target_semaphore(%arg14 : memref<!tpu.dma_semaphore, #tpu.memory_space<semaphore_mem>>)
    %add3A_164 = arith.constant 0 : i32
    %add3A_165 = arith.addi %mul3A_2, %add3A_164 : i32
    %dma_wait3A_166 = arith.constant 128 : i32
    %dma_wait3A_167 = tpu.memref_slice %arg6[%dma_wait3A_166] : memref<256xi32, #tpu.memory_space<vmem>> -> memref<16xi32, #tpu.memory_space<vmem>>
    %dma_wait3A_168 = arith.constant 0 : i32
    %dma_wait3A_169 = arith.constant 0 : i32
    %dma_wait3A_170 = tpu.memref_slice %arg3[%dma_wait3A_168, %dma_wait3A_169] : memref<100000x1024xf32, #tpu.memory_space<hbm>> -> memref<100000x1024xf32, #tpu.memory_space<hbm>>
    tpu.wait_indirect_dma semaphore(%arg13 : memref<!tpu.dma_semaphore, #tpu.memory_space<semaphore_mem>>) src(%dma_wait3A_170 : memref<100000x1024xf32, #tpu.memory_space<hbm>>) dst(%arg9 : memref<16x1024xf32, #tpu.memory_space<vmem>>)
    %parallel_loop3A_171 = arith.constant 0 : i32
    %parallel_loop3A_172 = arith.constant 1024 : i32
    %parallel_loop3A_173 = arith.constant 1 : i32
    scf.for %parallel_loop3A_651 = %parallel_loop3A_171 to %parallel_loop3A_172 step %parallel_loop3A_173  : i32 {
      %parallel_loop3A_652 = arith.constant 6 : i32
      %parallel_loop3A_653 = arith.shrui %parallel_loop3A_651, %parallel_loop3A_652 : i32
      %parallel_loop3A_654 = arith.constant 0 : i32
      %parallel_loop3A_655 = arith.addi %parallel_loop3A_654, %parallel_loop3A_653 : i32
      %parallel_loop3A_656 = arith.constant 63 : i32
      %parallel_loop3A_657 = arith.andi %parallel_loop3A_651, %parallel_loop3A_656 : i32
      %parallel_loop3A_658 = arith.constant 4 : i32
      %parallel_loop3A_659 = arith.shli %parallel_loop3A_657, %parallel_loop3A_658 : i32
      %parallel_loop3A_660 = tpu.assume_multiple %parallel_loop3A_659, 16 : i32
      %parallel_loop3A_661 = arith.index_cast %parallel_loop3A_655 : i32 to index
      %parallel_loop3A_662 = arith.index_cast %parallel_loop3A_660 : i32 to index
      %parallel_loop3A_663 = tpu.vector_load %arg11[%parallel_loop3A_661, %parallel_loop3A_662] {strides = array<i32>} : memref<16x1024xf32, #tpu.memory_space<vmem>>, vector<1x16xf32>,
      %parallel_loop3A_664 = vector.shape_cast %parallel_loop3A_663 : vector<1x16xf32> to vector<16xf32>
      %parallel_loop3A_665 = arith.index_cast %parallel_loop3A_655 : i32 to index
      %parallel_loop3A_666 = arith.index_cast %parallel_loop3A_660 : i32 to index
      %parallel_loop3A_667 = tpu.vector_load %arg9[%parallel_loop3A_665, %parallel_loop3A_666] {strides = array<i32>} : memref<16x1024xf32, #tpu.memory_space<vmem>>, vector<1x16xf32>,
      %parallel_loop3A_668 = vector.shape_cast %parallel_loop3A_667 : vector<1x16xf32> to vector<16xf32>
      %parallel_loop3A_669 = vector.shape_cast %parallel_loop3A_664 : vector<16xf32> to vector<1x16xf32>
      tpu.vector_store %arg9[%parallel_loop3A_665, %parallel_loop3A_666], %parallel_loop3A_669 {add = true, strides = array<i32>} : memref<16x1024xf32, #tpu.memory_space<vmem>>, vector<1x16xf32>,
    } {sc.loop_unroll_factor = 8 : i64, sc.parallel_access}
    %dma_wait3A_174 = arith.constant 1 : i32
    %dma_wait3A_175 = arith.constant 0 : i32
    %dma_wait3A_176 = tpu.memref_slice %arg5[%dma_wait3A_174, %add3A_134, %dma_wait3A_175] : memref<4x2048x1024xf32, #tpu.memory_space<hbm>> -> memref<1x16x1024xf32, #tpu.memory_space<hbm>>
    %dma_wait3A_177 = tpu.memref_squeeze %dma_wait3A_176 : memref<1x16x1024xf32, #tpu.memory_space<hbm>> -> memref<16x1024xf32, #tpu.memory_space<hbm>>
    %dma_wait3A_178 = arith.constant 0 : i32
    %dma_wait3A_179 = tpu.memref_slice %arg5[%dma_wait3A_174, %add3A_134, %dma_wait3A_178] : memref<4x2048x1024xf32, #tpu.memory_space<hbm>> -> memref<1x16x1024xf32, #tpu.memory_space<hbm>>
    %dma_wait3A_180 = tpu.memref_squeeze %dma_wait3A_179 : memref<1x16x1024xf32, #tpu.memory_space<hbm>> -> memref<16x1024xf32, #tpu.memory_space<hbm>>
    tpu.wait_dma2 semaphore(%arg14 : memref<!tpu.dma_semaphore, #tpu.memory_space<semaphore_mem>>) src(%arg8 : memref<16x1024xf32, #tpu.memory_space<vmem>>) dst(%dma_wait3A_180 : memref<16x1024xf32, #tpu.memory_space<hbm>>)
    %add3A_181 = arith.constant 16 : i32
    %add3A_182 = arith.addi %mul3A_2, %add3A_181 : i32
    %dma_start3A_183 = arith.constant 80 : i32
    %dma_start3A_184 = tpu.memref_slice %arg6[%dma_start3A_183] : memref<256xi32, #tpu.memory_space<vmem>> -> memref<16xi32, #tpu.memory_space<vmem>>
    %dma_start3A_185 = arith.constant 0 : i32
    %dma_start3A_186 = arith.constant 0 : i32
    %dma_start3A_187 = tpu.memref_slice %arg3[%dma_start3A_185, %dma_start3A_186] : memref<100000x1024xf32, #tpu.memory_space<hbm>> -> memref<100000x1024xf32, #tpu.memory_space<hbm>>
    tpu.enqueue_indirect_dma source(%dma_start3A_187 : memref<100000x1024xf32, #tpu.memory_space<hbm>>) target(%arg8 : memref<16x1024xf32, #tpu.memory_space<vmem>>) offsets(%dma_start3A_184 : memref<16xi32, #tpu.memory_space<vmem>>) semaphore(%arg13 : memref<!tpu.dma_semaphore, #tpu.memory_space<semaphore_mem>>)
    %dma_start3A_188 = arith.constant 2 : i32
    %dma_start3A_189 = arith.constant 0 : i32
    %dma_start3A_190 = tpu.memref_slice %arg5[%dma_start3A_188, %add3A_165, %dma_start3A_189] : memref<4x2048x1024xf32, #tpu.memory_space<hbm>> -> memref<1x16x1024xf32, #tpu.memory_space<hbm>>
    %dma_start3A_191 = tpu.memref_squeeze %dma_start3A_190 : memref<1x16x1024xf32, #tpu.memory_space<hbm>> -> memref<16x1024xf32, #tpu.memory_space<hbm>>
    %dma_start3A_192 = arith.constant 0 : i32
    %dma_start3A_193 = tpu.memref_slice %arg5[%dma_start3A_188, %add3A_165, %dma_start3A_192] : memref<4x2048x1024xf32, #tpu.memory_space<hbm>> -> memref<1x16x1024xf32, #tpu.memory_space<hbm>>
    %dma_start3A_194 = tpu.memref_squeeze %dma_start3A_193 : memref<1x16x1024xf32, #tpu.memory_space<hbm>> -> memref<16x1024xf32, #tpu.memory_space<hbm>>
    tpu.enqueue_dma source(%arg9 : memref<16x1024xf32, #tpu.memory_space<vmem>>) target(%dma_start3A_194 : memref<16x1024xf32, #tpu.memory_space<hbm>>) target_semaphore(%arg14 : memref<!tpu.dma_semaphore, #tpu.memory_space<semaphore_mem>>)
    %add3A_195 = arith.constant 0 : i32
    %add3A_196 = arith.addi %mul3A_2, %add3A_195 : i32
    %dma_wait3A_197 = arith.constant 192 : i32
    %dma_wait3A_198 = tpu.memref_slice %arg6[%dma_wait3A_197] : memref<256xi32, #tpu.memory_space<vmem>> -> memref<16xi32, #tpu.memory_space<vmem>>
    %dma_wait3A_199 = arith.constant 0 : i32
    %dma_wait3A_200 = arith.constant 0 : i32
    %dma_wait3A_201 = tpu.memref_slice %arg3[%dma_wait3A_199, %dma_wait3A_200] : memref<100000x1024xf32, #tpu.memory_space<hbm>> -> memref<100000x1024xf32, #tpu.memory_space<hbm>>
    tpu.wait_indirect_dma semaphore(%arg13 : memref<!tpu.dma_semaphore, #tpu.memory_space<semaphore_mem>>) src(%dma_wait3A_201 : memref<100000x1024xf32, #tpu.memory_space<hbm>>) dst(%arg10 : memref<16x1024xf32, #tpu.memory_space<vmem>>)
    %parallel_loop3A_202 = arith.constant 0 : i32
    %parallel_loop3A_203 = arith.constant 1024 : i32
    %parallel_loop3A_204 = arith.constant 1 : i32
    scf.for %parallel_loop3A_651 = %parallel_loop3A_202 to %parallel_loop3A_203 step %parallel_loop3A_204  : i32 {
      %parallel_loop3A_652 = arith.constant 6 : i32
      %parallel_loop3A_653 = arith.shrui %parallel_loop3A_651, %parallel_loop3A_652 : i32
      %parallel_loop3A_654 = arith.constant 0 : i32
      %parallel_loop3A_655 = arith.addi %parallel_loop3A_654, %parallel_loop3A_653 : i32
      %parallel_loop3A_656 = arith.constant 63 : i32
      %parallel_loop3A_657 = arith.andi %parallel_loop3A_651, %parallel_loop3A_656 : i32
      %parallel_loop3A_658 = arith.constant 4 : i32
      %parallel_loop3A_659 = arith.shli %parallel_loop3A_657, %parallel_loop3A_658 : i32
      %parallel_loop3A_660 = tpu.assume_multiple %parallel_loop3A_659, 16 : i32
      %parallel_loop3A_661 = arith.index_cast %parallel_loop3A_655 : i32 to index
      %parallel_loop3A_662 = arith.index_cast %parallel_loop3A_660 : i32 to index
      %parallel_loop3A_663 = tpu.vector_load %arg11[%parallel_loop3A_661, %parallel_loop3A_662] {strides = array<i32>} : memref<16x1024xf32, #tpu.memory_space<vmem>>, vector<1x16xf32>,
      %parallel_loop3A_664 = vector.shape_cast %parallel_loop3A_663 : vector<1x16xf32> to vector<16xf32>
      %parallel_loop3A_665 = arith.index_cast %parallel_loop3A_655 : i32 to index
      %parallel_loop3A_666 = arith.index_cast %parallel_loop3A_660 : i32 to index
      %parallel_loop3A_667 = tpu.vector_load %arg10[%parallel_loop3A_665, %parallel_loop3A_666] {strides = array<i32>} : memref<16x1024xf32, #tpu.memory_space<vmem>>, vector<1x16xf32>,
      %parallel_loop3A_668 = vector.shape_cast %parallel_loop3A_667 : vector<1x16xf32> to vector<16xf32>
      %parallel_loop3A_669 = vector.shape_cast %parallel_loop3A_664 : vector<16xf32> to vector<1x16xf32>
      tpu.vector_store %arg10[%parallel_loop3A_665, %parallel_loop3A_666], %parallel_loop3A_669 {add = true, strides = array<i32>} : memref<16x1024xf32, #tpu.memory_space<vmem>>, vector<1x16xf32>,
    } {sc.loop_unroll_factor = 8 : i64, sc.parallel_access}
    %add3A_205 = arith.constant 32 : i32
    %add3A_206 = arith.addi %mul3A_2, %add3A_205 : i32
    %dma_start3A_207 = arith.constant 0 : i32
    %dma_start3A_208 = tpu.memref_slice %arg4[%add3A_206, %dma_start3A_207] : memref<2048x1024xf32, #tpu.memory_space<hbm>> -> memref<16x1024xf32, #tpu.memory_space<hbm>>
    %dma_start3A_209 = arith.constant 0 : i32
    %dma_start3A_210 = tpu.memref_slice %arg4[%add3A_206, %dma_start3A_209] : memref<2048x1024xf32, #tpu.memory_space<hbm>> -> memref<16x1024xf32, #tpu.memory_space<hbm>>
    tpu.enqueue_dma source(%dma_start3A_210 : memref<16x1024xf32, #tpu.memory_space<hbm>>) target(%arg11 : memref<16x1024xf32, #tpu.memory_space<vmem>>) target_semaphore(%arg15 : memref<!tpu.dma_semaphore, #tpu.memory_space<semaphore_mem>>)
    %dma_wait3A_211 = arith.constant 2 : i32
    %dma_wait3A_212 = arith.constant 0 : i32
    %dma_wait3A_213 = tpu.memref_slice %arg5[%dma_wait3A_211, %add3A_165, %dma_wait3A_212] : memref<4x2048x1024xf32, #tpu.memory_space<hbm>> -> memref<1x16x1024xf32, #tpu.memory_space<hbm>>
    %dma_wait3A_214 = tpu.memref_squeeze %dma_wait3A_213 : memref<1x16x1024xf32, #tpu.memory_space<hbm>> -> memref<16x1024xf32, #tpu.memory_space<hbm>>
    %dma_wait3A_215 = arith.constant 0 : i32
    %dma_wait3A_216 = tpu.memref_slice %arg5[%dma_wait3A_211, %add3A_165, %dma_wait3A_215] : memref<4x2048x1024xf32, #tpu.memory_space<hbm>> -> memref<1x16x1024xf32, #tpu.memory_space<hbm>>
    %dma_wait3A_217 = tpu.memref_squeeze %dma_wait3A_216 : memref<1x16x1024xf32, #tpu.memory_space<hbm>> -> memref<16x1024xf32, #tpu.memory_space<hbm>>
    tpu.wait_dma2 semaphore(%arg14 : memref<!tpu.dma_semaphore, #tpu.memory_space<semaphore_mem>>) src(%arg9 : memref<16x1024xf32, #tpu.memory_space<vmem>>) dst(%dma_wait3A_217 : memref<16x1024xf32, #tpu.memory_space<hbm>>)
    %add3A_218 = arith.constant 16 : i32
    %add3A_219 = arith.addi %mul3A_2, %add3A_218 : i32
    %dma_start3A_220 = arith.constant 144 : i32
    %dma_start3A_221 = tpu.memref_slice %arg6[%dma_start3A_220] : memref<256xi32, #tpu.memory_space<vmem>> -> memref<16xi32, #tpu.memory_space<vmem>>
    %dma_start3A_222 = arith.constant 0 : i32
    %dma_start3A_223 = arith.constant 0 : i32
    %dma_start3A_224 = tpu.memref_slice %arg3[%dma_start3A_222, %dma_start3A_223] : memref<100000x1024xf32, #tpu.memory_space<hbm>> -> memref<100000x1024xf32, #tpu.memory_space<hbm>>
    tpu.enqueue_indirect_dma source(%dma_start3A_224 : memref<100000x1024xf32, #tpu.memory_space<hbm>>) target(%arg9 : memref<16x1024xf32, #tpu.memory_space<vmem>>) offsets(%dma_start3A_221 : memref<16xi32, #tpu.memory_space<vmem>>) semaphore(%arg13 : memref<!tpu.dma_semaphore, #tpu.memory_space<semaphore_mem>>)
    %dma_start3A_225 = arith.constant 3 : i32
    %dma_start3A_226 = arith.constant 0 : i32
    %dma_start3A_227 = tpu.memref_slice %arg5[%dma_start3A_225, %add3A_196, %dma_start3A_226] : memref<4x2048x1024xf32, #tpu.memory_space<hbm>> -> memref<1x16x1024xf32, #tpu.memory_space<hbm>>
    %dma_start3A_228 = tpu.memref_squeeze %dma_start3A_227 : memref<1x16x1024xf32, #tpu.memory_space<hbm>> -> memref<16x1024xf32, #tpu.memory_space<hbm>>
    %dma_start3A_229 = arith.constant 0 : i32
    %dma_start3A_230 = tpu.memref_slice %arg5[%dma_start3A_225, %add3A_196, %dma_start3A_229] : memref<4x2048x1024xf32, #tpu.memory_space<hbm>> -> memref<1x16x1024xf32, #tpu.memory_space<hbm>>
    %dma_start3A_231 = tpu.memref_squeeze %dma_start3A_230 : memref<1x16x1024xf32, #tpu.memory_space<hbm>> -> memref<16x1024xf32, #tpu.memory_space<hbm>>
    tpu.enqueue_dma source(%arg10 : memref<16x1024xf32, #tpu.memory_space<vmem>>) target(%dma_start3A_231 : memref<16x1024xf32, #tpu.memory_space<hbm>>) target_semaphore(%arg14 : memref<!tpu.dma_semaphore, #tpu.memory_space<semaphore_mem>>)
    %add3A_232 = arith.constant 16 : i32
    %add3A_233 = arith.addi %mul3A_2, %add3A_232 : i32
    %dma_wait3A_234 = arith.constant 0 : i32
    %dma_wait3A_235 = tpu.memref_slice %arg4[%add3A_101, %dma_wait3A_234] : memref<2048x1024xf32, #tpu.memory_space<hbm>> -> memref<16x1024xf32, #tpu.memory_space<hbm>>
    %dma_wait3A_236 = arith.constant 0 : i32
    %dma_wait3A_237 = tpu.memref_slice %arg4[%add3A_101, %dma_wait3A_236] : memref<2048x1024xf32, #tpu.memory_space<hbm>> -> memref<16x1024xf32, #tpu.memory_space<hbm>>
    tpu.wait_dma2 semaphore(%arg15 : memref<!tpu.dma_semaphore, #tpu.memory_space<semaphore_mem>>) src(%dma_wait3A_237 : memref<16x1024xf32, #tpu.memory_space<hbm>>) dst(%arg12 : memref<16x1024xf32, #tpu.memory_space<vmem>>)
    %dma_wait3A_238 = arith.constant 16 : i32
    %dma_wait3A_239 = tpu.memref_slice %arg6[%dma_wait3A_238] : memref<256xi32, #tpu.memory_space<vmem>> -> memref<16xi32, #tpu.memory_space<vmem>>
    %dma_wait3A_240 = arith.constant 0 : i32
    %dma_wait3A_241 = arith.constant 0 : i32
    %dma_wait3A_242 = tpu.memref_slice %arg3[%dma_wait3A_240, %dma_wait3A_241] : memref<100000x1024xf32, #tpu.memory_space<hbm>> -> memref<100000x1024xf32, #tpu.memory_space<hbm>>
    tpu.wait_indirect_dma semaphore(%arg13 : memref<!tpu.dma_semaphore, #tpu.memory_space<semaphore_mem>>) src(%dma_wait3A_242 : memref<100000x1024xf32, #tpu.memory_space<hbm>>) dst(%arg7 : memref<16x1024xf32, #tpu.memory_space<vmem>>)
    %parallel_loop3A_243 = arith.constant 0 : i32
    %parallel_loop3A_244 = arith.constant 1024 : i32
    %parallel_loop3A_245 = arith.constant 1 : i32
    scf.for %parallel_loop3A_651 = %parallel_loop3A_243 to %parallel_loop3A_244 step %parallel_loop3A_245  : i32 {
      %parallel_loop3A_652 = arith.constant 6 : i32
      %parallel_loop3A_653 = arith.shrui %parallel_loop3A_651, %parallel_loop3A_652 : i32
      %parallel_loop3A_654 = arith.constant 0 : i32
      %parallel_loop3A_655 = arith.addi %parallel_loop3A_654, %parallel_loop3A_653 : i32
      %parallel_loop3A_656 = arith.constant 63 : i32
      %parallel_loop3A_657 = arith.andi %parallel_loop3A_651, %parallel_loop3A_656 : i32
      %parallel_loop3A_658 = arith.constant 4 : i32
      %parallel_loop3A_659 = arith.shli %parallel_loop3A_657, %parallel_loop3A_658 : i32
      %parallel_loop3A_660 = tpu.assume_multiple %parallel_loop3A_659, 16 : i32
      %parallel_loop3A_661 = arith.index_cast %parallel_loop3A_655 : i32 to index
      %parallel_loop3A_662 = arith.index_cast %parallel_loop3A_660 : i32 to index
      %parallel_loop3A_663 = tpu.vector_load %arg12[%parallel_loop3A_661, %parallel_loop3A_662] {strides = array<i32>} : memref<16x1024xf32, #tpu.memory_space<vmem>>, vector<1x16xf32>,
      %parallel_loop3A_664 = vector.shape_cast %parallel_loop3A_663 : vector<1x16xf32> to vector<16xf32>
      %parallel_loop3A_665 = arith.index_cast %parallel_loop3A_655 : i32 to index
      %parallel_loop3A_666 = arith.index_cast %parallel_loop3A_660 : i32 to index
      %parallel_loop3A_667 = tpu.vector_load %arg7[%parallel_loop3A_665, %parallel_loop3A_666] {strides = array<i32>} : memref<16x1024xf32, #tpu.memory_space<vmem>>, vector<1x16xf32>,
      %parallel_loop3A_668 = vector.shape_cast %parallel_loop3A_667 : vector<1x16xf32> to vector<16xf32>
      %parallel_loop3A_669 = vector.shape_cast %parallel_loop3A_664 : vector<16xf32> to vector<1x16xf32>
      tpu.vector_store %arg7[%parallel_loop3A_665, %parallel_loop3A_666], %parallel_loop3A_669 {add = true, strides = array<i32>} : memref<16x1024xf32, #tpu.memory_space<vmem>>, vector<1x16xf32>,
    } {sc.loop_unroll_factor = 8 : i64, sc.parallel_access}
    %dma_wait3A_246 = arith.constant 3 : i32
    %dma_wait3A_247 = arith.constant 0 : i32
    %dma_wait3A_248 = tpu.memref_slice %arg5[%dma_wait3A_246, %add3A_196, %dma_wait3A_247] : memref<4x2048x1024xf32, #tpu.memory_space<hbm>> -> memref<1x16x1024xf32, #tpu.memory_space<hbm>>
    %dma_wait3A_249 = tpu.memref_squeeze %dma_wait3A_248 : memref<1x16x1024xf32, #tpu.memory_space<hbm>> -> memref<16x1024xf32, #tpu.memory_space<hbm>>
    %dma_wait3A_250 = arith.constant 0 : i32
    %dma_wait3A_251 = tpu.memref_slice %arg5[%dma_wait3A_246, %add3A_196, %dma_wait3A_250] : memref<4x2048x1024xf32, #tpu.memory_space<hbm>> -> memref<1x16x1024xf32, #tpu.memory_space<hbm>>
    %dma_wait3A_252 = tpu.memref_squeeze %dma_wait3A_251 : memref<1x16x1024xf32, #tpu.memory_space<hbm>> -> memref<16x1024xf32, #tpu.memory_space<hbm>>
    tpu.wait_dma2 semaphore(%arg14 : memref<!tpu.dma_semaphore, #tpu.memory_space<semaphore_mem>>) src(%arg10 : memref<16x1024xf32, #tpu.memory_space<vmem>>) dst(%dma_wait3A_252 : memref<16x1024xf32, #tpu.memory_space<hbm>>)
    %add3A_253 = arith.constant 16 : i32
    %add3A_254 = arith.addi %mul3A_2, %add3A_253 : i32
    %dma_start3A_255 = arith.constant 208 : i32
    %dma_start3A_256 = tpu.memref_slice %arg6[%dma_start3A_255] : memref<256xi32, #tpu.memory_space<vmem>> -> memref<16xi32, #tpu.memory_space<vmem>>
    %dma_start3A_257 = arith.constant 0 : i32
    %dma_start3A_258 = arith.constant 0 : i32
    %dma_start3A_259 = tpu.memref_slice %arg3[%dma_start3A_257, %dma_start3A_258] : memref<100000x1024xf32, #tpu.memory_space<hbm>> -> memref<100000x1024xf32, #tpu.memory_space<hbm>>
    tpu.enqueue_indirect_dma source(%dma_start3A_259 : memref<100000x1024xf32, #tpu.memory_space<hbm>>) target(%arg10 : memref<16x1024xf32, #tpu.memory_space<vmem>>) offsets(%dma_start3A_256 : memref<16xi32, #tpu.memory_space<vmem>>) semaphore(%arg13 : memref<!tpu.dma_semaphore, #tpu.memory_space<semaphore_mem>>)
    %dma_start3A_260 = arith.constant 0 : i32
    %dma_start3A_261 = arith.constant 0 : i32
    %dma_start3A_262 = tpu.memref_slice %arg5[%dma_start3A_260, %add3A_233, %dma_start3A_261] : memref<4x2048x1024xf32, #tpu.memory_space<hbm>> -> memref<1x16x1024xf32, #tpu.memory_space<hbm>>
    %dma_start3A_263 = tpu.memref_squeeze %dma_start3A_262 : memref<1x16x1024xf32, #tpu.memory_space<hbm>> -> memref<16x1024xf32, #tpu.memory_space<hbm>>
    %dma_start3A_264 = arith.constant 0 : i32
    %dma_start3A_265 = tpu.memref_slice %arg5[%dma_start3A_260, %add3A_233, %dma_start3A_264] : memref<4x2048x1024xf32, #tpu.memory_space<hbm>> -> memref<1x16x1024xf32, #tpu.memory_space<hbm>>
    %dma_start3A_266 = tpu.memref_squeeze %dma_start3A_265 : memref<1x16x1024xf32, #tpu.memory_space<hbm>> -> memref<16x1024xf32, #tpu.memory_space<hbm>>
    tpu.enqueue_dma source(%arg7 : memref<16x1024xf32, #tpu.memory_space<vmem>>) target(%dma_start3A_266 : memref<16x1024xf32, #tpu.memory_space<hbm>>) target_semaphore(%arg14 : memref<!tpu.dma_semaphore, #tpu.memory_space<semaphore_mem>>)
    %add3A_267 = arith.constant 16 : i32
    %add3A_268 = arith.addi %mul3A_2, %add3A_267 : i32
    %dma_wait3A_269 = arith.constant 80 : i32
    %dma_wait3A_270 = tpu.memref_slice %arg6[%dma_wait3A_269] : memref<256xi32, #tpu.memory_space<vmem>> -> memref<16xi32, #tpu.memory_space<vmem>>
    %dma_wait3A_271 = arith.constant 0 : i32
    %dma_wait3A_272 = arith.constant 0 : i32
    %dma_wait3A_273 = tpu.memref_slice %arg3[%dma_wait3A_271, %dma_wait3A_272] : memref<100000x1024xf32, #tpu.memory_space<hbm>> -> memref<100000x1024xf32, #tpu.memory_space<hbm>>
    tpu.wait_indirect_dma semaphore(%arg13 : memref<!tpu.dma_semaphore, #tpu.memory_space<semaphore_mem>>) src(%dma_wait3A_273 : memref<100000x1024xf32, #tpu.memory_space<hbm>>) dst(%arg8 : memref<16x1024xf32, #tpu.memory_space<vmem>>)
    %parallel_loop3A_274 = arith.constant 0 : i32
    %parallel_loop3A_275 = arith.constant 1024 : i32
    %parallel_loop3A_276 = arith.constant 1 : i32
    scf.for %parallel_loop3A_651 = %parallel_loop3A_274 to %parallel_loop3A_275 step %parallel_loop3A_276  : i32 {
      %parallel_loop3A_652 = arith.constant 6 : i32
      %parallel_loop3A_653 = arith.shrui %parallel_loop3A_651, %parallel_loop3A_652 : i32
      %parallel_loop3A_654 = arith.constant 0 : i32
      %parallel_loop3A_655 = arith.addi %parallel_loop3A_654, %parallel_loop3A_653 : i32
      %parallel_loop3A_656 = arith.constant 63 : i32
      %parallel_loop3A_657 = arith.andi %parallel_loop3A_651, %parallel_loop3A_656 : i32
      %parallel_loop3A_658 = arith.constant 4 : i32
      %parallel_loop3A_659 = arith.shli %parallel_loop3A_657, %parallel_loop3A_658 : i32
      %parallel_loop3A_660 = tpu.assume_multiple %parallel_loop3A_659, 16 : i32
      %parallel_loop3A_661 = arith.index_cast %parallel_loop3A_655 : i32 to index
      %parallel_loop3A_662 = arith.index_cast %parallel_loop3A_660 : i32 to index
      %parallel_loop3A_663 = tpu.vector_load %arg12[%parallel_loop3A_661, %parallel_loop3A_662] {strides = array<i32>} : memref<16x1024xf32, #tpu.memory_space<vmem>>, vector<1x16xf32>,
      %parallel_loop3A_664 = vector.shape_cast %parallel_loop3A_663 : vector<1x16xf32> to vector<16xf32>
      %parallel_loop3A_665 = arith.index_cast %parallel_loop3A_655 : i32 to index
      %parallel_loop3A_666 = arith.index_cast %parallel_loop3A_660 : i32 to index
      %parallel_loop3A_667 = tpu.vector_load %arg8[%parallel_loop3A_665, %parallel_loop3A_666] {strides = array<i32>} : memref<16x1024xf32, #tpu.memory_space<vmem>>, vector<1x16xf32>,
      %parallel_loop3A_668 = vector.shape_cast %parallel_loop3A_667 : vector<1x16xf32> to vector<16xf32>
      %parallel_loop3A_669 = vector.shape_cast %parallel_loop3A_664 : vector<16xf32> to vector<1x16xf32>
      tpu.vector_store %arg8[%parallel_loop3A_665, %parallel_loop3A_666], %parallel_loop3A_669 {add = true, strides = array<i32>} : memref<16x1024xf32, #tpu.memory_space<vmem>>, vector<1x16xf32>,
    } {sc.loop_unroll_factor = 8 : i64, sc.parallel_access}
    %dma_wait3A_277 = arith.constant 0 : i32
    %dma_wait3A_278 = arith.constant 0 : i32
    %dma_wait3A_279 = tpu.memref_slice %arg5[%dma_wait3A_277, %add3A_233, %dma_wait3A_278] : memref<4x2048x1024xf32, #tpu.memory_space<hbm>> -> memref<1x16x1024xf32, #tpu.memory_space<hbm>>
    %dma_wait3A_280 = tpu.memref_squeeze %dma_wait3A_279 : memref<1x16x1024xf32, #tpu.memory_space<hbm>> -> memref<16x1024xf32, #tpu.memory_space<hbm>>
    %dma_wait3A_281 = arith.constant 0 : i32
    %dma_wait3A_282 = tpu.memref_slice %arg5[%dma_wait3A_277, %add3A_233, %dma_wait3A_281] : memref<4x2048x1024xf32, #tpu.memory_space<hbm>> -> memref<1x16x1024xf32, #tpu.memory_space<hbm>>
    %dma_wait3A_283 = tpu.memref_squeeze %dma_wait3A_282 : memref<1x16x1024xf32, #tpu.memory_space<hbm>> -> memref<16x1024xf32, #tpu.memory_space<hbm>>
    tpu.wait_dma2 semaphore(%arg14 : memref<!tpu.dma_semaphore, #tpu.memory_space<semaphore_mem>>) src(%arg7 : memref<16x1024xf32, #tpu.memory_space<vmem>>) dst(%dma_wait3A_283 : memref<16x1024xf32, #tpu.memory_space<hbm>>)
    %add3A_284 = arith.constant 32 : i32
    %add3A_285 = arith.addi %mul3A_2, %add3A_284 : i32
    %dma_start3A_286 = arith.constant 32 : i32
    %dma_start3A_287 = tpu.memref_slice %arg6[%dma_start3A_286] : memref<256xi32, #tpu.memory_space<vmem>> -> memref<16xi32, #tpu.memory_space<vmem>>
    %dma_start3A_288 = arith.constant 0 : i32
    %dma_start3A_289 = arith.constant 0 : i32
    %dma_start3A_290 = tpu.memref_slice %arg3[%dma_start3A_288, %dma_start3A_289] : memref<100000x1024xf32, #tpu.memory_space<hbm>> -> memref<100000x1024xf32, #tpu.memory_space<hbm>>
    tpu.enqueue_indirect_dma source(%dma_start3A_290 : memref<100000x1024xf32, #tpu.memory_space<hbm>>) target(%arg7 : memref<16x1024xf32, #tpu.memory_space<vmem>>) offsets(%dma_start3A_287 : memref<16xi32, #tpu.memory_space<vmem>>) semaphore(%arg13 : memref<!tpu.dma_semaphore, #tpu.memory_space<semaphore_mem>>)
    %dma_start3A_291 = arith.constant 1 : i32
    %dma_start3A_292 = arith.constant 0 : i32
    %dma_start3A_293 = tpu.memref_slice %arg5[%dma_start3A_291, %add3A_268, %dma_start3A_292] : memref<4x2048x1024xf32, #tpu.memory_space<hbm>> -> memref<1x16x1024xf32, #tpu.memory_space<hbm>>
    %dma_start3A_294 = tpu.memref_squeeze %dma_start3A_293 : memref<1x16x1024xf32, #tpu.memory_space<hbm>> -> memref<16x1024xf32, #tpu.memory_space<hbm>>
    %dma_start3A_295 = arith.constant 0 : i32
    %dma_start3A_296 = tpu.memref_slice %arg5[%dma_start3A_291, %add3A_268, %dma_start3A_295] : memref<4x2048x1024xf32, #tpu.memory_space<hbm>> -> memref<1x16x1024xf32, #tpu.memory_space<hbm>>
    %dma_start3A_297 = tpu.memref_squeeze %dma_start3A_296 : memref<1x16x1024xf32, #tpu.memory_space<hbm>> -> memref<16x1024xf32, #tpu.memory_space<hbm>>
    tpu.enqueue_dma source(%arg8 : memref<16x1024xf32, #tpu.memory_space<vmem>>) target(%dma_start3A_297 : memref<16x1024xf32, #tpu.memory_space<hbm>>) target_semaphore(%arg14 : memref<!tpu.dma_semaphore, #tpu.memory_space<semaphore_mem>>)
    %add3A_298 = arith.constant 16 : i32
    %add3A_299 = arith.addi %mul3A_2, %add3A_298 : i32
    %dma_wait3A_300 = arith.constant 144 : i32
    %dma_wait3A_301 = tpu.memref_slice %arg6[%dma_wait3A_300] : memref<256xi32, #tpu.memory_space<vmem>> -> memref<16xi32, #tpu.memory_space<vmem>>
    %dma_wait3A_302 = arith.constant 0 : i32
    %dma_wait3A_303 = arith.constant 0 : i32
    %dma_wait3A_304 = tpu.memref_slice %arg3[%dma_wait3A_302, %dma_wait3A_303] : memref<100000x1024xf32, #tpu.memory_space<hbm>> -> memref<100000x1024xf32, #tpu.memory_space<hbm>>
    tpu.wait_indirect_dma semaphore(%arg13 : memref<!tpu.dma_semaphore, #tpu.memory_space<semaphore_mem>>) src(%dma_wait3A_304 : memref<100000x1024xf32, #tpu.memory_space<hbm>>) dst(%arg9 : memref<16x1024xf32, #tpu.memory_space<vmem>>)
    %parallel_loop3A_305 = arith.constant 0 : i32
    %parallel_loop3A_306 = arith.constant 1024 : i32
    %parallel_loop3A_307 = arith.constant 1 : i32
    scf.for %parallel_loop3A_651 = %parallel_loop3A_305 to %parallel_loop3A_306 step %parallel_loop3A_307  : i32 {
      %parallel_loop3A_652 = arith.constant 6 : i32
      %parallel_loop3A_653 = arith.shrui %parallel_loop3A_651, %parallel_loop3A_652 : i32
      %parallel_loop3A_654 = arith.constant 0 : i32
      %parallel_loop3A_655 = arith.addi %parallel_loop3A_654, %parallel_loop3A_653 : i32
      %parallel_loop3A_656 = arith.constant 63 : i32
      %parallel_loop3A_657 = arith.andi %parallel_loop3A_651, %parallel_loop3A_656 : i32
      %parallel_loop3A_658 = arith.constant 4 : i32
      %parallel_loop3A_659 = arith.shli %parallel_loop3A_657, %parallel_loop3A_658 : i32
      %parallel_loop3A_660 = tpu.assume_multiple %parallel_loop3A_659, 16 : i32
      %parallel_loop3A_661 = arith.index_cast %parallel_loop3A_655 : i32 to index
      %parallel_loop3A_662 = arith.index_cast %parallel_loop3A_660 : i32 to index
      %parallel_loop3A_663 = tpu.vector_load %arg12[%parallel_loop3A_661, %parallel_loop3A_662] {strides = array<i32>} : memref<16x1024xf32, #tpu.memory_space<vmem>>, vector<1x16xf32>,
      %parallel_loop3A_664 = vector.shape_cast %parallel_loop3A_663 : vector<1x16xf32> to vector<16xf32>
      %parallel_loop3A_665 = arith.index_cast %parallel_loop3A_655 : i32 to index
      %parallel_loop3A_666 = arith.index_cast %parallel_loop3A_660 : i32 to index
      %parallel_loop3A_667 = tpu.vector_load %arg9[%parallel_loop3A_665, %parallel_loop3A_666] {strides = array<i32>} : memref<16x1024xf32, #tpu.memory_space<vmem>>, vector<1x16xf32>,
      %parallel_loop3A_668 = vector.shape_cast %parallel_loop3A_667 : vector<1x16xf32> to vector<16xf32>
      %parallel_loop3A_669 = vector.shape_cast %parallel_loop3A_664 : vector<16xf32> to vector<1x16xf32>
      tpu.vector_store %arg9[%parallel_loop3A_665, %parallel_loop3A_666], %parallel_loop3A_669 {add = true, strides = array<i32>} : memref<16x1024xf32, #tpu.memory_space<vmem>>, vector<1x16xf32>,
    } {sc.loop_unroll_factor = 8 : i64, sc.parallel_access}
    %dma_wait3A_308 = arith.constant 1 : i32
    %dma_wait3A_309 = arith.constant 0 : i32
    %dma_wait3A_310 = tpu.memref_slice %arg5[%dma_wait3A_308, %add3A_268, %dma_wait3A_309] : memref<4x2048x1024xf32, #tpu.memory_space<hbm>> -> memref<1x16x1024xf32, #tpu.memory_space<hbm>>
    %dma_wait3A_311 = tpu.memref_squeeze %dma_wait3A_310 : memref<1x16x1024xf32, #tpu.memory_space<hbm>> -> memref<16x1024xf32, #tpu.memory_space<hbm>>
    %dma_wait3A_312 = arith.constant 0 : i32
    %dma_wait3A_313 = tpu.memref_slice %arg5[%dma_wait3A_308, %add3A_268, %dma_wait3A_312] : memref<4x2048x1024xf32, #tpu.memory_space<hbm>> -> memref<1x16x1024xf32, #tpu.memory_space<hbm>>
    %dma_wait3A_314 = tpu.memref_squeeze %dma_wait3A_313 : memref<1x16x1024xf32, #tpu.memory_space<hbm>> -> memref<16x1024xf32, #tpu.memory_space<hbm>>
    tpu.wait_dma2 semaphore(%arg14 : memref<!tpu.dma_semaphore, #tpu.memory_space<semaphore_mem>>) src(%arg8 : memref<16x1024xf32, #tpu.memory_space<vmem>>) dst(%dma_wait3A_314 : memref<16x1024xf32, #tpu.memory_space<hbm>>)
    %add3A_315 = arith.constant 32 : i32
    %add3A_316 = arith.addi %mul3A_2, %add3A_315 : i32
    %dma_start3A_317 = arith.constant 96 : i32
    %dma_start3A_318 = tpu.memref_slice %arg6[%dma_start3A_317] : memref<256xi32, #tpu.memory_space<vmem>> -> memref<16xi32, #tpu.memory_space<vmem>>
    %dma_start3A_319 = arith.constant 0 : i32
    %dma_start3A_320 = arith.constant 0 : i32
    %dma_start3A_321 = tpu.memref_slice %arg3[%dma_start3A_319, %dma_start3A_320] : memref<100000x1024xf32, #tpu.memory_space<hbm>> -> memref<100000x1024xf32, #tpu.memory_space<hbm>>
    tpu.enqueue_indirect_dma source(%dma_start3A_321 : memref<100000x1024xf32, #tpu.memory_space<hbm>>) target(%arg8 : memref<16x1024xf32, #tpu.memory_space<vmem>>) offsets(%dma_start3A_318 : memref<16xi32, #tpu.memory_space<vmem>>) semaphore(%arg13 : memref<!tpu.dma_semaphore, #tpu.memory_space<semaphore_mem>>)
    %dma_start3A_322 = arith.constant 2 : i32
    %dma_start3A_323 = arith.constant 0 : i32
    %dma_start3A_324 = tpu.memref_slice %arg5[%dma_start3A_322, %add3A_299, %dma_start3A_323] : memref<4x2048x1024xf32, #tpu.memory_space<hbm>> -> memref<1x16x1024xf32, #tpu.memory_space<hbm>>
    %dma_start3A_325 = tpu.memref_squeeze %dma_start3A_324 : memref<1x16x1024xf32, #tpu.memory_space<hbm>> -> memref<16x1024xf32, #tpu.memory_space<hbm>>
    %dma_start3A_326 = arith.constant 0 : i32
    %dma_start3A_327 = tpu.memref_slice %arg5[%dma_start3A_322, %add3A_299, %dma_start3A_326] : memref<4x2048x1024xf32, #tpu.memory_space<hbm>> -> memref<1x16x1024xf32, #tpu.memory_space<hbm>>
    %dma_start3A_328 = tpu.memref_squeeze %dma_start3A_327 : memref<1x16x1024xf32, #tpu.memory_space<hbm>> -> memref<16x1024xf32, #tpu.memory_space<hbm>>
    tpu.enqueue_dma source(%arg9 : memref<16x1024xf32, #tpu.memory_space<vmem>>) target(%dma_start3A_328 : memref<16x1024xf32, #tpu.memory_space<hbm>>) target_semaphore(%arg14 : memref<!tpu.dma_semaphore, #tpu.memory_space<semaphore_mem>>)
    %add3A_329 = arith.constant 16 : i32
    %add3A_330 = arith.addi %mul3A_2, %add3A_329 : i32
    %dma_wait3A_331 = arith.constant 208 : i32
    %dma_wait3A_332 = tpu.memref_slice %arg6[%dma_wait3A_331] : memref<256xi32, #tpu.memory_space<vmem>> -> memref<16xi32, #tpu.memory_space<vmem>>
    %dma_wait3A_333 = arith.constant 0 : i32
    %dma_wait3A_334 = arith.constant 0 : i32
    %dma_wait3A_335 = tpu.memref_slice %arg3[%dma_wait3A_333, %dma_wait3A_334] : memref<100000x1024xf32, #tpu.memory_space<hbm>> -> memref<100000x1024xf32, #tpu.memory_space<hbm>>
    tpu.wait_indirect_dma semaphore(%arg13 : memref<!tpu.dma_semaphore, #tpu.memory_space<semaphore_mem>>) src(%dma_wait3A_335 : memref<100000x1024xf32, #tpu.memory_space<hbm>>) dst(%arg10 : memref<16x1024xf32, #tpu.memory_space<vmem>>)
    %parallel_loop3A_336 = arith.constant 0 : i32
    %parallel_loop3A_337 = arith.constant 1024 : i32
    %parallel_loop3A_338 = arith.constant 1 : i32
    scf.for %parallel_loop3A_651 = %parallel_loop3A_336 to %parallel_loop3A_337 step %parallel_loop3A_338  : i32 {
      %parallel_loop3A_652 = arith.constant 6 : i32
      %parallel_loop3A_653 = arith.shrui %parallel_loop3A_651, %parallel_loop3A_652 : i32
      %parallel_loop3A_654 = arith.constant 0 : i32
      %parallel_loop3A_655 = arith.addi %parallel_loop3A_654, %parallel_loop3A_653 : i32
      %parallel_loop3A_656 = arith.constant 63 : i32
      %parallel_loop3A_657 = arith.andi %parallel_loop3A_651, %parallel_loop3A_656 : i32
      %parallel_loop3A_658 = arith.constant 4 : i32
      %parallel_loop3A_659 = arith.shli %parallel_loop3A_657, %parallel_loop3A_658 : i32
      %parallel_loop3A_660 = tpu.assume_multiple %parallel_loop3A_659, 16 : i32
      %parallel_loop3A_661 = arith.index_cast %parallel_loop3A_655 : i32 to index
      %parallel_loop3A_662 = arith.index_cast %parallel_loop3A_660 : i32 to index
      %parallel_loop3A_663 = tpu.vector_load %arg12[%parallel_loop3A_661, %parallel_loop3A_662] {strides = array<i32>} : memref<16x1024xf32, #tpu.memory_space<vmem>>, vector<1x16xf32>,
      %parallel_loop3A_664 = vector.shape_cast %parallel_loop3A_663 : vector<1x16xf32> to vector<16xf32>
      %parallel_loop3A_665 = arith.index_cast %parallel_loop3A_655 : i32 to index
      %parallel_loop3A_666 = arith.index_cast %parallel_loop3A_660 : i32 to index
      %parallel_loop3A_667 = tpu.vector_load %arg10[%parallel_loop3A_665, %parallel_loop3A_666] {strides = array<i32>} : memref<16x1024xf32, #tpu.memory_space<vmem>>, vector<1x16xf32>,
      %parallel_loop3A_668 = vector.shape_cast %parallel_loop3A_667 : vector<1x16xf32> to vector<16xf32>
      %parallel_loop3A_669 = vector.shape_cast %parallel_loop3A_664 : vector<16xf32> to vector<1x16xf32>
      tpu.vector_store %arg10[%parallel_loop3A_665, %parallel_loop3A_666], %parallel_loop3A_669 {add = true, strides = array<i32>} : memref<16x1024xf32, #tpu.memory_space<vmem>>, vector<1x16xf32>,
    } {sc.loop_unroll_factor = 8 : i64, sc.parallel_access}
    %add3A_339 = arith.constant 48 : i32
    %add3A_340 = arith.addi %mul3A_2, %add3A_339 : i32
    %dma_start3A_341 = arith.constant 0 : i32
    %dma_start3A_342 = tpu.memref_slice %arg4[%add3A_340, %dma_start3A_341] : memref<2048x1024xf32, #tpu.memory_space<hbm>> -> memref<16x1024xf32, #tpu.memory_space<hbm>>
    %dma_start3A_343 = arith.constant 0 : i32
    %dma_start3A_344 = tpu.memref_slice %arg4[%add3A_340, %dma_start3A_343] : memref<2048x1024xf32, #tpu.memory_space<hbm>> -> memref<16x1024xf32, #tpu.memory_space<hbm>>
    tpu.enqueue_dma source(%dma_start3A_344 : memref<16x1024xf32, #tpu.memory_space<hbm>>) target(%arg12 : memref<16x1024xf32, #tpu.memory_space<vmem>>) target_semaphore(%arg15 : memref<!tpu.dma_semaphore, #tpu.memory_space<semaphore_mem>>)
    %dma_wait3A_345 = arith.constant 2 : i32
    %dma_wait3A_346 = arith.constant 0 : i32
    %dma_wait3A_347 = tpu.memref_slice %arg5[%dma_wait3A_345, %add3A_299, %dma_wait3A_346] : memref<4x2048x1024xf32, #tpu.memory_space<hbm>> -> memref<1x16x1024xf32, #tpu.memory_space<hbm>>
    %dma_wait3A_348 = tpu.memref_squeeze %dma_wait3A_347 : memref<1x16x1024xf32, #tpu.memory_space<hbm>> -> memref<16x1024xf32, #tpu.memory_space<hbm>>
    %dma_wait3A_349 = arith.constant 0 : i32
    %dma_wait3A_350 = tpu.memref_slice %arg5[%dma_wait3A_345, %add3A_299, %dma_wait3A_349] : memref<4x2048x1024xf32, #tpu.memory_space<hbm>> -> memref<1x16x1024xf32, #tpu.memory_space<hbm>>
    %dma_wait3A_351 = tpu.memref_squeeze %dma_wait3A_350 : memref<1x16x1024xf32, #tpu.memory_space<hbm>> -> memref<16x1024xf32, #tpu.memory_space<hbm>>
    tpu.wait_dma2 semaphore(%arg14 : memref<!tpu.dma_semaphore, #tpu.memory_space<semaphore_mem>>) src(%arg9 : memref<16x1024xf32, #tpu.memory_space<vmem>>) dst(%dma_wait3A_351 : memref<16x1024xf32, #tpu.memory_space<hbm>>)
    %add3A_352 = arith.constant 32 : i32
    %add3A_353 = arith.addi %mul3A_2, %add3A_352 : i32
    %dma_start3A_354 = arith.constant 160 : i32
    %dma_start3A_355 = tpu.memref_slice %arg6[%dma_start3A_354] : memref<256xi32, #tpu.memory_space<vmem>> -> memref<16xi32, #tpu.memory_space<vmem>>
    %dma_start3A_356 = arith.constant 0 : i32
    %dma_start3A_357 = arith.constant 0 : i32
    %dma_start3A_358 = tpu.memref_slice %arg3[%dma_start3A_356, %dma_start3A_357] : memref<100000x1024xf32, #tpu.memory_space<hbm>> -> memref<100000x1024xf32, #tpu.memory_space<hbm>>
    tpu.enqueue_indirect_dma source(%dma_start3A_358 : memref<100000x1024xf32, #tpu.memory_space<hbm>>) target(%arg9 : memref<16x1024xf32, #tpu.memory_space<vmem>>) offsets(%dma_start3A_355 : memref<16xi32, #tpu.memory_space<vmem>>) semaphore(%arg13 : memref<!tpu.dma_semaphore, #tpu.memory_space<semaphore_mem>>)
    %dma_start3A_359 = arith.constant 3 : i32
    %dma_start3A_360 = arith.constant 0 : i32
    %dma_start3A_361 = tpu.memref_slice %arg5[%dma_start3A_359, %add3A_330, %dma_start3A_360] : memref<4x2048x1024xf32, #tpu.memory_space<hbm>> -> memref<1x16x1024xf32, #tpu.memory_space<hbm>>
    %dma_start3A_362 = tpu.memref_squeeze %dma_start3A_361 : memref<1x16x1024xf32, #tpu.memory_space<hbm>> -> memref<16x1024xf32, #tpu.memory_space<hbm>>
    %dma_start3A_363 = arith.constant 0 : i32
    %dma_start3A_364 = tpu.memref_slice %arg5[%dma_start3A_359, %add3A_330, %dma_start3A_363] : memref<4x2048x1024xf32, #tpu.memory_space<hbm>> -> memref<1x16x1024xf32, #tpu.memory_space<hbm>>
    %dma_start3A_365 = tpu.memref_squeeze %dma_start3A_364 : memref<1x16x1024xf32, #tpu.memory_space<hbm>> -> memref<16x1024xf32, #tpu.memory_space<hbm>>
    tpu.enqueue_dma source(%arg10 : memref<16x1024xf32, #tpu.memory_space<vmem>>) target(%dma_start3A_365 : memref<16x1024xf32, #tpu.memory_space<hbm>>) target_semaphore(%arg14 : memref<!tpu.dma_semaphore, #tpu.memory_space<semaphore_mem>>)
    %add3A_366 = arith.constant 32 : i32
    %add3A_367 = arith.addi %mul3A_2, %add3A_366 : i32
    %dma_wait3A_368 = arith.constant 0 : i32
    %dma_wait3A_369 = tpu.memref_slice %arg4[%add3A_206, %dma_wait3A_368] : memref<2048x1024xf32, #tpu.memory_space<hbm>> -> memref<16x1024xf32, #tpu.memory_space<hbm>>
    %dma_wait3A_370 = arith.constant 0 : i32
    %dma_wait3A_371 = tpu.memref_slice %arg4[%add3A_206, %dma_wait3A_370] : memref<2048x1024xf32, #tpu.memory_space<hbm>> -> memref<16x1024xf32, #tpu.memory_space<hbm>>
    tpu.wait_dma2 semaphore(%arg15 : memref<!tpu.dma_semaphore, #tpu.memory_space<semaphore_mem>>) src(%dma_wait3A_371 : memref<16x1024xf32, #tpu.memory_space<hbm>>) dst(%arg11 : memref<16x1024xf32, #tpu.memory_space<vmem>>)
    %dma_wait3A_372 = arith.constant 32 : i32
    %dma_wait3A_373 = tpu.memref_slice %arg6[%dma_wait3A_372] : memref<256xi32, #tpu.memory_space<vmem>> -> memref<16xi32, #tpu.memory_space<vmem>>
    %dma_wait3A_374 = arith.constant 0 : i32
    %dma_wait3A_375 = arith.constant 0 : i32
    %dma_wait3A_376 = tpu.memref_slice %arg3[%dma_wait3A_374, %dma_wait3A_375] : memref<100000x1024xf32, #tpu.memory_space<hbm>> -> memref<100000x1024xf32, #tpu.memory_space<hbm>>
    tpu.wait_indirect_dma semaphore(%arg13 : memref<!tpu.dma_semaphore, #tpu.memory_space<semaphore_mem>>) src(%dma_wait3A_376 : memref<100000x1024xf32, #tpu.memory_space<hbm>>) dst(%arg7 : memref<16x1024xf32, #tpu.memory_space<vmem>>)
    %parallel_loop3A_377 = arith.constant 0 : i32
    %parallel_loop3A_378 = arith.constant 1024 : i32
    %parallel_loop3A_379 = arith.constant 1 : i32
    scf.for %parallel_loop3A_651 = %parallel_loop3A_377 to %parallel_loop3A_378 step %parallel_loop3A_379  : i32 {
      %parallel_loop3A_652 = arith.constant 6 : i32
      %parallel_loop3A_653 = arith.shrui %parallel_loop3A_651, %parallel_loop3A_652 : i32
      %parallel_loop3A_654 = arith.constant 0 : i32
      %parallel_loop3A_655 = arith.addi %parallel_loop3A_654, %parallel_loop3A_653 : i32
      %parallel_loop3A_656 = arith.constant 63 : i32
      %parallel_loop3A_657 = arith.andi %parallel_loop3A_651, %parallel_loop3A_656 : i32
      %parallel_loop3A_658 = arith.constant 4 : i32
      %parallel_loop3A_659 = arith.shli %parallel_loop3A_657, %parallel_loop3A_658 : i32
      %parallel_loop3A_660 = tpu.assume_multiple %parallel_loop3A_659, 16 : i32
      %parallel_loop3A_661 = arith.index_cast %parallel_loop3A_655 : i32 to index
      %parallel_loop3A_662 = arith.index_cast %parallel_loop3A_660 : i32 to index
      %parallel_loop3A_663 = tpu.vector_load %arg11[%parallel_loop3A_661, %parallel_loop3A_662] {strides = array<i32>} : memref<16x1024xf32, #tpu.memory_space<vmem>>, vector<1x16xf32>,
      %parallel_loop3A_664 = vector.shape_cast %parallel_loop3A_663 : vector<1x16xf32> to vector<16xf32>
      %parallel_loop3A_665 = arith.index_cast %parallel_loop3A_655 : i32 to index
      %parallel_loop3A_666 = arith.index_cast %parallel_loop3A_660 : i32 to index
      %parallel_loop3A_667 = tpu.vector_load %arg7[%parallel_loop3A_665, %parallel_loop3A_666] {strides = array<i32>} : memref<16x1024xf32, #tpu.memory_space<vmem>>, vector<1x16xf32>,
      %parallel_loop3A_668 = vector.shape_cast %parallel_loop3A_667 : vector<1x16xf32> to vector<16xf32>
      %parallel_loop3A_669 = vector.shape_cast %parallel_loop3A_664 : vector<16xf32> to vector<1x16xf32>
      tpu.vector_store %arg7[%parallel_loop3A_665, %parallel_loop3A_666], %parallel_loop3A_669 {add = true, strides = array<i32>} : memref<16x1024xf32, #tpu.memory_space<vmem>>, vector<1x16xf32>,
    } {sc.loop_unroll_factor = 8 : i64, sc.parallel_access}
    %dma_wait3A_380 = arith.constant 3 : i32
    %dma_wait3A_381 = arith.constant 0 : i32
    %dma_wait3A_382 = tpu.memref_slice %arg5[%dma_wait3A_380, %add3A_330, %dma_wait3A_381] : memref<4x2048x1024xf32, #tpu.memory_space<hbm>> -> memref<1x16x1024xf32, #tpu.memory_space<hbm>>
    %dma_wait3A_383 = tpu.memref_squeeze %dma_wait3A_382 : memref<1x16x1024xf32, #tpu.memory_space<hbm>> -> memref<16x1024xf32, #tpu.memory_space<hbm>>
    %dma_wait3A_384 = arith.constant 0 : i32
    %dma_wait3A_385 = tpu.memref_slice %arg5[%dma_wait3A_380, %add3A_330, %dma_wait3A_384] : memref<4x2048x1024xf32, #tpu.memory_space<hbm>> -> memref<1x16x1024xf32, #tpu.memory_space<hbm>>
    %dma_wait3A_386 = tpu.memref_squeeze %dma_wait3A_385 : memref<1x16x1024xf32, #tpu.memory_space<hbm>> -> memref<16x1024xf32, #tpu.memory_space<hbm>>
    tpu.wait_dma2 semaphore(%arg14 : memref<!tpu.dma_semaphore, #tpu.memory_space<semaphore_mem>>) src(%arg10 : memref<16x1024xf32, #tpu.memory_space<vmem>>) dst(%dma_wait3A_386 : memref<16x1024xf32, #tpu.memory_space<hbm>>)
    %add3A_387 = arith.constant 32 : i32
    %add3A_388 = arith.addi %mul3A_2, %add3A_387 : i32
    %dma_start3A_389 = arith.constant 224 : i32
    %dma_start3A_390 = tpu.memref_slice %arg6[%dma_start3A_389] : memref<256xi32, #tpu.memory_space<vmem>> -> memref<16xi32, #tpu.memory_space<vmem>>
    %dma_start3A_391 = arith.constant 0 : i32
    %dma_start3A_392 = arith.constant 0 : i32
    %dma_start3A_393 = tpu.memref_slice %arg3[%dma_start3A_391, %dma_start3A_392] : memref<100000x1024xf32, #tpu.memory_space<hbm>> -> memref<100000x1024xf32, #tpu.memory_space<hbm>>
    tpu.enqueue_indirect_dma source(%dma_start3A_393 : memref<100000x1024xf32, #tpu.memory_space<hbm>>) target(%arg10 : memref<16x1024xf32, #tpu.memory_space<vmem>>) offsets(%dma_start3A_390 : memref<16xi32, #tpu.memory_space<vmem>>) semaphore(%arg13 : memref<!tpu.dma_semaphore, #tpu.memory_space<semaphore_mem>>)
    %dma_start3A_394 = arith.constant 0 : i32
    %dma_start3A_395 = arith.constant 0 : i32
    %dma_start3A_396 = tpu.memref_slice %arg5[%dma_start3A_394, %add3A_367, %dma_start3A_395] : memref<4x2048x1024xf32, #tpu.memory_space<hbm>> -> memref<1x16x1024xf32, #tpu.memory_space<hbm>>
    %dma_start3A_397 = tpu.memref_squeeze %dma_start3A_396 : memref<1x16x1024xf32, #tpu.memory_space<hbm>> -> memref<16x1024xf32, #tpu.memory_space<hbm>>
    %dma_start3A_398 = arith.constant 0 : i32
    %dma_start3A_399 = tpu.memref_slice %arg5[%dma_start3A_394, %add3A_367, %dma_start3A_398] : memref<4x2048x1024xf32, #tpu.memory_space<hbm>> -> memref<1x16x1024xf32, #tpu.memory_space<hbm>>
    %dma_start3A_400 = tpu.memref_squeeze %dma_start3A_399 : memref<1x16x1024xf32, #tpu.memory_space<hbm>> -> memref<16x1024xf32, #tpu.memory_space<hbm>>
    tpu.enqueue_dma source(%arg7 : memref<16x1024xf32, #tpu.memory_space<vmem>>) target(%dma_start3A_400 : memref<16x1024xf32, #tpu.memory_space<hbm>>) target_semaphore(%arg14 : memref<!tpu.dma_semaphore, #tpu.memory_space<semaphore_mem>>)
    %add3A_401 = arith.constant 32 : i32
    %add3A_402 = arith.addi %mul3A_2, %add3A_401 : i32
    %dma_wait3A_403 = arith.constant 96 : i32
    %dma_wait3A_404 = tpu.memref_slice %arg6[%dma_wait3A_403] : memref<256xi32, #tpu.memory_space<vmem>> -> memref<16xi32, #tpu.memory_space<vmem>>
    %dma_wait3A_405 = arith.constant 0 : i32
    %dma_wait3A_406 = arith.constant 0 : i32
    %dma_wait3A_407 = tpu.memref_slice %arg3[%dma_wait3A_405, %dma_wait3A_406] : memref<100000x1024xf32, #tpu.memory_space<hbm>> -> memref<100000x1024xf32, #tpu.memory_space<hbm>>
    tpu.wait_indirect_dma semaphore(%arg13 : memref<!tpu.dma_semaphore, #tpu.memory_space<semaphore_mem>>) src(%dma_wait3A_407 : memref<100000x1024xf32, #tpu.memory_space<hbm>>) dst(%arg8 : memref<16x1024xf32, #tpu.memory_space<vmem>>)
    %parallel_loop3A_408 = arith.constant 0 : i32
    %parallel_loop3A_409 = arith.constant 1024 : i32
    %parallel_loop3A_410 = arith.constant 1 : i32
    scf.for %parallel_loop3A_651 = %parallel_loop3A_408 to %parallel_loop3A_409 step %parallel_loop3A_410  : i32 {
      %parallel_loop3A_652 = arith.constant 6 : i32
      %parallel_loop3A_653 = arith.shrui %parallel_loop3A_651, %parallel_loop3A_652 : i32
      %parallel_loop3A_654 = arith.constant 0 : i32
      %parallel_loop3A_655 = arith.addi %parallel_loop3A_654, %parallel_loop3A_653 : i32
      %parallel_loop3A_656 = arith.constant 63 : i32
      %parallel_loop3A_657 = arith.andi %parallel_loop3A_651, %parallel_loop3A_656 : i32
      %parallel_loop3A_658 = arith.constant 4 : i32
      %parallel_loop3A_659 = arith.shli %parallel_loop3A_657, %parallel_loop3A_658 : i32
      %parallel_loop3A_660 = tpu.assume_multiple %parallel_loop3A_659, 16 : i32
      %parallel_loop3A_661 = arith.index_cast %parallel_loop3A_655 : i32 to index
      %parallel_loop3A_662 = arith.index_cast %parallel_loop3A_660 : i32 to index
      %parallel_loop3A_663 = tpu.vector_load %arg11[%parallel_loop3A_661, %parallel_loop3A_662] {strides = array<i32>} : memref<16x1024xf32, #tpu.memory_space<vmem>>, vector<1x16xf32>,
      %parallel_loop3A_664 = vector.shape_cast %parallel_loop3A_663 : vector<1x16xf32> to vector<16xf32>
      %parallel_loop3A_665 = arith.index_cast %parallel_loop3A_655 : i32 to index
      %parallel_loop3A_666 = arith.index_cast %parallel_loop3A_660 : i32 to index
      %parallel_loop3A_667 = tpu.vector_load %arg8[%parallel_loop3A_665, %parallel_loop3A_666] {strides = array<i32>} : memref<16x1024xf32, #tpu.memory_space<vmem>>, vector<1x16xf32>,
      %parallel_loop3A_668 = vector.shape_cast %parallel_loop3A_667 : vector<1x16xf32> to vector<16xf32>
      %parallel_loop3A_669 = vector.shape_cast %parallel_loop3A_664 : vector<16xf32> to vector<1x16xf32>
      tpu.vector_store %arg8[%parallel_loop3A_665, %parallel_loop3A_666], %parallel_loop3A_669 {add = true, strides = array<i32>} : memref<16x1024xf32, #tpu.memory_space<vmem>>, vector<1x16xf32>,
    } {sc.loop_unroll_factor = 8 : i64, sc.parallel_access}
    %dma_wait3A_411 = arith.constant 0 : i32
    %dma_wait3A_412 = arith.constant 0 : i32
    %dma_wait3A_413 = tpu.memref_slice %arg5[%dma_wait3A_411, %add3A_367, %dma_wait3A_412] : memref<4x2048x1024xf32, #tpu.memory_space<hbm>> -> memref<1x16x1024xf32, #tpu.memory_space<hbm>>
    %dma_wait3A_414 = tpu.memref_squeeze %dma_wait3A_413 : memref<1x16x1024xf32, #tpu.memory_space<hbm>> -> memref<16x1024xf32, #tpu.memory_space<hbm>>
    %dma_wait3A_415 = arith.constant 0 : i32
    %dma_wait3A_416 = tpu.memref_slice %arg5[%dma_wait3A_411, %add3A_367, %dma_wait3A_415] : memref<4x2048x1024xf32, #tpu.memory_space<hbm>> -> memref<1x16x1024xf32, #tpu.memory_space<hbm>>
    %dma_wait3A_417 = tpu.memref_squeeze %dma_wait3A_416 : memref<1x16x1024xf32, #tpu.memory_space<hbm>> -> memref<16x1024xf32, #tpu.memory_space<hbm>>
    tpu.wait_dma2 semaphore(%arg14 : memref<!tpu.dma_semaphore, #tpu.memory_space<semaphore_mem>>) src(%arg7 : memref<16x1024xf32, #tpu.memory_space<vmem>>) dst(%dma_wait3A_417 : memref<16x1024xf32, #tpu.memory_space<hbm>>)
    %add3A_418 = arith.constant 48 : i32
    %add3A_419 = arith.addi %mul3A_2, %add3A_418 : i32
    %dma_start3A_420 = arith.constant 48 : i32
    %dma_start3A_421 = tpu.memref_slice %arg6[%dma_start3A_420] : memref<256xi32, #tpu.memory_space<vmem>> -> memref<16xi32, #tpu.memory_space<vmem>>
    %dma_start3A_422 = arith.constant 0 : i32
    %dma_start3A_423 = arith.constant 0 : i32
    %dma_start3A_424 = tpu.memref_slice %arg3[%dma_start3A_422, %dma_start3A_423] : memref<100000x1024xf32, #tpu.memory_space<hbm>> -> memref<100000x1024xf32, #tpu.memory_space<hbm>>
    tpu.enqueue_indirect_dma source(%dma_start3A_424 : memref<100000x1024xf32, #tpu.memory_space<hbm>>) target(%arg7 : memref<16x1024xf32, #tpu.memory_space<vmem>>) offsets(%dma_start3A_421 : memref<16xi32, #tpu.memory_space<vmem>>) semaphore(%arg13 : memref<!tpu.dma_semaphore, #tpu.memory_space<semaphore_mem>>)
    %dma_start3A_425 = arith.constant 1 : i32
    %dma_start3A_426 = arith.constant 0 : i32
    %dma_start3A_427 = tpu.memref_slice %arg5[%dma_start3A_425, %add3A_402, %dma_start3A_426] : memref<4x2048x1024xf32, #tpu.memory_space<hbm>> -> memref<1x16x1024xf32, #tpu.memory_space<hbm>>
    %dma_start3A_428 = tpu.memref_squeeze %dma_start3A_427 : memref<1x16x1024xf32, #tpu.memory_space<hbm>> -> memref<16x1024xf32, #tpu.memory_space<hbm>>
    %dma_start3A_429 = arith.constant 0 : i32
    %dma_start3A_430 = tpu.memref_slice %arg5[%dma_start3A_425, %add3A_402, %dma_start3A_429] : memref<4x2048x1024xf32, #tpu.memory_space<hbm>> -> memref<1x16x1024xf32, #tpu.memory_space<hbm>>
    %dma_start3A_431 = tpu.memref_squeeze %dma_start3A_430 : memref<1x16x1024xf32, #tpu.memory_space<hbm>> -> memref<16x1024xf32, #tpu.memory_space<hbm>>
    tpu.enqueue_dma source(%arg8 : memref<16x1024xf32, #tpu.memory_space<vmem>>) target(%dma_start3A_431 : memref<16x1024xf32, #tpu.memory_space<hbm>>) target_semaphore(%arg14 : memref<!tpu.dma_semaphore, #tpu.memory_space<semaphore_mem>>)
    %add3A_432 = arith.constant 32 : i32
    %add3A_433 = arith.addi %mul3A_2, %add3A_432 : i32
    %dma_wait3A_434 = arith.constant 160 : i32
    %dma_wait3A_435 = tpu.memref_slice %arg6[%dma_wait3A_434] : memref<256xi32, #tpu.memory_space<vmem>> -> memref<16xi32, #tpu.memory_space<vmem>>
    %dma_wait3A_436 = arith.constant 0 : i32
    %dma_wait3A_437 = arith.constant 0 : i32
    %dma_wait3A_438 = tpu.memref_slice %arg3[%dma_wait3A_436, %dma_wait3A_437] : memref<100000x1024xf32, #tpu.memory_space<hbm>> -> memref<100000x1024xf32, #tpu.memory_space<hbm>>
    tpu.wait_indirect_dma semaphore(%arg13 : memref<!tpu.dma_semaphore, #tpu.memory_space<semaphore_mem>>) src(%dma_wait3A_438 : memref<100000x1024xf32, #tpu.memory_space<hbm>>) dst(%arg9 : memref<16x1024xf32, #tpu.memory_space<vmem>>)
    %parallel_loop3A_439 = arith.constant 0 : i32
    %parallel_loop3A_440 = arith.constant 1024 : i32
    %parallel_loop3A_441 = arith.constant 1 : i32
    scf.for %parallel_loop3A_651 = %parallel_loop3A_439 to %parallel_loop3A_440 step %parallel_loop3A_441  : i32 {
      %parallel_loop3A_652 = arith.constant 6 : i32
      %parallel_loop3A_653 = arith.shrui %parallel_loop3A_651, %parallel_loop3A_652 : i32
      %parallel_loop3A_654 = arith.constant 0 : i32
      %parallel_loop3A_655 = arith.addi %parallel_loop3A_654, %parallel_loop3A_653 : i32
      %parallel_loop3A_656 = arith.constant 63 : i32
      %parallel_loop3A_657 = arith.andi %parallel_loop3A_651, %parallel_loop3A_656 : i32
      %parallel_loop3A_658 = arith.constant 4 : i32
      %parallel_loop3A_659 = arith.shli %parallel_loop3A_657, %parallel_loop3A_658 : i32
      %parallel_loop3A_660 = tpu.assume_multiple %parallel_loop3A_659, 16 : i32
      %parallel_loop3A_661 = arith.index_cast %parallel_loop3A_655 : i32 to index
      %parallel_loop3A_662 = arith.index_cast %parallel_loop3A_660 : i32 to index
      %parallel_loop3A_663 = tpu.vector_load %arg11[%parallel_loop3A_661, %parallel_loop3A_662] {strides = array<i32>} : memref<16x1024xf32, #tpu.memory_space<vmem>>, vector<1x16xf32>,
      %parallel_loop3A_664 = vector.shape_cast %parallel_loop3A_663 : vector<1x16xf32> to vector<16xf32>
      %parallel_loop3A_665 = arith.index_cast %parallel_loop3A_655 : i32 to index
      %parallel_loop3A_666 = arith.index_cast %parallel_loop3A_660 : i32 to index
      %parallel_loop3A_667 = tpu.vector_load %arg9[%parallel_loop3A_665, %parallel_loop3A_666] {strides = array<i32>} : memref<16x1024xf32, #tpu.memory_space<vmem>>, vector<1x16xf32>,
      %parallel_loop3A_668 = vector.shape_cast %parallel_loop3A_667 : vector<1x16xf32> to vector<16xf32>
      %parallel_loop3A_669 = vector.shape_cast %parallel_loop3A_664 : vector<16xf32> to vector<1x16xf32>
      tpu.vector_store %arg9[%parallel_loop3A_665, %parallel_loop3A_666], %parallel_loop3A_669 {add = true, strides = array<i32>} : memref<16x1024xf32, #tpu.memory_space<vmem>>, vector<1x16xf32>,
    } {sc.loop_unroll_factor = 8 : i64, sc.parallel_access}
    %dma_wait3A_442 = arith.constant 1 : i32
    %dma_wait3A_443 = arith.constant 0 : i32
    %dma_wait3A_444 = tpu.memref_slice %arg5[%dma_wait3A_442, %add3A_402, %dma_wait3A_443] : memref<4x2048x1024xf32, #tpu.memory_space<hbm>> -> memref<1x16x1024xf32, #tpu.memory_space<hbm>>
    %dma_wait3A_445 = tpu.memref_squeeze %dma_wait3A_444 : memref<1x16x1024xf32, #tpu.memory_space<hbm>> -> memref<16x1024xf32, #tpu.memory_space<hbm>>
    %dma_wait3A_446 = arith.constant 0 : i32
    %dma_wait3A_447 = tpu.memref_slice %arg5[%dma_wait3A_442, %add3A_402, %dma_wait3A_446] : memref<4x2048x1024xf32, #tpu.memory_space<hbm>> -> memref<1x16x1024xf32, #tpu.memory_space<hbm>>
    %dma_wait3A_448 = tpu.memref_squeeze %dma_wait3A_447 : memref<1x16x1024xf32, #tpu.memory_space<hbm>> -> memref<16x1024xf32, #tpu.memory_space<hbm>>
    tpu.wait_dma2 semaphore(%arg14 : memref<!tpu.dma_semaphore, #tpu.memory_space<semaphore_mem>>) src(%arg8 : memref<16x1024xf32, #tpu.memory_space<vmem>>) dst(%dma_wait3A_448 : memref<16x1024xf32, #tpu.memory_space<hbm>>)
    %add3A_449 = arith.constant 48 : i32
    %add3A_450 = arith.addi %mul3A_2, %add3A_449 : i32
    %dma_start3A_451 = arith.constant 112 : i32
    %dma_start3A_452 = tpu.memref_slice %arg6[%dma_start3A_451] : memref<256xi32, #tpu.memory_space<vmem>> -> memref<16xi32, #tpu.memory_space<vmem>>
    %dma_start3A_453 = arith.constant 0 : i32
    %dma_start3A_454 = arith.constant 0 : i32
    %dma_start3A_455 = tpu.memref_slice %arg3[%dma_start3A_453, %dma_start3A_454] : memref<100000x1024xf32, #tpu.memory_space<hbm>> -> memref<100000x1024xf32, #tpu.memory_space<hbm>>
    tpu.enqueue_indirect_dma source(%dma_start3A_455 : memref<100000x1024xf32, #tpu.memory_space<hbm>>) target(%arg8 : memref<16x1024xf32, #tpu.memory_space<vmem>>) offsets(%dma_start3A_452 : memref<16xi32, #tpu.memory_space<vmem>>) semaphore(%arg13 : memref<!tpu.dma_semaphore, #tpu.memory_space<semaphore_mem>>)
    %dma_start3A_456 = arith.constant 2 : i32
    %dma_start3A_457 = arith.constant 0 : i32
    %dma_start3A_458 = tpu.memref_slice %arg5[%dma_start3A_456, %add3A_433, %dma_start3A_457] : memref<4x2048x1024xf32, #tpu.memory_space<hbm>> -> memref<1x16x1024xf32, #tpu.memory_space<hbm>>
    %dma_start3A_459 = tpu.memref_squeeze %dma_start3A_458 : memref<1x16x1024xf32, #tpu.memory_space<hbm>> -> memref<16x1024xf32, #tpu.memory_space<hbm>>
    %dma_start3A_460 = arith.constant 0 : i32
    %dma_start3A_461 = tpu.memref_slice %arg5[%dma_start3A_456, %add3A_433, %dma_start3A_460] : memref<4x2048x1024xf32, #tpu.memory_space<hbm>> -> memref<1x16x1024xf32, #tpu.memory_space<hbm>>
    %dma_start3A_462 = tpu.memref_squeeze %dma_start3A_461 : memref<1x16x1024xf32, #tpu.memory_space<hbm>> -> memref<16x1024xf32, #tpu.memory_space<hbm>>
    tpu.enqueue_dma source(%arg9 : memref<16x1024xf32, #tpu.memory_space<vmem>>) target(%dma_start3A_462 : memref<16x1024xf32, #tpu.memory_space<hbm>>) target_semaphore(%arg14 : memref<!tpu.dma_semaphore, #tpu.memory_space<semaphore_mem>>)
    %add3A_463 = arith.constant 32 : i32
    %add3A_464 = arith.addi %mul3A_2, %add3A_463 : i32
    %dma_wait3A_465 = arith.constant 224 : i32
    %dma_wait3A_466 = tpu.memref_slice %arg6[%dma_wait3A_465] : memref<256xi32, #tpu.memory_space<vmem>> -> memref<16xi32, #tpu.memory_space<vmem>>
    %dma_wait3A_467 = arith.constant 0 : i32
    %dma_wait3A_468 = arith.constant 0 : i32
    %dma_wait3A_469 = tpu.memref_slice %arg3[%dma_wait3A_467, %dma_wait3A_468] : memref<100000x1024xf32, #tpu.memory_space<hbm>> -> memref<100000x1024xf32, #tpu.memory_space<hbm>>
    tpu.wait_indirect_dma semaphore(%arg13 : memref<!tpu.dma_semaphore, #tpu.memory_space<semaphore_mem>>) src(%dma_wait3A_469 : memref<100000x1024xf32, #tpu.memory_space<hbm>>) dst(%arg10 : memref<16x1024xf32, #tpu.memory_space<vmem>>)
    %parallel_loop3A_470 = arith.constant 0 : i32
    %parallel_loop3A_471 = arith.constant 1024 : i32
    %parallel_loop3A_472 = arith.constant 1 : i32
    scf.for %parallel_loop3A_651 = %parallel_loop3A_470 to %parallel_loop3A_471 step %parallel_loop3A_472  : i32 {
      %parallel_loop3A_652 = arith.constant 6 : i32
      %parallel_loop3A_653 = arith.shrui %parallel_loop3A_651, %parallel_loop3A_652 : i32
      %parallel_loop3A_654 = arith.constant 0 : i32
      %parallel_loop3A_655 = arith.addi %parallel_loop3A_654, %parallel_loop3A_653 : i32
      %parallel_loop3A_656 = arith.constant 63 : i32
      %parallel_loop3A_657 = arith.andi %parallel_loop3A_651, %parallel_loop3A_656 : i32
      %parallel_loop3A_658 = arith.constant 4 : i32
      %parallel_loop3A_659 = arith.shli %parallel_loop3A_657, %parallel_loop3A_658 : i32
      %parallel_loop3A_660 = tpu.assume_multiple %parallel_loop3A_659, 16 : i32
      %parallel_loop3A_661 = arith.index_cast %parallel_loop3A_655 : i32 to index
      %parallel_loop3A_662 = arith.index_cast %parallel_loop3A_660 : i32 to index
      %parallel_loop3A_663 = tpu.vector_load %arg11[%parallel_loop3A_661, %parallel_loop3A_662] {strides = array<i32>} : memref<16x1024xf32, #tpu.memory_space<vmem>>, vector<1x16xf32>,
      %parallel_loop3A_664 = vector.shape_cast %parallel_loop3A_663 : vector<1x16xf32> to vector<16xf32>
      %parallel_loop3A_665 = arith.index_cast %parallel_loop3A_655 : i32 to index
      %parallel_loop3A_666 = arith.index_cast %parallel_loop3A_660 : i32 to index
      %parallel_loop3A_667 = tpu.vector_load %arg10[%parallel_loop3A_665, %parallel_loop3A_666] {strides = array<i32>} : memref<16x1024xf32, #tpu.memory_space<vmem>>, vector<1x16xf32>,
      %parallel_loop3A_668 = vector.shape_cast %parallel_loop3A_667 : vector<1x16xf32> to vector<16xf32>
      %parallel_loop3A_669 = vector.shape_cast %parallel_loop3A_664 : vector<16xf32> to vector<1x16xf32>
      tpu.vector_store %arg10[%parallel_loop3A_665, %parallel_loop3A_666], %parallel_loop3A_669 {add = true, strides = array<i32>} : memref<16x1024xf32, #tpu.memory_space<vmem>>, vector<1x16xf32>,
    } {sc.loop_unroll_factor = 8 : i64, sc.parallel_access}
    %dma_wait3A_473 = arith.constant 2 : i32
    %dma_wait3A_474 = arith.constant 0 : i32
    %dma_wait3A_475 = tpu.memref_slice %arg5[%dma_wait3A_473, %add3A_433, %dma_wait3A_474] : memref<4x2048x1024xf32, #tpu.memory_space<hbm>> -> memref<1x16x1024xf32, #tpu.memory_space<hbm>>
    %dma_wait3A_476 = tpu.memref_squeeze %dma_wait3A_475 : memref<1x16x1024xf32, #tpu.memory_space<hbm>> -> memref<16x1024xf32, #tpu.memory_space<hbm>>
    %dma_wait3A_477 = arith.constant 0 : i32
    %dma_wait3A_478 = tpu.memref_slice %arg5[%dma_wait3A_473, %add3A_433, %dma_wait3A_477] : memref<4x2048x1024xf32, #tpu.memory_space<hbm>> -> memref<1x16x1024xf32, #tpu.memory_space<hbm>>
    %dma_wait3A_479 = tpu.memref_squeeze %dma_wait3A_478 : memref<1x16x1024xf32, #tpu.memory_space<hbm>> -> memref<16x1024xf32, #tpu.memory_space<hbm>>
    tpu.wait_dma2 semaphore(%arg14 : memref<!tpu.dma_semaphore, #tpu.memory_space<semaphore_mem>>) src(%arg9 : memref<16x1024xf32, #tpu.memory_space<vmem>>) dst(%dma_wait3A_479 : memref<16x1024xf32, #tpu.memory_space<hbm>>)
    %add3A_480 = arith.constant 48 : i32
    %add3A_481 = arith.addi %mul3A_2, %add3A_480 : i32
    %dma_start3A_482 = arith.constant 176 : i32
    %dma_start3A_483 = tpu.memref_slice %arg6[%dma_start3A_482] : memref<256xi32, #tpu.memory_space<vmem>> -> memref<16xi32, #tpu.memory_space<vmem>>
    %dma_start3A_484 = arith.constant 0 : i32
    %dma_start3A_485 = arith.constant 0 : i32
    %dma_start3A_486 = tpu.memref_slice %arg3[%dma_start3A_484, %dma_start3A_485] : memref<100000x1024xf32, #tpu.memory_space<hbm>> -> memref<100000x1024xf32, #tpu.memory_space<hbm>>
    tpu.enqueue_indirect_dma source(%dma_start3A_486 : memref<100000x1024xf32, #tpu.memory_space<hbm>>) target(%arg9 : memref<16x1024xf32, #tpu.memory_space<vmem>>) offsets(%dma_start3A_483 : memref<16xi32, #tpu.memory_space<vmem>>) semaphore(%arg13 : memref<!tpu.dma_semaphore, #tpu.memory_space<semaphore_mem>>)
    %dma_start3A_487 = arith.constant 3 : i32
    %dma_start3A_488 = arith.constant 0 : i32
    %dma_start3A_489 = tpu.memref_slice %arg5[%dma_start3A_487, %add3A_464, %dma_start3A_488] : memref<4x2048x1024xf32, #tpu.memory_space<hbm>> -> memref<1x16x1024xf32, #tpu.memory_space<hbm>>
    %dma_start3A_490 = tpu.memref_squeeze %dma_start3A_489 : memref<1x16x1024xf32, #tpu.memory_space<hbm>> -> memref<16x1024xf32, #tpu.memory_space<hbm>>
    %dma_start3A_491 = arith.constant 0 : i32
    %dma_start3A_492 = tpu.memref_slice %arg5[%dma_start3A_487, %add3A_464, %dma_start3A_491] : memref<4x2048x1024xf32, #tpu.memory_space<hbm>> -> memref<1x16x1024xf32, #tpu.memory_space<hbm>>
    %dma_start3A_493 = tpu.memref_squeeze %dma_start3A_492 : memref<1x16x1024xf32, #tpu.memory_space<hbm>> -> memref<16x1024xf32, #tpu.memory_space<hbm>>
    tpu.enqueue_dma source(%arg10 : memref<16x1024xf32, #tpu.memory_space<vmem>>) target(%dma_start3A_493 : memref<16x1024xf32, #tpu.memory_space<hbm>>) target_semaphore(%arg14 : memref<!tpu.dma_semaphore, #tpu.memory_space<semaphore_mem>>)
    %add3A_494 = arith.constant 48 : i32
    %add3A_495 = arith.addi %mul3A_2, %add3A_494 : i32
    %dma_wait3A_496 = arith.constant 0 : i32
    %dma_wait3A_497 = tpu.memref_slice %arg4[%add3A_340, %dma_wait3A_496] : memref<2048x1024xf32, #tpu.memory_space<hbm>> -> memref<16x1024xf32, #tpu.memory_space<hbm>>
    %dma_wait3A_498 = arith.constant 0 : i32
    %dma_wait3A_499 = tpu.memref_slice %arg4[%add3A_340, %dma_wait3A_498] : memref<2048x1024xf32, #tpu.memory_space<hbm>> -> memref<16x1024xf32, #tpu.memory_space<hbm>>
    tpu.wait_dma2 semaphore(%arg15 : memref<!tpu.dma_semaphore, #tpu.memory_space<semaphore_mem>>) src(%dma_wait3A_499 : memref<16x1024xf32, #tpu.memory_space<hbm>>) dst(%arg12 : memref<16x1024xf32, #tpu.memory_space<vmem>>)
    %dma_wait3A_500 = arith.constant 48 : i32
    %dma_wait3A_501 = tpu.memref_slice %arg6[%dma_wait3A_500] : memref<256xi32, #tpu.memory_space<vmem>> -> memref<16xi32, #tpu.memory_space<vmem>>
    %dma_wait3A_502 = arith.constant 0 : i32
    %dma_wait3A_503 = arith.constant 0 : i32
    %dma_wait3A_504 = tpu.memref_slice %arg3[%dma_wait3A_502, %dma_wait3A_503] : memref<100000x1024xf32, #tpu.memory_space<hbm>> -> memref<100000x1024xf32, #tpu.memory_space<hbm>>
    tpu.wait_indirect_dma semaphore(%arg13 : memref<!tpu.dma_semaphore, #tpu.memory_space<semaphore_mem>>) src(%dma_wait3A_504 : memref<100000x1024xf32, #tpu.memory_space<hbm>>) dst(%arg7 : memref<16x1024xf32, #tpu.memory_space<vmem>>)
    %parallel_loop3A_505 = arith.constant 0 : i32
    %parallel_loop3A_506 = arith.constant 1024 : i32
    %parallel_loop3A_507 = arith.constant 1 : i32
    scf.for %parallel_loop3A_651 = %parallel_loop3A_505 to %parallel_loop3A_506 step %parallel_loop3A_507  : i32 {
      %parallel_loop3A_652 = arith.constant 6 : i32
      %parallel_loop3A_653 = arith.shrui %parallel_loop3A_651, %parallel_loop3A_652 : i32
      %parallel_loop3A_654 = arith.constant 0 : i32
      %parallel_loop3A_655 = arith.addi %parallel_loop3A_654, %parallel_loop3A_653 : i32
      %parallel_loop3A_656 = arith.constant 63 : i32
      %parallel_loop3A_657 = arith.andi %parallel_loop3A_651, %parallel_loop3A_656 : i32
      %parallel_loop3A_658 = arith.constant 4 : i32
      %parallel_loop3A_659 = arith.shli %parallel_loop3A_657, %parallel_loop3A_658 : i32
      %parallel_loop3A_660 = tpu.assume_multiple %parallel_loop3A_659, 16 : i32
      %parallel_loop3A_661 = arith.index_cast %parallel_loop3A_655 : i32 to index
      %parallel_loop3A_662 = arith.index_cast %parallel_loop3A_660 : i32 to index
      %parallel_loop3A_663 = tpu.vector_load %arg12[%parallel_loop3A_661, %parallel_loop3A_662] {strides = array<i32>} : memref<16x1024xf32, #tpu.memory_space<vmem>>, vector<1x16xf32>,
      %parallel_loop3A_664 = vector.shape_cast %parallel_loop3A_663 : vector<1x16xf32> to vector<16xf32>
      %parallel_loop3A_665 = arith.index_cast %parallel_loop3A_655 : i32 to index
      %parallel_loop3A_666 = arith.index_cast %parallel_loop3A_660 : i32 to index
      %parallel_loop3A_667 = tpu.vector_load %arg7[%parallel_loop3A_665, %parallel_loop3A_666] {strides = array<i32>} : memref<16x1024xf32, #tpu.memory_space<vmem>>, vector<1x16xf32>,
      %parallel_loop3A_668 = vector.shape_cast %parallel_loop3A_667 : vector<1x16xf32> to vector<16xf32>
      %parallel_loop3A_669 = vector.shape_cast %parallel_loop3A_664 : vector<16xf32> to vector<1x16xf32>
      tpu.vector_store %arg7[%parallel_loop3A_665, %parallel_loop3A_666], %parallel_loop3A_669 {add = true, strides = array<i32>} : memref<16x1024xf32, #tpu.memory_space<vmem>>, vector<1x16xf32>,
    } {sc.loop_unroll_factor = 8 : i64, sc.parallel_access}
    %dma_wait3A_508 = arith.constant 3 : i32
    %dma_wait3A_509 = arith.constant 0 : i32
    %dma_wait3A_510 = tpu.memref_slice %arg5[%dma_wait3A_508, %add3A_464, %dma_wait3A_509] : memref<4x2048x1024xf32, #tpu.memory_space<hbm>> -> memref<1x16x1024xf32, #tpu.memory_space<hbm>>
    %dma_wait3A_511 = tpu.memref_squeeze %dma_wait3A_510 : memref<1x16x1024xf32, #tpu.memory_space<hbm>> -> memref<16x1024xf32, #tpu.memory_space<hbm>>
    %dma_wait3A_512 = arith.constant 0 : i32
    %dma_wait3A_513 = tpu.memref_slice %arg5[%dma_wait3A_508, %add3A_464, %dma_wait3A_512] : memref<4x2048x1024xf32, #tpu.memory_space<hbm>> -> memref<1x16x1024xf32, #tpu.memory_space<hbm>>
    %dma_wait3A_514 = tpu.memref_squeeze %dma_wait3A_513 : memref<1x16x1024xf32, #tpu.memory_space<hbm>> -> memref<16x1024xf32, #tpu.memory_space<hbm>>
    tpu.wait_dma2 semaphore(%arg14 : memref<!tpu.dma_semaphore, #tpu.memory_space<semaphore_mem>>) src(%arg10 : memref<16x1024xf32, #tpu.memory_space<vmem>>) dst(%dma_wait3A_514 : memref<16x1024xf32, #tpu.memory_space<hbm>>)
    %add3A_515 = arith.constant 48 : i32
    %add3A_516 = arith.addi %mul3A_2, %add3A_515 : i32
    %dma_start3A_517 = arith.constant 240 : i32
    %dma_start3A_518 = tpu.memref_slice %arg6[%dma_start3A_517] : memref<256xi32, #tpu.memory_space<vmem>> -> memref<16xi32, #tpu.memory_space<vmem>>
    %dma_start3A_519 = arith.constant 0 : i32
    %dma_start3A_520 = arith.constant 0 : i32
    %dma_start3A_521 = tpu.memref_slice %arg3[%dma_start3A_519, %dma_start3A_520] : memref<100000x1024xf32, #tpu.memory_space<hbm>> -> memref<100000x1024xf32, #tpu.memory_space<hbm>>
    tpu.enqueue_indirect_dma source(%dma_start3A_521 : memref<100000x1024xf32, #tpu.memory_space<hbm>>) target(%arg10 : memref<16x1024xf32, #tpu.memory_space<vmem>>) offsets(%dma_start3A_518 : memref<16xi32, #tpu.memory_space<vmem>>) semaphore(%arg13 : memref<!tpu.dma_semaphore, #tpu.memory_space<semaphore_mem>>)
    %dma_start3A_522 = arith.constant 0 : i32
    %dma_start3A_523 = arith.constant 0 : i32
    %dma_start3A_524 = tpu.memref_slice %arg5[%dma_start3A_522, %add3A_495, %dma_start3A_523] : memref<4x2048x1024xf32, #tpu.memory_space<hbm>> -> memref<1x16x1024xf32, #tpu.memory_space<hbm>>
    %dma_start3A_525 = tpu.memref_squeeze %dma_start3A_524 : memref<1x16x1024xf32, #tpu.memory_space<hbm>> -> memref<16x1024xf32, #tpu.memory_space<hbm>>
    %dma_start3A_526 = arith.constant 0 : i32
    %dma_start3A_527 = tpu.memref_slice %arg5[%dma_start3A_522, %add3A_495, %dma_start3A_526] : memref<4x2048x1024xf32, #tpu.memory_space<hbm>> -> memref<1x16x1024xf32, #tpu.memory_space<hbm>>
    %dma_start3A_528 = tpu.memref_squeeze %dma_start3A_527 : memref<1x16x1024xf32, #tpu.memory_space<hbm>> -> memref<16x1024xf32, #tpu.memory_space<hbm>>
    tpu.enqueue_dma source(%arg7 : memref<16x1024xf32, #tpu.memory_space<vmem>>) target(%dma_start3A_528 : memref<16x1024xf32, #tpu.memory_space<hbm>>) target_semaphore(%arg14 : memref<!tpu.dma_semaphore, #tpu.memory_space<semaphore_mem>>)
    %add3A_529 = arith.constant 48 : i32
    %add3A_530 = arith.addi %mul3A_2, %add3A_529 : i32
    %dma_wait3A_531 = arith.constant 112 : i32
    %dma_wait3A_532 = tpu.memref_slice %arg6[%dma_wait3A_531] : memref<256xi32, #tpu.memory_space<vmem>> -> memref<16xi32, #tpu.memory_space<vmem>>
    %dma_wait3A_533 = arith.constant 0 : i32
    %dma_wait3A_534 = arith.constant 0 : i32
    %dma_wait3A_535 = tpu.memref_slice %arg3[%dma_wait3A_533, %dma_wait3A_534] : memref<100000x1024xf32, #tpu.memory_space<hbm>> -> memref<100000x1024xf32, #tpu.memory_space<hbm>>
    tpu.wait_indirect_dma semaphore(%arg13 : memref<!tpu.dma_semaphore, #tpu.memory_space<semaphore_mem>>) src(%dma_wait3A_535 : memref<100000x1024xf32, #tpu.memory_space<hbm>>) dst(%arg8 : memref<16x1024xf32, #tpu.memory_space<vmem>>)
    %parallel_loop3A_536 = arith.constant 0 : i32
    %parallel_loop3A_537 = arith.constant 1024 : i32
    %parallel_loop3A_538 = arith.constant 1 : i32
    scf.for %parallel_loop3A_651 = %parallel_loop3A_536 to %parallel_loop3A_537 step %parallel_loop3A_538  : i32 {
      %parallel_loop3A_652 = arith.constant 6 : i32
      %parallel_loop3A_653 = arith.shrui %parallel_loop3A_651, %parallel_loop3A_652 : i32
      %parallel_loop3A_654 = arith.constant 0 : i32
      %parallel_loop3A_655 = arith.addi %parallel_loop3A_654, %parallel_loop3A_653 : i32
      %parallel_loop3A_656 = arith.constant 63 : i32
      %parallel_loop3A_657 = arith.andi %parallel_loop3A_651, %parallel_loop3A_656 : i32
      %parallel_loop3A_658 = arith.constant 4 : i32
      %parallel_loop3A_659 = arith.shli %parallel_loop3A_657, %parallel_loop3A_658 : i32
      %parallel_loop3A_660 = tpu.assume_multiple %parallel_loop3A_659, 16 : i32
      %parallel_loop3A_661 = arith.index_cast %parallel_loop3A_655 : i32 to index
      %parallel_loop3A_662 = arith.index_cast %parallel_loop3A_660 : i32 to index
      %parallel_loop3A_663 = tpu.vector_load %arg12[%parallel_loop3A_661, %parallel_loop3A_662] {strides = array<i32>} : memref<16x1024xf32, #tpu.memory_space<vmem>>, vector<1x16xf32>,
      %parallel_loop3A_664 = vector.shape_cast %parallel_loop3A_663 : vector<1x16xf32> to vector<16xf32>
      %parallel_loop3A_665 = arith.index_cast %parallel_loop3A_655 : i32 to index
      %parallel_loop3A_666 = arith.index_cast %parallel_loop3A_660 : i32 to index
      %parallel_loop3A_667 = tpu.vector_load %arg8[%parallel_loop3A_665, %parallel_loop3A_666] {strides = array<i32>} : memref<16x1024xf32, #tpu.memory_space<vmem>>, vector<1x16xf32>,
      %parallel_loop3A_668 = vector.shape_cast %parallel_loop3A_667 : vector<1x16xf32> to vector<16xf32>
      %parallel_loop3A_669 = vector.shape_cast %parallel_loop3A_664 : vector<16xf32> to vector<1x16xf32>
      tpu.vector_store %arg8[%parallel_loop3A_665, %parallel_loop3A_666], %parallel_loop3A_669 {add = true, strides = array<i32>} : memref<16x1024xf32, #tpu.memory_space<vmem>>, vector<1x16xf32>,
    } {sc.loop_unroll_factor = 8 : i64, sc.parallel_access}
    %dma_wait3A_539 = arith.constant 0 : i32
    %dma_wait3A_540 = arith.constant 0 : i32
    %dma_wait3A_541 = tpu.memref_slice %arg5[%dma_wait3A_539, %add3A_495, %dma_wait3A_540] : memref<4x2048x1024xf32, #tpu.memory_space<hbm>> -> memref<1x16x1024xf32, #tpu.memory_space<hbm>>
    %dma_wait3A_542 = tpu.memref_squeeze %dma_wait3A_541 : memref<1x16x1024xf32, #tpu.memory_space<hbm>> -> memref<16x1024xf32, #tpu.memory_space<hbm>>
    %dma_wait3A_543 = arith.constant 0 : i32
    %dma_wait3A_544 = tpu.memref_slice %arg5[%dma_wait3A_539, %add3A_495, %dma_wait3A_543] : memref<4x2048x1024xf32, #tpu.memory_space<hbm>> -> memref<1x16x1024xf32, #tpu.memory_space<hbm>>
    %dma_wait3A_545 = tpu.memref_squeeze %dma_wait3A_544 : memref<1x16x1024xf32, #tpu.memory_space<hbm>> -> memref<16x1024xf32, #tpu.memory_space<hbm>>
    tpu.wait_dma2 semaphore(%arg14 : memref<!tpu.dma_semaphore, #tpu.memory_space<semaphore_mem>>) src(%arg7 : memref<16x1024xf32, #tpu.memory_space<vmem>>) dst(%dma_wait3A_545 : memref<16x1024xf32, #tpu.memory_space<hbm>>)
    %dma_start3A_546 = arith.constant 1 : i32
    %dma_start3A_547 = arith.constant 0 : i32
    %dma_start3A_548 = tpu.memref_slice %arg5[%dma_start3A_546, %add3A_530, %dma_start3A_547] : memref<4x2048x1024xf32, #tpu.memory_space<hbm>> -> memref<1x16x1024xf32, #tpu.memory_space<hbm>>
    %dma_start3A_549 = tpu.memref_squeeze %dma_start3A_548 : memref<1x16x1024xf32, #tpu.memory_space<hbm>> -> memref<16x1024xf32, #tpu.memory_space<hbm>>
    %dma_start3A_550 = arith.constant 0 : i32
    %dma_start3A_551 = tpu.memref_slice %arg5[%dma_start3A_546, %add3A_530, %dma_start3A_550] : memref<4x2048x1024xf32, #tpu.memory_space<hbm>> -> memref<1x16x1024xf32, #tpu.memory_space<hbm>>
    %dma_start3A_552 = tpu.memref_squeeze %dma_start3A_551 : memref<1x16x1024xf32, #tpu.memory_space<hbm>> -> memref<16x1024xf32, #tpu.memory_space<hbm>>
    tpu.enqueue_dma source(%arg8 : memref<16x1024xf32, #tpu.memory_space<vmem>>) target(%dma_start3A_552 : memref<16x1024xf32, #tpu.memory_space<hbm>>) target_semaphore(%arg14 : memref<!tpu.dma_semaphore, #tpu.memory_space<semaphore_mem>>)
    %add3A_553 = arith.constant 48 : i32
    %add3A_554 = arith.addi %mul3A_2, %add3A_553 : i32
    %dma_wait3A_555 = arith.constant 176 : i32
    %dma_wait3A_556 = tpu.memref_slice %arg6[%dma_wait3A_555] : memref<256xi32, #tpu.memory_space<vmem>> -> memref<16xi32, #tpu.memory_space<vmem>>
    %dma_wait3A_557 = arith.constant 0 : i32
    %dma_wait3A_558 = arith.constant 0 : i32
    %dma_wait3A_559 = tpu.memref_slice %arg3[%dma_wait3A_557, %dma_wait3A_558] : memref<100000x1024xf32, #tpu.memory_space<hbm>> -> memref<100000x1024xf32, #tpu.memory_space<hbm>>
    tpu.wait_indirect_dma semaphore(%arg13 : memref<!tpu.dma_semaphore, #tpu.memory_space<semaphore_mem>>) src(%dma_wait3A_559 : memref<100000x1024xf32, #tpu.memory_space<hbm>>) dst(%arg9 : memref<16x1024xf32, #tpu.memory_space<vmem>>)
    %parallel_loop3A_560 = arith.constant 0 : i32
    %parallel_loop3A_561 = arith.constant 1024 : i32
    %parallel_loop3A_562 = arith.constant 1 : i32
    scf.for %parallel_loop3A_651 = %parallel_loop3A_560 to %parallel_loop3A_561 step %parallel_loop3A_562  : i32 {
      %parallel_loop3A_652 = arith.constant 6 : i32
      %parallel_loop3A_653 = arith.shrui %parallel_loop3A_651, %parallel_loop3A_652 : i32
      %parallel_loop3A_654 = arith.constant 0 : i32
      %parallel_loop3A_655 = arith.addi %parallel_loop3A_654, %parallel_loop3A_653 : i32
      %parallel_loop3A_656 = arith.constant 63 : i32
      %parallel_loop3A_657 = arith.andi %parallel_loop3A_651, %parallel_loop3A_656 : i32
      %parallel_loop3A_658 = arith.constant 4 : i32
      %parallel_loop3A_659 = arith.shli %parallel_loop3A_657, %parallel_loop3A_658 : i32
      %parallel_loop3A_660 = tpu.assume_multiple %parallel_loop3A_659, 16 : i32
      %parallel_loop3A_661 = arith.index_cast %parallel_loop3A_655 : i32 to index
      %parallel_loop3A_662 = arith.index_cast %parallel_loop3A_660 : i32 to index
      %parallel_loop3A_663 = tpu.vector_load %arg12[%parallel_loop3A_661, %parallel_loop3A_662] {strides = array<i32>} : memref<16x1024xf32, #tpu.memory_space<vmem>>, vector<1x16xf32>,
      %parallel_loop3A_664 = vector.shape_cast %parallel_loop3A_663 : vector<1x16xf32> to vector<16xf32>
      %parallel_loop3A_665 = arith.index_cast %parallel_loop3A_655 : i32 to index
      %parallel_loop3A_666 = arith.index_cast %parallel_loop3A_660 : i32 to index
      %parallel_loop3A_667 = tpu.vector_load %arg9[%parallel_loop3A_665, %parallel_loop3A_666] {strides = array<i32>} : memref<16x1024xf32, #tpu.memory_space<vmem>>, vector<1x16xf32>,
      %parallel_loop3A_668 = vector.shape_cast %parallel_loop3A_667 : vector<1x16xf32> to vector<16xf32>
      %parallel_loop3A_669 = vector.shape_cast %parallel_loop3A_664 : vector<16xf32> to vector<1x16xf32>
      tpu.vector_store %arg9[%parallel_loop3A_665, %parallel_loop3A_666], %parallel_loop3A_669 {add = true, strides = array<i32>} : memref<16x1024xf32, #tpu.memory_space<vmem>>, vector<1x16xf32>,
    } {sc.loop_unroll_factor = 8 : i64, sc.parallel_access}
    %dma_wait3A_563 = arith.constant 1 : i32
    %dma_wait3A_564 = arith.constant 0 : i32
    %dma_wait3A_565 = tpu.memref_slice %arg5[%dma_wait3A_563, %add3A_530, %dma_wait3A_564] : memref<4x2048x1024xf32, #tpu.memory_space<hbm>> -> memref<1x16x1024xf32, #tpu.memory_space<hbm>>
    %dma_wait3A_566 = tpu.memref_squeeze %dma_wait3A_565 : memref<1x16x1024xf32, #tpu.memory_space<hbm>> -> memref<16x1024xf32, #tpu.memory_space<hbm>>
    %dma_wait3A_567 = arith.constant 0 : i32
    %dma_wait3A_568 = tpu.memref_slice %arg5[%dma_wait3A_563, %add3A_530, %dma_wait3A_567] : memref<4x2048x1024xf32, #tpu.memory_space<hbm>> -> memref<1x16x1024xf32, #tpu.memory_space<hbm>>
    %dma_wait3A_569 = tpu.memref_squeeze %dma_wait3A_568 : memref<1x16x1024xf32, #tpu.memory_space<hbm>> -> memref<16x1024xf32, #tpu.memory_space<hbm>>
    tpu.wait_dma2 semaphore(%arg14 : memref<!tpu.dma_semaphore, #tpu.memory_space<semaphore_mem>>) src(%arg8 : memref<16x1024xf32, #tpu.memory_space<vmem>>) dst(%dma_wait3A_569 : memref<16x1024xf32, #tpu.memory_space<hbm>>)
    %dma_start3A_570 = arith.constant 2 : i32
    %dma_start3A_571 = arith.constant 0 : i32
    %dma_start3A_572 = tpu.memref_slice %arg5[%dma_start3A_570, %add3A_554, %dma_start3A_571] : memref<4x2048x1024xf32, #tpu.memory_space<hbm>> -> memref<1x16x1024xf32, #tpu.memory_space<hbm>>
    %dma_start3A_573 = tpu.memref_squeeze %dma_start3A_572 : memref<1x16x1024xf32, #tpu.memory_space<hbm>> -> memref<16x1024xf32, #tpu.memory_space<hbm>>
    %dma_start3A_574 = arith.constant 0 : i32
    %dma_start3A_575 = tpu.memref_slice %arg5[%dma_start3A_570, %add3A_554, %dma_start3A_574] : memref<4x2048x1024xf32, #tpu.memory_space<hbm>> -> memref<1x16x1024xf32, #tpu.memory_space<hbm>>
    %dma_start3A_576 = tpu.memref_squeeze %dma_start3A_575 : memref<1x16x1024xf32, #tpu.memory_space<hbm>> -> memref<16x1024xf32, #tpu.memory_space<hbm>>
    tpu.enqueue_dma source(%arg9 : memref<16x1024xf32, #tpu.memory_space<vmem>>) target(%dma_start3A_576 : memref<16x1024xf32, #tpu.memory_space<hbm>>) target_semaphore(%arg14 : memref<!tpu.dma_semaphore, #tpu.memory_space<semaphore_mem>>)
    %add3A_577 = arith.constant 48 : i32
    %add3A_578 = arith.addi %mul3A_2, %add3A_577 : i32
    %dma_wait3A_579 = arith.constant 240 : i32
    %dma_wait3A_580 = tpu.memref_slice %arg6[%dma_wait3A_579] : memref<256xi32, #tpu.memory_space<vmem>> -> memref<16xi32, #tpu.memory_space<vmem>>
    %dma_wait3A_581 = arith.constant 0 : i32
    %dma_wait3A_582 = arith.constant 0 : i32
    %dma_wait3A_583 = tpu.memref_slice %arg3[%dma_wait3A_581, %dma_wait3A_582] : memref<100000x1024xf32, #tpu.memory_space<hbm>> -> memref<100000x1024xf32, #tpu.memory_space<hbm>>
    tpu.wait_indirect_dma semaphore(%arg13 : memref<!tpu.dma_semaphore, #tpu.memory_space<semaphore_mem>>) src(%dma_wait3A_583 : memref<100000x1024xf32, #tpu.memory_space<hbm>>) dst(%arg10 : memref<16x1024xf32, #tpu.memory_space<vmem>>)
    %parallel_loop3A_584 = arith.constant 0 : i32
    %parallel_loop3A_585 = arith.constant 512 : i32
    %parallel_loop3A_586 = arith.constant 1 : i32
    scf.for %parallel_loop3A_651 = %parallel_loop3A_584 to %parallel_loop3A_585 step %parallel_loop3A_586  : i32 {
      %parallel_loop3A_652 = arith.constant 6 : i32
      %parallel_loop3A_653 = arith.shrui %parallel_loop3A_651, %parallel_loop3A_652 : i32
      %parallel_loop3A_654 = arith.constant 0 : i32
      %parallel_loop3A_655 = arith.addi %parallel_loop3A_654, %parallel_loop3A_653 : i32
      %parallel_loop3A_656 = arith.constant 63 : i32
      %parallel_loop3A_657 = arith.andi %parallel_loop3A_651, %parallel_loop3A_656 : i32
      %parallel_loop3A_658 = arith.constant 4 : i32
      %parallel_loop3A_659 = arith.shli %parallel_loop3A_657, %parallel_loop3A_658 : i32
      %parallel_loop3A_660 = tpu.assume_multiple %parallel_loop3A_659, 16 : i32
      %parallel_loop3A_661 = arith.index_cast %parallel_loop3A_655 : i32 to index
      %parallel_loop3A_662 = arith.index_cast %parallel_loop3A_660 : i32 to index
      %parallel_loop3A_663 = tpu.vector_load %arg12[%parallel_loop3A_661, %parallel_loop3A_662] {strides = array<i32>} : memref<16x1024xf32, #tpu.memory_space<vmem>>, vector<1x16xf32>,
      %parallel_loop3A_664 = vector.shape_cast %parallel_loop3A_663 : vector<1x16xf32> to vector<16xf32>
      %parallel_loop3A_665 = arith.index_cast %parallel_loop3A_655 : i32 to index
      %parallel_loop3A_666 = arith.index_cast %parallel_loop3A_660 : i32 to index
      %parallel_loop3A_667 = tpu.vector_load %arg10[%parallel_loop3A_665, %parallel_loop3A_666] {strides = array<i32>} : memref<16x1024xf32, #tpu.memory_space<vmem>>, vector<1x16xf32>,
      %parallel_loop3A_668 = vector.shape_cast %parallel_loop3A_667 : vector<1x16xf32> to vector<16xf32>
      %parallel_loop3A_669 = vector.shape_cast %parallel_loop3A_664 : vector<16xf32> to vector<1x16xf32>
      tpu.vector_store %arg10[%parallel_loop3A_665, %parallel_loop3A_666], %parallel_loop3A_669 {add = true, strides = array<i32>} : memref<16x1024xf32, #tpu.memory_space<vmem>>, vector<1x16xf32>,
    } {sc.loop_unroll_factor = 8 : i64, sc.parallel_access}
    %dma_start3A_587 = arith.constant 3 : i32
    %dma_start3A_588 = arith.constant 0 : i32
    %dma_start3A_589 = arith.constant 0 : i32
    %dma_start3A_590 = tpu.memref_slice %arg10[%dma_start3A_588, %dma_start3A_589] : memref<16x1024xf32, #tpu.memory_space<vmem>> -> memref<8x1024xf32, #tpu.memory_space<vmem>>
    %dma_start3A_591 = arith.constant 0 : i32
    %dma_start3A_592 = tpu.memref_slice %arg5[%dma_start3A_587, %add3A_578, %dma_start3A_591] : memref<4x2048x1024xf32, #tpu.memory_space<hbm>> -> memref<1x8x1024xf32, #tpu.memory_space<hbm>>
    %dma_start3A_593 = tpu.memref_squeeze %dma_start3A_592 : memref<1x8x1024xf32, #tpu.memory_space<hbm>> -> memref<8x1024xf32, #tpu.memory_space<hbm>>
    %dma_start3A_594 = arith.constant 0 : i32
    %dma_start3A_595 = tpu.memref_slice %arg5[%dma_start3A_587, %add3A_578, %dma_start3A_594] : memref<4x2048x1024xf32, #tpu.memory_space<hbm>> -> memref<1x8x1024xf32, #tpu.memory_space<hbm>>
    %dma_start3A_596 = tpu.memref_squeeze %dma_start3A_595 : memref<1x8x1024xf32, #tpu.memory_space<hbm>> -> memref<8x1024xf32, #tpu.memory_space<hbm>>
    %dma_start3A_597 = arith.constant 0 : i32
    %dma_start3A_598 = arith.constant 0 : i32
    %dma_start3A_599 = tpu.memref_slice %arg10[%dma_start3A_597, %dma_start3A_598] : memref<16x1024xf32, #tpu.memory_space<vmem>> -> memref<8x1024xf32, #tpu.memory_space<vmem>>
    tpu.enqueue_dma source(%dma_start3A_599 : memref<8x1024xf32, #tpu.memory_space<vmem>>) target(%dma_start3A_596 : memref<8x1024xf32, #tpu.memory_space<hbm>>) target_semaphore(%arg14 : memref<!tpu.dma_semaphore, #tpu.memory_space<semaphore_mem>>)
    %parallel_loop3A_600 = arith.constant 0 : i32
    %parallel_loop3A_601 = arith.constant 512 : i32
    %parallel_loop3A_602 = arith.constant 1 : i32
    scf.for %parallel_loop3A_651 = %parallel_loop3A_600 to %parallel_loop3A_601 step %parallel_loop3A_602  : i32 {
      %parallel_loop3A_652 = arith.constant 6 : i32
      %parallel_loop3A_653 = arith.shrui %parallel_loop3A_651, %parallel_loop3A_652 : i32
      %parallel_loop3A_654 = arith.constant 8 : i32
      %parallel_loop3A_655 = arith.addi %parallel_loop3A_654, %parallel_loop3A_653 : i32
      %parallel_loop3A_656 = arith.constant 63 : i32
      %parallel_loop3A_657 = arith.andi %parallel_loop3A_651, %parallel_loop3A_656 : i32
      %parallel_loop3A_658 = arith.constant 4 : i32
      %parallel_loop3A_659 = arith.shli %parallel_loop3A_657, %parallel_loop3A_658 : i32
      %parallel_loop3A_660 = tpu.assume_multiple %parallel_loop3A_659, 16 : i32
      %parallel_loop3A_661 = arith.index_cast %parallel_loop3A_655 : i32 to index
      %parallel_loop3A_662 = arith.index_cast %parallel_loop3A_660 : i32 to index
      %parallel_loop3A_663 = tpu.vector_load %arg12[%parallel_loop3A_661, %parallel_loop3A_662] {strides = array<i32>} : memref<16x1024xf32, #tpu.memory_space<vmem>>, vector<1x16xf32>,
      %parallel_loop3A_664 = vector.shape_cast %parallel_loop3A_663 : vector<1x16xf32> to vector<16xf32>
      %parallel_loop3A_665 = arith.index_cast %parallel_loop3A_655 : i32 to index
      %parallel_loop3A_666 = arith.index_cast %parallel_loop3A_660 : i32 to index
      %parallel_loop3A_667 = tpu.vector_load %arg10[%parallel_loop3A_665, %parallel_loop3A_666] {strides = array<i32>} : memref<16x1024xf32, #tpu.memory_space<vmem>>, vector<1x16xf32>,
      %parallel_loop3A_668 = vector.shape_cast %parallel_loop3A_667 : vector<1x16xf32> to vector<16xf32>
      %parallel_loop3A_669 = vector.shape_cast %parallel_loop3A_664 : vector<16xf32> to vector<1x16xf32>
      tpu.vector_store %arg10[%parallel_loop3A_665, %parallel_loop3A_666], %parallel_loop3A_669 {add = true, strides = array<i32>} : memref<16x1024xf32, #tpu.memory_space<vmem>>, vector<1x16xf32>,
    } {sc.loop_unroll_factor = 8 : i64, sc.parallel_access}
    %add3A_603 = arith.constant 8 : i32
    %add3A_604 = arith.addi %add3A_578, %add3A_603 : i32
    %dma_start3A_605 = arith.constant 3 : i32
    %dma_start3A_606 = arith.constant 8 : i32
    %dma_start3A_607 = arith.constant 0 : i32
    %dma_start3A_608 = tpu.memref_slice %arg10[%dma_start3A_606, %dma_start3A_607] : memref<16x1024xf32, #tpu.memory_space<vmem>> -> memref<8x1024xf32, #tpu.memory_space<vmem>>
    %dma_start3A_609 = arith.constant 0 : i32
    %dma_start3A_610 = tpu.memref_slice %arg5[%dma_start3A_605, %add3A_604, %dma_start3A_609] : memref<4x2048x1024xf32, #tpu.memory_space<hbm>> -> memref<1x8x1024xf32, #tpu.memory_space<hbm>>
    %dma_start3A_611 = tpu.memref_squeeze %dma_start3A_610 : memref<1x8x1024xf32, #tpu.memory_space<hbm>> -> memref<8x1024xf32, #tpu.memory_space<hbm>>
    %dma_start3A_612 = arith.constant 0 : i32
    %dma_start3A_613 = tpu.memref_slice %arg5[%dma_start3A_605, %add3A_604, %dma_start3A_612] : memref<4x2048x1024xf32, #tpu.memory_space<hbm>> -> memref<1x8x1024xf32, #tpu.memory_space<hbm>>
    %dma_start3A_614 = tpu.memref_squeeze %dma_start3A_613 : memref<1x8x1024xf32, #tpu.memory_space<hbm>> -> memref<8x1024xf32, #tpu.memory_space<hbm>>
    %dma_start3A_615 = arith.constant 8 : i32
    %dma_start3A_616 = arith.constant 0 : i32
    %dma_start3A_617 = tpu.memref_slice %arg10[%dma_start3A_615, %dma_start3A_616] : memref<16x1024xf32, #tpu.memory_space<vmem>> -> memref<8x1024xf32, #tpu.memory_space<vmem>>
    tpu.enqueue_dma source(%dma_start3A_617 : memref<8x1024xf32, #tpu.memory_space<vmem>>) target(%dma_start3A_614 : memref<8x1024xf32, #tpu.memory_space<hbm>>) target_semaphore(%arg14 : memref<!tpu.dma_semaphore, #tpu.memory_space<semaphore_mem>>)
    %dma_wait3A_618 = arith.constant 2 : i32
    %dma_wait3A_619 = arith.constant 0 : i32
    %dma_wait3A_620 = tpu.memref_slice %arg5[%dma_wait3A_618, %add3A_554, %dma_wait3A_619] : memref<4x2048x1024xf32, #tpu.memory_space<hbm>> -> memref<1x16x1024xf32, #tpu.memory_space<hbm>>
    %dma_wait3A_621 = tpu.memref_squeeze %dma_wait3A_620 : memref<1x16x1024xf32, #tpu.memory_space<hbm>> -> memref<16x1024xf32, #tpu.memory_space<hbm>>
    %dma_wait3A_622 = arith.constant 0 : i32
    %dma_wait3A_623 = tpu.memref_slice %arg5[%dma_wait3A_618, %add3A_554, %dma_wait3A_622] : memref<4x2048x1024xf32, #tpu.memory_space<hbm>> -> memref<1x16x1024xf32, #tpu.memory_space<hbm>>
    %dma_wait3A_624 = tpu.memref_squeeze %dma_wait3A_623 : memref<1x16x1024xf32, #tpu.memory_space<hbm>> -> memref<16x1024xf32, #tpu.memory_space<hbm>>
    tpu.wait_dma2 semaphore(%arg14 : memref<!tpu.dma_semaphore, #tpu.memory_space<semaphore_mem>>) src(%arg9 : memref<16x1024xf32, #tpu.memory_space<vmem>>) dst(%dma_wait3A_624 : memref<16x1024xf32, #tpu.memory_space<hbm>>)
    %dma_wait3A_625 = arith.constant 3 : i32
    %dma_wait3A_626 = arith.constant 0 : i32
    %dma_wait3A_627 = arith.constant 0 : i32
    %dma_wait3A_628 = tpu.memref_slice %arg10[%dma_wait3A_626, %dma_wait3A_627] : memref<16x1024xf32, #tpu.memory_space<vmem>> -> memref<8x1024xf32, #tpu.memory_space<vmem>>
    %dma_wait3A_629 = arith.constant 0 : i32
    %dma_wait3A_630 = tpu.memref_slice %arg5[%dma_wait3A_625, %add3A_578, %dma_wait3A_629] : memref<4x2048x1024xf32, #tpu.memory_space<hbm>> -> memref<1x8x1024xf32, #tpu.memory_space<hbm>>
    %dma_wait3A_631 = tpu.memref_squeeze %dma_wait3A_630 : memref<1x8x1024xf32, #tpu.memory_space<hbm>> -> memref<8x1024xf32, #tpu.memory_space<hbm>>
    %dma_wait3A_632 = arith.constant 0 : i32
    %dma_wait3A_633 = tpu.memref_slice %arg5[%dma_wait3A_625, %add3A_578, %dma_wait3A_632] : memref<4x2048x1024xf32, #tpu.memory_space<hbm>> -> memref<1x8x1024xf32, #tpu.memory_space<hbm>>
    %dma_wait3A_634 = tpu.memref_squeeze %dma_wait3A_633 : memref<1x8x1024xf32, #tpu.memory_space<hbm>> -> memref<8x1024xf32, #tpu.memory_space<hbm>>
    %dma_wait3A_635 = arith.constant 0 : i32
    %dma_wait3A_636 = arith.constant 0 : i32
    %dma_wait3A_637 = tpu.memref_slice %arg10[%dma_wait3A_635, %dma_wait3A_636] : memref<16x1024xf32, #tpu.memory_space<vmem>> -> memref<8x1024xf32, #tpu.memory_space<vmem>>
    tpu.wait_dma2 semaphore(%arg14 : memref<!tpu.dma_semaphore, #tpu.memory_space<semaphore_mem>>) src(%dma_wait3A_637 : memref<8x1024xf32, #tpu.memory_space<vmem>>) dst(%dma_wait3A_634 : memref<8x1024xf32, #tpu.memory_space<hbm>>)
    %dma_wait3A_638 = arith.constant 3 : i32
    %dma_wait3A_639 = arith.constant 8 : i32
    %dma_wait3A_640 = arith.constant 0 : i32
    %dma_wait3A_641 = tpu.memref_slice %arg10[%dma_wait3A_639, %dma_wait3A_640] : memref<16x1024xf32, #tpu.memory_space<vmem>> -> memref<8x1024xf32, #tpu.memory_space<vmem>>
    %dma_wait3A_642 = arith.constant 0 : i32
    %dma_wait3A_643 = tpu.memref_slice %arg5[%dma_wait3A_638, %add3A_604, %dma_wait3A_642] : memref<4x2048x1024xf32, #tpu.memory_space<hbm>> -> memref<1x8x1024xf32, #tpu.memory_space<hbm>>
    %dma_wait3A_644 = tpu.memref_squeeze %dma_wait3A_643 : memref<1x8x1024xf32, #tpu.memory_space<hbm>> -> memref<8x1024xf32, #tpu.memory_space<hbm>>
    %dma_wait3A_645 = arith.constant 0 : i32
    %dma_wait3A_646 = tpu.memref_slice %arg5[%dma_wait3A_638, %add3A_604, %dma_wait3A_645] : memref<4x2048x1024xf32, #tpu.memory_space<hbm>> -> memref<1x8x1024xf32, #tpu.memory_space<hbm>>
    %dma_wait3A_647 = tpu.memref_squeeze %dma_wait3A_646 : memref<1x8x1024xf32, #tpu.memory_space<hbm>> -> memref<8x1024xf32, #tpu.memory_space<hbm>>
    %dma_wait3A_648 = arith.constant 8 : i32
    %dma_wait3A_649 = arith.constant 0 : i32
    %dma_wait3A_650 = tpu.memref_slice %arg10[%dma_wait3A_648, %dma_wait3A_649] : memref<16x1024xf32, #tpu.memory_space<vmem>> -> memref<8x1024xf32, #tpu.memory_space<vmem>>
    tpu.wait_dma2 semaphore(%arg14 : memref<!tpu.dma_semaphore, #tpu.memory_space<semaphore_mem>>) src(%dma_wait3A_650 : memref<8x1024xf32, #tpu.memory_space<vmem>>) dst(%dma_wait3A_647 : memref<8x1024xf32, #tpu.memory_space<hbm>>)
    return
  }
}

</mosaic_0001>

<sc_bundles>
// kernel: _run.3.cloned.1.call-start
scs
__scs_entry_jumppad:
0x0: {  	(pc) =	sbr.rel $0x88, $3  }
0x1: {  	(tag) =	ssettag $0x0;
	lr =	simm.s32 $0x1  }
0x2: {  	[smem:$0x3F9E] =	sst lr;
	_ =	strace $0xD0000000  }
0x3: {  	_ = 	snop  }
0x4: {  	_ = 	snop  }
0x5: {  	_ = 	snop  }
0x6: {  	_ = 	snop  }
0x7: {  	_ = 	snop  }
__scs_overlays_trampoline_lowered:
0x8: {  	[smem:$0x3FAD] =	sst s0  }
0x9: {  	[smem:$0x3FAE] =	sst s1  }
0xa: {  	[smem:$0x3FAF] =	sst s2  }
0xb: {  	[smem:$0x3FB0] =	sst s3  }
0xc: {  	[smem:$0x3FB1] =	sst s4  }
0xd: {  	[smem:$0x3FB2] =	sst s5  }
0xe: {  	[smem:$0x3FB3] =	sst s6  }
0xf: {  	[smem:$0x3FB4] =	sst s7  }
0x10: {  	[smem:$0x3FB5] =	sst s8  }
0x11: {  	[smem:$0x3FB6] =	sst s9;
	s0 =	simm.s32 @!p0 $0x0  }
0x12: {  	s1 =	sld [smem:$0x3F9C];
	s0 =	simm.s32 @p0 $0x1  }
0x13: {  	[smem:$0x3FB7] =	sst s0;
	s0 =	simm.s32 @!p1 $0x0  }
0x14: {  	s2 =	sld [smem:$0x3F9B];
	s0 =	simm.s32 @p1 $0x1  }
0x15: {  	[smem:$0x3FB8] =	sst s0;
	s0 =	simm.s32 @!p2 $0x0  }
0x16: {  	s3 =	sld [smem:$0x3FDB];
	s0 =	simm.s32 @p2 $0x1  }
0x17: {  	s4 =	simm.s32 $0x1BF5;
	[smem:$0x3FBA] =	sst s0  }
0x18: {  	s0 =	sld [smem:$0x3F9D];
	_ =	swait.ge [sflag:s4], $0x0  }
0x19: {  	s7 =	sld [smem:$0x3F9E]  }
0x1a: {  	s8 =	sadd.s32 $0xFFFFE003, lr  }
0x1b: {  	s9 =	sadd.s32 $0xFFFFFEF7, lr;
	s5 =	simm.s32 $0xFFFFFFFF;
	p2 =	slt.u32 s8, $0xFFFFF086  }
0x1c: {  	p1 =	slt.u32 s9, $0xF7A;
	s5 =	simm.s32 @!p2 $0x0  }
0x1d: {  	s5 =	simm.s32 @p1 $0x1;
	p0 =	seq.s32 s7, s2  }
0x1e: {  	s7 =	smul.u32 @!p0 $0xF7A, s2;
	p2 =	seq.s32 @!p0 s5, $0x0  }
0x1f: {  	s9 =	smul.u32 $0xF7A, s1;
	s8 =	simm.s32 @!p0 $0x1BF5;
	p2 =	por !p2, p0  }
0x20: {  	[sflag:s8] =	ssyncset.s32 @!p0 $0xFFFFF086;
	s6 =	sadd.s32 @!p0 s3, s7;
	s7 =	simm.s32 @!p0 $0x108  }
0x21: {  	s3 =	sadd.s32 s3, s9;
	s6 =	sadd.s32 @!p0 $0x88, s6;
	s7 =	simm.s32 @p2 $0x1082  }
0x22: {  	[simem:s7], [sflag:s8] =	dma.local @!p0 [hbm:s6], $0xF7A  }
0x23: {  	s9 =	sor.u32 $0xD0000000, s2;
	s6 =	simm.s32 $0x108;
	_ =	swait.ge @!p0 [sflag:s8], $0x0  }
0x24: {  	s3 =	sadd.s32 $0x88, s3;
	s6 =	simm.s32 @!p1 $0x1082;
	[sflag:s4] =	ssyncset.s32 $0xFFFFF086  }
0x25: {  	[simem:s6], [sflag:s4] =	dma.local [hbm:s3], $0xF7A  }
0x26: {  	[smem:$0x3F9E] =	sst s1;
	(tag) =	ssettag s2;
	_ =	strace s9  }
0x27: {  	s1 =	sld [smem:$0x3FAE]  }
0x28: {  	s2 =	sld [smem:$0x3FAF]  }
0x29: {  	s4 =	sld [smem:$0x3FB1]  }
0x2a: {  	p0 =	seq.s32 s5, $0x0;
	s5 =	sld [smem:$0x3FB2]  }
0x2b: {  	s6 =	sld [smem:$0x3FB3]  }
0x2c: {  	s7 =	sld [smem:$0x3FB4]  }
0x2d: {  	s3 =	simm.s32 $0x108;
	s8 =	sld [smem:$0x3FB5]  }
0x2e: {  	s3 =	simm.s32 @!p0 $0x1082;
	s9 =	sld [smem:$0x3FB6]  }
0x2f: {  	lr =	sadd.s32 s0, s3;
	s0 =	sld [smem:$0x3FAD]  }
0x30: {  	s3 =	sld [smem:$0x3FB0]  }
0x31: {  	[smem:$0x3FB9] =	sst s10  }
0x32: {  	s10 =	sld [smem:$0x3FB7];
	_ =	sdelay $0x3  }
0x33: {  	p0 =	seq.s32 s10, $0x1;
	s10 =	sld [smem:$0x3FB9];
	_ =	sdelay $0x3  }
0x34: {  	[smem:$0x3FB9] =	sst s10  }
0x35: {  	s10 =	sld [smem:$0x3FB8];
	_ =	sdelay $0x3  }
0x36: {  	p1 =	seq.s32 s10, $0x1;
	s10 =	sld [smem:$0x3FB9];
	_ =	sdelay $0x3  }
0x37: {  	[smem:$0x3FB9] =	sst s10  }
0x38: {  	s10 =	sld [smem:$0x3FBA]  }
0x39: {  	_ = 	snop;
	(pc) =	sbr.ind lr, $3  }
0x3a: {  	_ = 	snop  }
0x3b: {  	_ = 	snop  }
0x3c: {  	p2 =	seq.s32 s10, $0x1;
	s10 =	sld [smem:$0x3FB9]  }
0x3d: {  	_ =	shalt  }
0x3e: {  	_ =	shalt  }
0x3f: {  	_ =	shalt  }
0x40: {  	_ =	shalt  }
0x41: {  	_ =	shalt  }
0x42: {  	_ =	shalt  }
0x43: {  	_ =	shalt  }
0x44: {  	_ =	shalt  }
0x45: {  	_ =	shalt  }
0x46: {  	_ =	shalt  }
0x47: {  	_ =	shalt  }
0x48: {  	_ =	shalt  }
0x49: {  	_ =	shalt  }
0x4a: {  	_ =	shalt  }
0x4b: {  	_ =	shalt  }
0x4c: {  	_ =	shalt  }
0x4d: {  	_ =	shalt  }
0x4e: {  	_ =	shalt  }
0x4f: {  	_ =	shalt  }
0x50: {  	_ =	shalt  }
0x51: {  	_ =	shalt  }
0x52: {  	_ =	shalt  }
0x53: {  	_ =	shalt  }
0x54: {  	_ =	shalt  }
0x55: {  	_ =	shalt  }
0x56: {  	_ =	shalt  }
0x57: {  	_ =	shalt  }
0x58: {  	_ =	shalt  }
0x59: {  	_ =	shalt  }
0x5a: {  	_ =	shalt  }
0x5b: {  	_ =	shalt  }
0x5c: {  	_ =	shalt  }
0x5d: {  	_ =	shalt  }
0x5e: {  	_ =	shalt  }
0x5f: {  	_ =	shalt  }
0x60: {  	_ =	shalt  }
0x61: {  	_ =	shalt  }
0x62: {  	_ =	shalt  }
0x63: {  	_ =	shalt  }
0x64: {  	_ =	shalt  }
0x65: {  	_ =	shalt  }
0x66: {  	_ =	shalt  }
0x67: {  	_ =	shalt  }
0x68: {  	_ =	shalt  }
0x69: {  	_ =	shalt  }
0x6a: {  	_ =	shalt  }
0x6b: {  	_ =	shalt  }
0x6c: {  	_ =	shalt  }
0x6d: {  	_ =	shalt  }
0x6e: {  	_ =	shalt  }
0x6f: {  	_ =	shalt  }
0x70: {  	_ =	shalt  }
0x71: {  	_ =	shalt  }
0x72: {  	_ =	shalt  }
0x73: {  	_ =	shalt  }
0x74: {  	_ =	shalt  }
0x75: {  	_ =	shalt  }
0x76: {  	_ =	shalt  }
0x77: {  	_ =	shalt  }
0x78: {  	_ =	shalt  }
0x79: {  	_ =	shalt  }
0x7a: {  	_ =	shalt  }
0x7b: {  	_ =	shalt  }
0x7c: {  	_ =	shalt  }
0x7d: {  	_ =	shalt  }
0x7e: {  	_ =	shalt  }
0x7f: {  	_ =	shalt  }
0x80: {  	_ =	shalt  }
0x81: {  	_ =	shalt  }
0x82: {  	_ =	shalt  }
0x83: {  	_ =	shalt  }
0x84: {  	_ =	shalt  }
0x85: {  	_ =	shalt  }
0x86: {  	_ =	shalt  }
0x87: {  	_ =	shalt  }
.Lfunc_end0:
.L_simem_size_0:
called_computation_lowered:
.L_overlay_start_0:
0x88: {  	s2 =	sld [smem:$0x3FD9]  }
0x89: {  	s3 =	sld [smem:$0x3FFE];
	_ =	sdelay $0x1  }
0x8a: {  	s1 =	srdreg.scid  }
0x8b: {  	s0 =	sand.u32 $0x1, s1  }
0x8c: {  	s18 =	sshll.u32 s0, $0xA;
	s2 =	sadd.s32 s3, s2  }
0x8d: {  	s2 =	sadd.s32 s2, s18  }
0x8e: {  	[smem:$0x3FC5] =	sst s2  }
0x8f: {  	_ = 	snop  }
0x90: {  	s2 =	sld [smem:$0x3FC9]  }
0x91: {  	s19 =	sld [smem:$0x3FC8]  }
0x92: {  	s4 =	sld [smem:$0x3FC7]  }
0x93: {  	s5 =	sld [smem:$0x3FD0];
	(tm) =	ssettm $0x1  }
0x94: {  	s6 =	sld [smem:$0x3FFB];
	_ =	sdelay $0x3  }
0x95: {  	_ =	strace s6  }
0x96: {  	s6 =	sld [smem:$0x3FFC];
	_ =	sdelay $0x3  }
0x97: {  	_ =	strace s6  }
0x98: {  	s6 =	sld [smem:$0x3FFD];
	_ =	sdelay $0x3  }
0x99: {  	_ =	strace s6  }
0x9a: {  	_ =	strace $0x8FFFFFFF  }
0x9b: {  	s20 =	sld [smem:$0x3FDB];
	_ =	sdelay $0x1  }
0x9c: {  	s7 =	simm.s32 $_scs_section_size  }
0x9d: {  	s8 =	simm.s32 $_size__tile_overlayer_lowered;
	s9 =	simm.s32 $_tile_overlayer_lowered  }
0x9e: {  	s23 =	simm.s32 $0x1BFF;
	s22 =	sshll.u32 s9, $0x1;
	s6 =	sadd.s32 s7, s20  }
0x9f: {  	s10 =	simm.s32 $0x0;
	s21 =	sshll.u32 s8, $0x1;
	s8 =	sadd.s32 s22, s6  }
0xa0: {  	[timem:s10], [sflag:s23] =	dma.local [hbm:s8], s21  }
0xa1: {  	_ =	swait.ge [sflag:s23], s21  }
0xa2: {  	s7 =	ssub.s32 $0x0, s21;
	[sflag:s23] =	ssyncset.done $0x0  }
0xa3: {  	[sflag:s23] =	ssyncadd.s32 s7;
	_ =	sdelay $0x1  }
0xa4: {  	s24 =	simm.s32 $0x1B8B  }
0xa5: {  	_ =	swait.ge [sflag:s24], $0x1  }
0xa6: {  	[sflag:s24] =	ssyncset.done $0x0  }
0xa7: {  	s25 =	simm.s32 $0x1B8E;
	[sflag:s24] =	ssyncadd.s32 $0xFFFFFFFF  }
0xa8: {  	s26 =	simm.s32 $execute0_lowered;
	[smem:$0x3FD2] =	sst s25  }
0xa9: {  	s7 =	sshll.u32 s26, $0x1;
	_ =	strace $0x80000046;
	[dreg:$0x1] =	wrdreg $0xFFFFFFFF  }
0xaa: {  	s28 =	simm.s32 $_size_execute0_lowered;
	s6 =	sadd.s32 s6, s7;
	[dreg:$0x0] =	wrdreg $0x0  }
0xab: {  	s7 =	sshll.u32 s28, $0x1;
	[dreg:$0x2] =	wrdreg s6  }
0xac: {  	[dreg:$0x3] =	wrdreg s7  }
0xad: {  	[dreg:$0x4] =	wrdreg $0xC0  }
0xae: {  	_ =	task [dreg:s10], $0x5FFFF  }
0xaf: {  	[dreg:$0x1] =	wrdreg $0xFFFFFFFF  }
0xb0: {  	[dreg:$0x0] =	wrdreg $0x60  }
0xb1: {  	[dreg:$0x2] =	wrdreg s2  }
0xb2: {  	[dreg:$0x3] =	wrdreg s19  }
0xb3: {  	[dreg:$0x4] =	wrdreg s4  }
0xb4: {  	[dreg:$0x5] =	wrdreg s5  }
0xb5: {  	[dreg:$0x6] =	wrdreg $0x9  }
0xb6: {  	_ =	task.clear_ibuf [dreg:s10], $0x7FFFF;
	_ =	strace $0x90000046  }
0xb7: {  	s29 =	simm.s32 $0x9;
	_ =	strace $0x80000048  }
0xb8: {  	_ =	swait.ge [sflag:s29], $0x1  }
0xb9: {  	[sflag:s29] =	ssyncadd.s32 $0xFFFFFFFF  }
0xba: {  	_ =	strace $0x90000048  }
0xbb: {  	_ =	sfence  }
0xbc: {  	s30 =	sld [smem:$0x0];
	_ =	sdelay $0x2  }
0xbd: {  	s31 =	sshll.u32 s1, $0xD;
	s1 =	sshrl.u32 s1, $0x2  }
0xbe: {  	s3 =	sand.u32 $0x4000, s31;
	s1 =	sadd.s32 s1, s30  }
0xbf: {  	s0 =	sor.u32 s3, s0;
	s1 =	sshll.u32 s1, $0x11  }
0xc0: {  	s0 =	sor.u32 s1, s0  }
0xc1: {  	s0 =	sadd.s32 $0x8F2B, s0  }
0xc2: {  	[sflag:s0] =	ssyncadd.remote.s32 $0x1  }
0xc3: {  	_ =	sfence.sel $0xFFFF  }
0xc4: {  	[dreg:$0x0] =	wrdreg $0xFFFFFFFF;
	(pc) =	sbr.abs _section_cstart, $3  }
0xc5: {  	[dreg:$0x1] =	wrdreg $0xFFFFFFFF  }
0xc6: {  	_ =	task.clear_ibuf [dreg:s10], $0x2FFFF;
	_ =	strace $0x9FFFFFFF  }
0xc7: {  	(tm) =	ssettm $0x7FFFFFFF  }
tec
execute0_lowered:
.L_overlay_start_1:
0x0: {  	(tag) =	ssettag $0x1  }
0x1: {  	s0 =	rddreg [dreg:$0x0]  }
0x2: {  	s1 =	rddreg [dreg:$0x1];
	s2 =	srdreg.scid  }
0x3: {  	s4 =	rddreg [dreg:$0x2];
	s3 =	stileid.u32;
	s2 =	sand.u32 $0x1, s2  }
0x4: {  	s5 =	rddreg [dreg:$0x3];
	s6 =	sshll.u32 s3, $0x7;
	s7 =	sshll.u32 s2, $0x6  }
0x5: {  	s3 =	simm.s32 $0x0;
	s2 =	ssub.s32 $0x2, s2;
	s6 =	sor.u32 s7, s6  }
0x6: {  	[smem:$0x7FF] =	sst s3;
	s29 =	sshrl.u32 s2, $0x1;
	s31 =	sshll.u32 s6, $0x7  }
0x7: {  	_ =	strace $0x80000047;
	s2 =	ssub.s32 s2, s29;
	s13 =	sadd.s32 s4, s31  }
0x8: {  	s8 =	sshll.u32 s6, $0x2;
	s23 =	smax.u32 s2, $0x1;
	[dreg:$0x9] =	wrdreg s13  }
0x9: {  	s6 =	sor.u32 $0x800, s31;
	s11 =	sadd.s32 s5, s31;
	[dreg:$0x17] =	wrdreg s23  }
0xa: {  	s14 =	sadd.s32 s4, s6;
	[dreg:$0xb] =	wrdreg s11  }
0xb: {  	s15 =	sadd.s32 $0x40000, s11;
	[dreg:$0xa] =	wrdreg s14  }
0xc: {  	s17 =	sor.u32 $0x1000, s31;
	s16 =	sadd.s32 $0x80000, s11;
	[dreg:$0xc] =	wrdreg s15  }
0xd: {  	s12 =	sadd.s32 s4, s17;
	[dreg:$0xd] =	wrdreg s16  }
0xe: {  	s18 =	sadd.s32 $0xC0000, s11;
	[dreg:$0xe] =	wrdreg s12  }
0xf: {  	s6 =	sadd.s32 s5, s6;
	[dreg:$0xf] =	wrdreg s18  }
0x10: {  	s19 =	sadd.s32 $0x40800, s11;
	[dreg:$0x10] =	wrdreg s6  }
0x11: {  	s10 =	sadd.s32 $0x300, s1;
	s20 =	sadd.s32 $0x80800, s11;
	[dreg:$0x11] =	wrdreg s19  }
0x12: {  	s9 =	sand.u32 $0x1E00, s8;
	s21 =	sadd.s32 s5, s17;
	[dreg:$0x12] =	wrdreg s20  }
0x13: {  	s2 =	simm.s32 $0xA900;
	s22 =	sadd.s32 $0xC0800, s11;
	[dreg:$0x14] =	wrdreg s21  }
0x14: {  	s9 =	sor.u32 s7, s9;
	s24 =	sadd.s32 $0x41000, s11;
	[dreg:$0x16] =	wrdreg s22  }
0x15: {  	s7 =	sor.u32 s7, s8;
	s25 =	sadd.s32 $0x81000, s11;
	[dreg:$0x18] =	wrdreg s24  }
0x16: {  	s26 =	sadd.s32 $0xC1000, s11;
	s28 =	sadd.s32 $0x41800, s11;
	[dreg:$0x19] =	wrdreg s25  }
0x17: {  	s29 =	sadd.s32 $0x81800, s11;
	s13 =	simm.s32 $0x3;
	[dreg:$0x1a] =	wrdreg s26  }
0x18: {  	s17 =	simm.s32 $0xE900;
	s9 =	sshrl.u32 s9, $0x3;
	[dreg:$0x1b] =	wrdreg s28  }
0x19: {  	s7 =	sshrl.u32 s7, $0x3;
	[dreg:$0x1c] =	wrdreg s29;
	s6 =	simm.s32 $0x100  }
0x1a: {  	s19 =	simm.s32 $0x4100;
	s26 =	simm.s32 $0x8100;
	s12 =	simm.s32 $0xC900  }
0x1b: {  	s14 =	simm.s32 $0xD100;
	s15 =	simm.s32 $0xD900;
	s16 =	simm.s32 $0xE100  }
0x1c: {  	s18 =	simm.s32 $0xF100;
	s20 =	simm.s32 $0xF900;
	s21 =	simm.s32 $0x2  }
0x1d: {  	s22 =	simm.s32 $0x0;
	s9 =	sadd.s32 s0, s9;
	s30 =	sor.u32 $0x20, s7  }
0x1e: {  	s7 =	sor.u32 $0x30, s7;
	[dreg:$0x5] =	wrdreg s9;
	s9 =	sadd.s32 $0x10, s9  }
0x1f: {  	s8 =	sadd.s32 s0, s30;
	s0 =	sadd.s32 s0, s7;
	[dreg:$0x6] =	wrdreg s9  }
0x20: {  	s30 =	sadd.s32 $0xC1800, s11;
	s7 =	simm.s32 $0x1;
	[dreg:$0x7] =	wrdreg s8  }
0x21: {  	[dreg:$0x8] =	wrdreg s0;
	s8 =	sadd.s32 $0x100, s1;
	s9 =	sadd.s32 $0x200, s1  }
0x22: {  	s0 =	sor.u32 $0x1800, s31;
	[dreg:$0x1d] =	wrdreg s30;
	s31 =	sadd.s32 $0xC1C00, s11  }
0x23: {  	v2 =	vlaneseq.u32;
	s11 =	simm.s32 $0xC100;
	s4 =	sadd.s32 s4, s0;
	[dreg:$0x1e] =	wrdreg s31  }
0x24: {  	vm0 =	vmmov $0xffff;
	v1 =	vshrl.u32 v2, $0x3;
	s0 =	sadd.s32 s5, s0;
	s5 =	simm.s32 $0x4;
	[dreg:$0x13] =	wrdreg s4  }
0x25: {  	v0 =	vand.u32 $0x7, v2;
	v2 =	vor.u32 $0x8, v2;
	v1 =	vmul.u32 $0x8, v1;
	[dreg:$0x15] =	wrdreg s0;
	s0 =	simm.s32 $0xB100;
	s4 =	simm.s32 $0xB900  }
.LBB2_1:
0x26: {  	s23 =	rddreg [dreg:$0x5]  }
0x27: {  	[tilespmem:s3], [sflag:$0x4] =	stream.linear.gather [hbm4b:s23+s3], $0x40, $0x38;
	[tilespmem:$0x18100] =	vst v63  }
0x28: {  	s25 =	rddreg [dreg:$0x6];
	s24 =	simm.s32 $0x40  }
0x29: {  	[tilespmem:s24], [sflag:$0x4] =	stream.linear.gather [hbm4b:s25+s3], $0x40, $0x38;
	[tilespmem:$0x18100] =	vst v63  }
0x2a: {  	s30 =	rddreg [dreg:$0x7];
	s31 =	simm.s32 $0x80  }
0x2b: {  	[tilespmem:s31], [sflag:$0x4] =	stream.linear.gather [hbm4b:s30+s3], $0x40, $0x38;
	[tilespmem:$0x18100] =	vst v63  }
0x2c: {  	s24 =	rddreg [dreg:$0x8];
	s25 =	simm.s32 $0xC0  }
0x2d: {  	[tilespmem:s25], [sflag:$0x4] =	stream.linear.gather [hbm4b:s24+s3], $0x40, $0x38;
	[tilespmem:$0x18100] =	vst v63  }
0x2e: {  	_ =	swait.ge [sflag:s5], $0x40  }
0x2f: {  	[sflag:s5] =	ssyncset.done $0x0  }
0x30: {  	[sflag:s5] =	ssyncadd.s32 $0xFFFFFFC0  }
0x31: {  	v3 =	vld [tilespmem:$0x0];
	_ =	sdelay $0x4  }
0x32: {  	v4 =	vshll.u32 v3, $0x3  }
0x33: {  	v3 =	vand.u32 $0x7, v3;
	v4 =	vand.u32 $0xFFFFFFC0, v4  }
0x34: {  	v3 =	vor.u32 v3, v4  }
0x35: {  	v4 =	vperm.xlane v3, v0;
	_ =	sdelay $0x1  }
0x36: {  	v4 =	vadd.s32 v1, v4;
	_ =	sdelay $0x4  }
0x37: {  	[tilespmem:s6], [sflag:$0x1] =	stream.indirect_vreg.gather [hbm4b:s1+s3], $0x80, v4, vm0, $0xb8;
	[tilespmem:$0x18100] =	vst v63  }
0x38: {  	s30 =	simm.s32 $0x900;
	v3 =	vperm.xlane v3, v2  }
0x39: {  	[tilespmem:s30], [sflag:$0x1] =	stream.indirect_vreg.gather [hbm4b:s8+s3], $0x80, v4, vm0, $0xb8;
	[tilespmem:$0x18100] =	vst v63  }
0x3a: {  	s31 =	simm.s32 $0x1100;
	v3 =	vadd.s32 v1, v3  }
0x3b: {  	[tilespmem:s31], [sflag:$0x1] =	stream.indirect_vreg.gather [hbm4b:s9+s3], $0x80, v4, vm0, $0xb8;
	[tilespmem:$0x18100] =	vst v63  }
0x3c: {  	s24 =	simm.s32 $0x1900  }
0x3d: {  	[tilespmem:s24], [sflag:$0x1] =	stream.indirect_vreg.gather [hbm4b:s10+s3], $0x80, v4, vm0, $0xb8;
	[tilespmem:$0x18100] =	vst v63  }
0x3e: {  	s25 =	simm.s32 $0x2100  }
0x3f: {  	[tilespmem:s25], [sflag:$0x1] =	stream.indirect_vreg.gather [hbm4b:s1+s3], $0x80, v3, vm0, $0xb8;
	[tilespmem:$0x18100] =	vst v63  }
0x40: {  	s30 =	simm.s32 $0x2900  }
0x41: {  	[tilespmem:s30], [sflag:$0x1] =	stream.indirect_vreg.gather [hbm4b:s8+s3], $0x80, v3, vm0, $0xb8;
	[tilespmem:$0x18100] =	vst v63  }
0x42: {  	s31 =	simm.s32 $0x3100  }
0x43: {  	[tilespmem:s31], [sflag:$0x1] =	stream.indirect_vreg.gather [hbm4b:s9+s3], $0x80, v3, vm0, $0xb8;
	[tilespmem:$0x18100] =	vst v63  }
0x44: {  	s24 =	simm.s32 $0x3900  }
0x45: {  	[tilespmem:s24], [sflag:$0x1] =	stream.indirect_vreg.gather [hbm4b:s10+s3], $0x80, v3, vm0, $0xb8;
	[tilespmem:$0x18100] =	vst v63  }
0x46: {  	s25 =	rddreg [dreg:$0x9];
	s30 =	simm.s32 $0x10100  }
0x47: {  	[tilespmem:s30], [sflag:$0x3] =	stream.linear.gather [hbm4b:s25+s3], $0x4000, $0x38;
	[tilespmem:$0x18100] =	vst v63  }
0x48: {  	_ =	swait.ge [sflag:s5], $0x40  }
0x49: {  	[sflag:s5] =	ssyncset.done $0x0  }
0x4a: {  	[sflag:s5] =	ssyncadd.s32 $0xFFFFFFC0  }
0x4b: {  	v3 =	vld [tilespmem:$0x40];
	_ =	sdelay $0x4  }
0x4c: {  	v4 =	vshll.u32 v3, $0x3  }
0x4d: {  	v3 =	vand.u32 $0x7, v3;
	v4 =	vand.u32 $0xFFFFFFC0, v4  }
0x4e: {  	v3 =	vor.u32 v3, v4  }
0x4f: {  	v4 =	vperm.xlane v3, v0;
	_ =	sdelay $0x1  }
0x50: {  	v4 =	vadd.s32 v1, v4;
	_ =	sdelay $0x4  }
0x51: {  	[tilespmem:s19], [sflag:$0x1] =	stream.indirect_vreg.gather [hbm4b:s1+s3], $0x80, v4, vm0, $0xb8;
	[tilespmem:$0x18100] =	vst v63  }
0x52: {  	s31 =	simm.s32 $0x4900;
	v3 =	vperm.xlane v3, v2  }
0x53: {  	[tilespmem:s31], [sflag:$0x1] =	stream.indirect_vreg.gather [hbm4b:s8+s3], $0x80, v4, vm0, $0xb8;
	[tilespmem:$0x18100] =	vst v63  }
0x54: {  	s24 =	simm.s32 $0x5100;
	v3 =	vadd.s32 v1, v3  }
0x55: {  	[tilespmem:s24], [sflag:$0x1] =	stream.indirect_vreg.gather [hbm4b:s9+s3], $0x80, v4, vm0, $0xb8;
	[tilespmem:$0x18100] =	vst v63  }
0x56: {  	s25 =	simm.s32 $0x5900  }
0x57: {  	[tilespmem:s25], [sflag:$0x1] =	stream.indirect_vreg.gather [hbm4b:s10+s3], $0x80, v4, vm0, $0xb8;
	[tilespmem:$0x18100] =	vst v63  }
0x58: {  	s30 =	simm.s32 $0x6100  }
0x59: {  	[tilespmem:s30], [sflag:$0x1] =	stream.indirect_vreg.gather [hbm4b:s1+s3], $0x80, v3, vm0, $0xb8;
	[tilespmem:$0x18100] =	vst v63  }
0x5a: {  	s31 =	simm.s32 $0x6900  }
0x5b: {  	[tilespmem:s31], [sflag:$0x1] =	stream.indirect_vreg.gather [hbm4b:s8+s3], $0x80, v3, vm0, $0xb8;
	[tilespmem:$0x18100] =	vst v63  }
0x5c: {  	s24 =	simm.s32 $0x7100  }
0x5d: {  	[tilespmem:s24], [sflag:$0x1] =	stream.indirect_vreg.gather [hbm4b:s9+s3], $0x80, v3, vm0, $0xb8;
	[tilespmem:$0x18100] =	vst v63  }
0x5e: {  	s25 =	simm.s32 $0x7900  }
0x5f: {  	[tilespmem:s25], [sflag:$0x1] =	stream.indirect_vreg.gather [hbm4b:s10+s3], $0x80, v3, vm0, $0xb8;
	[tilespmem:$0x18100] =	vst v63  }
0x60: {  	_ =	swait.ge [sflag:s5], $0x40  }
0x61: {  	[sflag:s5] =	ssyncset.done $0x0  }
0x62: {  	[sflag:s5] =	ssyncadd.s32 $0xFFFFFFC0  }
0x63: {  	v3 =	vld [tilespmem:$0x80];
	_ =	sdelay $0x4  }
0x64: {  	v4 =	vshll.u32 v3, $0x3  }
0x65: {  	v3 =	vand.u32 $0x7, v3;
	v4 =	vand.u32 $0xFFFFFFC0, v4  }
0x66: {  	v3 =	vor.u32 v3, v4  }
0x67: {  	v4 =	vperm.xlane v3, v0;
	_ =	sdelay $0x1  }
0x68: {  	v4 =	vadd.s32 v1, v4;
	_ =	sdelay $0x4  }
0x69: {  	[tilespmem:s26], [sflag:$0x1] =	stream.indirect_vreg.gather [hbm4b:s1+s3], $0x80, v4, vm0, $0xb8;
	[tilespmem:$0x18100] =	vst v63  }
0x6a: {  	s30 =	simm.s32 $0x8900;
	v3 =	vperm.xlane v3, v2  }
0x6b: {  	[tilespmem:s30], [sflag:$0x1] =	stream.indirect_vreg.gather [hbm4b:s8+s3], $0x80, v4, vm0, $0xb8;
	[tilespmem:$0x18100] =	vst v63  }
0x6c: {  	s31 =	simm.s32 $0x9100;
	v3 =	vadd.s32 v1, v3  }
0x6d: {  	[tilespmem:s31], [sflag:$0x1] =	stream.indirect_vreg.gather [hbm4b:s9+s3], $0x80, v4, vm0, $0xb8;
	[tilespmem:$0x18100] =	vst v63  }
0x6e: {  	s24 =	simm.s32 $0x9900  }
0x6f: {  	[tilespmem:s24], [sflag:$0x1] =	stream.indirect_vreg.gather [hbm4b:s10+s3], $0x80, v4, vm0, $0xb8;
	[tilespmem:$0x18100] =	vst v63  }
0x70: {  	s25 =	simm.s32 $0xA100  }
0x71: {  	[tilespmem:s25], [sflag:$0x1] =	stream.indirect_vreg.gather [hbm4b:s1+s3], $0x80, v3, vm0, $0xb8;
	[tilespmem:$0x18100] =	vst v63  }
0x72: {  	_ = 	snop  }
0x73: {  	[tilespmem:s2], [sflag:$0x1] =	stream.indirect_vreg.gather [hbm4b:s8+s3], $0x80, v3, vm0, $0xb8;
	[tilespmem:$0x18100] =	vst v63  }
0x74: {  	_ = 	snop  }
0x75: {  	[tilespmem:s0], [sflag:$0x1] =	stream.indirect_vreg.gather [hbm4b:s9+s3], $0x80, v3, vm0, $0xb8;
	[tilespmem:$0x18100] =	vst v63  }
0x76: {  	_ = 	snop  }
0x77: {  	[tilespmem:s4], [sflag:$0x1] =	stream.indirect_vreg.gather [hbm4b:s10+s3], $0x80, v3, vm0, $0xb8;
	[tilespmem:$0x18100] =	vst v63  }
0x78: {  	_ =	swait.ge [sflag:s5], $0x40  }
0x79: {  	[sflag:s5] =	ssyncset.done $0x0  }
0x7a: {  	s31 =	simm.s32 $0x14100;
	s30 =	rddreg [dreg:$0xa];
	[sflag:s5] =	ssyncadd.s32 $0xFFFFFFC0  }
0x7b: {  	[tilespmem:s31], [sflag:$0x3] =	stream.linear.gather [hbm4b:s30+s3], $0x4000, $0x38;
	[tilespmem:$0x18100] =	vst v63  }
0x7c: {  	_ =	swait.ge [sflag:s13], $0x4000  }
0x7d: {  	[sflag:s13] =	ssyncset.done $0x0  }
0x7e: {  	[sflag:s13] =	ssyncadd.s32 $0xFFFFC000  }
0x7f: {  	s25 =	sand.u32 $0x2000, s3;
	s30 =	sand.u32 $0x1C00, s3;
	_ =	swait.ge [sflag:s7], $0x4000  }
0x80: {  	s31 =	sand.u32 $0x380, s3;
	s23 =	sor.u32 s30, s25;
	[sflag:s7] =	ssyncset.done $0x0  }
0x81: {  	s23 =	sor.u32 s31, s23;
	[sflag:s7] =	ssyncadd.s32 $0xFFFFC000  }
0x82: {  	v3 =	vld [tilespmem:s23+$0x10170]  }
0x83: {  	v6 =	vld [tilespmem:s23+$0x10100]  }
0x84: {  	v7 =	vld [tilespmem:s23+$0x10110]  }
0x85: {  	v8 =	vld [tilespmem:s23+$0x10120]  }
0x86: {  	v9 =	vld [tilespmem:s23+$0x10130]  }
0x87: {  	v5 =	vld [tilespmem:s23+$0x10140]  }
0x88: {  	v4 =	vld [tilespmem:s23+$0x10160]  }
0x89: {  	[tilespmem:s23+$0x170] =	vst.add.f32.msk $0xffff, v3  }
0x8a: {  	v3 =	vld [tilespmem:s23+$0x10150]  }
0x8b: {  	[tilespmem:s23+$0x100] =	vst.add.f32.msk $0xffff, v6  }
0x8c: {  	[tilespmem:s23+$0x110] =	vst.add.f32.msk $0xffff, v7  }
0x8d: {  	s28 =	simm.s32 $0x400;
	[tilespmem:s23+$0x120] =	vst.add.f32.msk $0xffff, v8  }
0x8e: {  	s29 =	simm.s32 $0x80;
	s24 =	simm.s32 $0x0;
	s25 =	simm.s32 $0x10;
	[tilespmem:s23+$0x130] =	vst.add.f32.msk $0xffff, v9  }
.LBB2_2:
0x8f: {  	s30 =	sand.u32 $0x2000, s29;
	s31 =	sand.u32 $0x1C00, s28;
	s24 =	sadd.s32 $0x8, s24;
	[tilespmem:s23+$0x140] =	vst.add.f32.msk $0xffff, v5  }
0x90: {  	s30 =	sor.u32 s31, s30;
	s31 =	sand.u32 $0x380, s25;
	p0 =	slt.u32 s24, $0x3F8;
	[tilespmem:s23+$0x150] =	vst.add.f32.msk $0xffff, v3  }
0x91: {  	[tilespmem:s23+$0x160] =	vst.add.f32.msk $0xffff, v4;
	s23 =	sor.u32 s31, s30  }
0x92: {  	v3 =	vld [tilespmem:s23+$0x10170]  }
0x93: {  	v6 =	vld [tilespmem:s23+$0x10100]  }
0x94: {  	v7 =	vld [tilespmem:s23+$0x10110]  }
0x95: {  	v8 =	vld [tilespmem:s23+$0x10120]  }
0x96: {  	v9 =	vld [tilespmem:s23+$0x10130]  }
0x97: {  	[tilespmem:s23+$0x170] =	vst.add.f32.msk $0xffff, v3  }
0x98: {  	v5 =	vld [tilespmem:s23+$0x10140]  }
0x99: {  	v3 =	vld [tilespmem:s23+$0x10150]  }
.Ltmp0:
0x9a: {  	v4 =	vld [tilespmem:s23+$0x10160];
	(pc) =	sbr.rel @p0 .LBB2_2-.Ltmp0, $4  }
0x9b: {  	[tilespmem:s23+$0x100] =	vst.add.f32.msk $0xffff, v6  }
0x9c: {  	[tilespmem:s23+$0x110] =	vst.add.f32.msk $0xffff, v7  }
0x9d: {  	[tilespmem:s23+$0x120] =	vst.add.f32.msk $0xffff, v8  }
0x9e: {  	s28 =	sadd.s32 $0x400, s28;
	s29 =	sadd.s32 $0x80, s29;
	s25 =	sadd.s32 $0x10, s25;
	[tilespmem:s23+$0x130] =	vst.add.f32.msk $0xffff, v9  }
0x9f: {  	[tilespmem:s23+$0x140] =	vst.add.f32.msk $0xffff, v5  }
0xa0: {  	[tilespmem:s23+$0x150] =	vst.add.f32.msk $0xffff, v3  }
0xa1: {  	[tilespmem:s23+$0x160] =	vst.add.f32.msk $0xffff, v4  }
0xa2: {  	v3 =	vld [tilespmem:$0xC0];
	_ =	sdelay $0x4  }
0xa3: {  	v4 =	vshll.u32 v3, $0x3  }
0xa4: {  	v3 =	vand.u32 $0x7, v3;
	v4 =	vand.u32 $0xFFFFFFC0, v4  }
0xa5: {  	v3 =	vor.u32 v3, v4  }
0xa6: {  	v4 =	vperm.xlane v3, v0;
	_ =	sdelay $0x1  }
0xa7: {  	v4 =	vadd.s32 v1, v4;
	_ =	sdelay $0x3  }
0xa8: {  	s30 =	simm.s32 $0x0  }
0xa9: {  	[tilespmem:s11], [sflag:$0x1] =	stream.indirect_vreg.gather [hbm4b:s1+s30], $0x80, v4, vm0, $0xb8;
	[tilespmem:$0x18100] =	vst v63  }
0xaa: {  	v3 =	vperm.xlane v3, v2  }
0xab: {  	[tilespmem:s12], [sflag:$0x1] =	stream.indirect_vreg.gather [hbm4b:s8+s30], $0x80, v4, vm0, $0xb8;
	[tilespmem:$0x18100] =	vst v63  }
0xac: {  	v3 =	vadd.s32 v1, v3  }
0xad: {  	[tilespmem:s14], [sflag:$0x1] =	stream.indirect_vreg.gather [hbm4b:s9+s30], $0x80, v4, vm0, $0xb8;
	[tilespmem:$0x18100] =	vst v63  }
0xae: {  	_ = 	snop  }
0xaf: {  	[tilespmem:s15], [sflag:$0x1] =	stream.indirect_vreg.gather [hbm4b:s10+s30], $0x80, v4, vm0, $0xb8;
	[tilespmem:$0x18100] =	vst v63  }
0xb0: {  	_ = 	snop  }
0xb1: {  	[tilespmem:s16], [sflag:$0x1] =	stream.indirect_vreg.gather [hbm4b:s1+s30], $0x80, v3, vm0, $0xb8;
	[tilespmem:$0x18100] =	vst v63  }
0xb2: {  	_ = 	snop  }
0xb3: {  	[tilespmem:s17], [sflag:$0x1] =	stream.indirect_vreg.gather [hbm4b:s8+s30], $0x80, v3, vm0, $0xb8;
	[tilespmem:$0x18100] =	vst v63  }
0xb4: {  	_ = 	snop  }
0xb5: {  	[tilespmem:s18], [sflag:$0x1] =	stream.indirect_vreg.gather [hbm4b:s9+s30], $0x80, v3, vm0, $0xb8;
	[tilespmem:$0x18100] =	vst v63  }
0xb6: {  	_ = 	snop  }
0xb7: {  	[tilespmem:s20], [sflag:$0x1] =	stream.indirect_vreg.gather [hbm4b:s10+s30], $0x80, v3, vm0, $0xb8;
	[tilespmem:$0x18100] =	vst v63  }
0xb8: {  	s24 =	rddreg [dreg:$0xb]  }
0xb9: {  	[hbm4b:s24+s30] =	stream.linear.scatter [tilespmem:s6], [sflag:$0x2], $0x4000, $0x38;
	[tilespmem:$0x18100] =	vst v63  }
0xba: {  	s31 =	sand.u32 $0x2000, s30;
	s25 =	sand.u32 $0x1C00, s30;
	_ =	swait.ge [sflag:s7], $0x4000  }
0xbb: {  	s23 =	sand.u32 $0x380, s30;
	s24 =	sor.u32 s25, s31;
	[sflag:s7] =	ssyncset.done $0x0  }
0xbc: {  	s23 =	sor.u32 s23, s24;
	[sflag:s7] =	ssyncadd.s32 $0xFFFFC000  }
0xbd: {  	v3 =	vld [tilespmem:s23+$0x10170]  }
0xbe: {  	v6 =	vld [tilespmem:s23+$0x10100]  }
0xbf: {  	v7 =	vld [tilespmem:s23+$0x10110]  }
0xc0: {  	v8 =	vld [tilespmem:s23+$0x10120]  }
0xc1: {  	v9 =	vld [tilespmem:s23+$0x10130]  }
0xc2: {  	v5 =	vld [tilespmem:s23+$0x10140]  }
0xc3: {  	v4 =	vld [tilespmem:s23+$0x10160]  }
0xc4: {  	[tilespmem:s23+$0x4170] =	vst.add.f32.msk $0xffff, v3  }
0xc5: {  	v3 =	vld [tilespmem:s23+$0x10150]  }
0xc6: {  	[tilespmem:s23+$0x4100] =	vst.add.f32.msk $0xffff, v6  }
0xc7: {  	[tilespmem:s23+$0x4110] =	vst.add.f32.msk $0xffff, v7  }
0xc8: {  	s28 =	simm.s32 $0x400;
	[tilespmem:s23+$0x4120] =	vst.add.f32.msk $0xffff, v8  }
0xc9: {  	s29 =	simm.s32 $0x80;
	s25 =	simm.s32 $0x10;
	s24 =	simm.s32 $0x0;
	[tilespmem:s23+$0x4130] =	vst.add.f32.msk $0xffff, v9  }
.LBB2_4:
0xca: {  	s30 =	sand.u32 $0x2000, s29;
	s31 =	sand.u32 $0x1C00, s28;
	s24 =	sadd.s32 $0x8, s24;
	[tilespmem:s23+$0x4140] =	vst.add.f32.msk $0xffff, v5  }
0xcb: {  	s30 =	sor.u32 s31, s30;
	s31 =	sand.u32 $0x380, s25;
	p0 =	slt.u32 s24, $0x3F8;
	[tilespmem:s23+$0x4150] =	vst.add.f32.msk $0xffff, v3  }
0xcc: {  	[tilespmem:s23+$0x4160] =	vst.add.f32.msk $0xffff, v4;
	s23 =	sor.u32 s31, s30  }
0xcd: {  	v3 =	vld [tilespmem:s23+$0x10170]  }
0xce: {  	v6 =	vld [tilespmem:s23+$0x10100]  }
0xcf: {  	v7 =	vld [tilespmem:s23+$0x10110]  }
0xd0: {  	v8 =	vld [tilespmem:s23+$0x10120]  }
0xd1: {  	v9 =	vld [tilespmem:s23+$0x10130]  }
0xd2: {  	[tilespmem:s23+$0x4170] =	vst.add.f32.msk $0xffff, v3  }
0xd3: {  	v5 =	vld [tilespmem:s23+$0x10140]  }
0xd4: {  	v3 =	vld [tilespmem:s23+$0x10150]  }
.Ltmp1:
0xd5: {  	v4 =	vld [tilespmem:s23+$0x10160];
	(pc) =	sbr.rel @p0 .LBB2_4-.Ltmp1, $4  }
0xd6: {  	[tilespmem:s23+$0x4100] =	vst.add.f32.msk $0xffff, v6  }
0xd7: {  	[tilespmem:s23+$0x4110] =	vst.add.f32.msk $0xffff, v7  }
0xd8: {  	[tilespmem:s23+$0x4120] =	vst.add.f32.msk $0xffff, v8  }
0xd9: {  	s28 =	sadd.s32 $0x400, s28;
	s29 =	sadd.s32 $0x80, s29;
	s25 =	sadd.s32 $0x10, s25;
	[tilespmem:s23+$0x4130] =	vst.add.f32.msk $0xffff, v9  }
0xda: {  	[tilespmem:s23+$0x4140] =	vst.add.f32.msk $0xffff, v5  }
0xdb: {  	[tilespmem:s23+$0x4150] =	vst.add.f32.msk $0xffff, v3  }
0xdc: {  	[tilespmem:s23+$0x4160] =	vst.add.f32.msk $0xffff, v4  }
0xdd: {  	_ =	swait.ge [sflag:s21], $0x4000  }
0xde: {  	[sflag:s21] =	ssyncset.done $0x0  }
0xdf: {  	[sflag:s21] =	ssyncadd.s32 $0xFFFFC000  }
0xe0: {  	v3 =	vld [tilespmem:$0x10];
	_ =	sdelay $0x4  }
0xe1: {  	v4 =	vshll.u32 v3, $0x3  }
0xe2: {  	v3 =	vand.u32 $0x7, v3;
	v4 =	vand.u32 $0xFFFFFFC0, v4  }
0xe3: {  	v3 =	vor.u32 v3, v4  }
0xe4: {  	v4 =	vperm.xlane v3, v0;
	_ =	sdelay $0x1  }
0xe5: {  	v4 =	vadd.s32 v1, v4;
	_ =	sdelay $0x3  }
0xe6: {  	s23 =	simm.s32 $0x0  }
0xe7: {  	[tilespmem:s6], [sflag:$0x1] =	stream.indirect_vreg.gather [hbm4b:s1+s23], $0x80, v4, vm0, $0xb8;
	[tilespmem:$0x18100] =	vst v63  }
0xe8: {  	s24 =	simm.s32 $0x900;
	v3 =	vperm.xlane v3, v2  }
0xe9: {  	[tilespmem:s24], [sflag:$0x1] =	stream.indirect_vreg.gather [hbm4b:s8+s23], $0x80, v4, vm0, $0xb8;
	[tilespmem:$0x18100] =	vst v63  }
0xea: {  	s30 =	simm.s32 $0x1100;
	v3 =	vadd.s32 v1, v3  }
0xeb: {  	[tilespmem:s30], [sflag:$0x1] =	stream.indirect_vreg.gather [hbm4b:s9+s23], $0x80, v4, vm0, $0xb8;
	[tilespmem:$0x18100] =	vst v63  }
0xec: {  	s31 =	simm.s32 $0x1900  }
0xed: {  	[tilespmem:s31], [sflag:$0x1] =	stream.indirect_vreg.gather [hbm4b:s10+s23], $0x80, v4, vm0, $0xb8;
	[tilespmem:$0x18100] =	vst v63  }
0xee: {  	s25 =	simm.s32 $0x2100  }
0xef: {  	[tilespmem:s25], [sflag:$0x1] =	stream.indirect_vreg.gather [hbm4b:s1+s23], $0x80, v3, vm0, $0xb8;
	[tilespmem:$0x18100] =	vst v63  }
0xf0: {  	s30 =	simm.s32 $0x2900  }
0xf1: {  	[tilespmem:s30], [sflag:$0x1] =	stream.indirect_vreg.gather [hbm4b:s8+s23], $0x80, v3, vm0, $0xb8;
	[tilespmem:$0x18100] =	vst v63  }
0xf2: {  	s31 =	simm.s32 $0x3100  }
0xf3: {  	[tilespmem:s31], [sflag:$0x1] =	stream.indirect_vreg.gather [hbm4b:s9+s23], $0x80, v3, vm0, $0xb8;
	[tilespmem:$0x18100] =	vst v63  }
0xf4: {  	s25 =	simm.s32 $0x3900  }
0xf5: {  	[tilespmem:s25], [sflag:$0x1] =	stream.indirect_vreg.gather [hbm4b:s10+s23], $0x80, v3, vm0, $0xb8;
	[tilespmem:$0x18100] =	vst v63  }
0xf6: {  	s30 =	rddreg [dreg:$0xc]  }
0xf7: {  	[hbm4b:s30+s23] =	stream.linear.scatter [tilespmem:s19], [sflag:$0x2], $0x4000, $0x38;
	[tilespmem:$0x18100] =	vst v63  }
0xf8: {  	s31 =	sand.u32 $0x2000, s23;
	s25 =	sand.u32 $0x1C00, s23;
	_ =	swait.ge [sflag:s7], $0x4000  }
0xf9: {  	s24 =	sor.u32 s25, s31;
	s23 =	sand.u32 $0x380, s23;
	[sflag:s7] =	ssyncset.done $0x0  }
0xfa: {  	s23 =	sor.u32 s23, s24;
	[sflag:s7] =	ssyncadd.s32 $0xFFFFC000  }
0xfb: {  	v3 =	vld [tilespmem:s23+$0x10170]  }
0xfc: {  	v6 =	vld [tilespmem:s23+$0x10100]  }
0xfd: {  	v7 =	vld [tilespmem:s23+$0x10110]  }
0xfe: {  	v8 =	vld [tilespmem:s23+$0x10120]  }
0xff: {  	v9 =	vld [tilespmem:s23+$0x10130]  }
0x100: {  	v5 =	vld [tilespmem:s23+$0x10140]  }
0x101: {  	v4 =	vld [tilespmem:s23+$0x10160]  }
0x102: {  	[tilespmem:s23+$0x8170] =	vst.add.f32.msk $0xffff, v3  }
0x103: {  	v3 =	vld [tilespmem:s23+$0x10150]  }
0x104: {  	[tilespmem:s23+$0x8100] =	vst.add.f32.msk $0xffff, v6  }
0x105: {  	[tilespmem:s23+$0x8110] =	vst.add.f32.msk $0xffff, v7  }
0x106: {  	s28 =	simm.s32 $0x400;
	[tilespmem:s23+$0x8120] =	vst.add.f32.msk $0xffff, v8  }
0x107: {  	s29 =	simm.s32 $0x80;
	s25 =	simm.s32 $0x10;
	s24 =	simm.s32 $0x0;
	[tilespmem:s23+$0x8130] =	vst.add.f32.msk $0xffff, v9  }
.LBB2_6:
0x108: {  	s30 =	sand.u32 $0x2000, s29;
	s31 =	sand.u32 $0x1C00, s28;
	s24 =	sadd.s32 $0x8, s24;
	[tilespmem:s23+$0x8140] =	vst.add.f32.msk $0xffff, v5  }
0x109: {  	s30 =	sor.u32 s31, s30;
	s31 =	sand.u32 $0x380, s25;
	p0 =	slt.u32 s24, $0x3F8;
	[tilespmem:s23+$0x8150] =	vst.add.f32.msk $0xffff, v3  }
0x10a: {  	[tilespmem:s23+$0x8160] =	vst.add.f32.msk $0xffff, v4;
	s23 =	sor.u32 s31, s30  }
0x10b: {  	v3 =	vld [tilespmem:s23+$0x10170]  }
0x10c: {  	v6 =	vld [tilespmem:s23+$0x10100]  }
0x10d: {  	v7 =	vld [tilespmem:s23+$0x10110]  }
0x10e: {  	v8 =	vld [tilespmem:s23+$0x10120]  }
0x10f: {  	v9 =	vld [tilespmem:s23+$0x10130]  }
0x110: {  	[tilespmem:s23+$0x8170] =	vst.add.f32.msk $0xffff, v3  }
0x111: {  	v5 =	vld [tilespmem:s23+$0x10140]  }
0x112: {  	v3 =	vld [tilespmem:s23+$0x10150]  }
.Ltmp2:
0x113: {  	v4 =	vld [tilespmem:s23+$0x10160];
	(pc) =	sbr.rel @p0 .LBB2_6-.Ltmp2, $4  }
0x114: {  	[tilespmem:s23+$0x8100] =	vst.add.f32.msk $0xffff, v6  }
0x115: {  	[tilespmem:s23+$0x8110] =	vst.add.f32.msk $0xffff, v7  }
0x116: {  	[tilespmem:s23+$0x8120] =	vst.add.f32.msk $0xffff, v8  }
0x117: {  	s28 =	sadd.s32 $0x400, s28;
	s29 =	sadd.s32 $0x80, s29;
	s25 =	sadd.s32 $0x10, s25;
	[tilespmem:s23+$0x8130] =	vst.add.f32.msk $0xffff, v9  }
0x118: {  	[tilespmem:s23+$0x8140] =	vst.add.f32.msk $0xffff, v5  }
0x119: {  	[tilespmem:s23+$0x8150] =	vst.add.f32.msk $0xffff, v3  }
0x11a: {  	[tilespmem:s23+$0x8160] =	vst.add.f32.msk $0xffff, v4  }
0x11b: {  	_ =	swait.ge [sflag:s21], $0x4000  }
0x11c: {  	[sflag:s21] =	ssyncset.done $0x0  }
0x11d: {  	[sflag:s21] =	ssyncadd.s32 $0xFFFFC000  }
0x11e: {  	v3 =	vld [tilespmem:$0x50];
	_ =	sdelay $0x4  }
0x11f: {  	v4 =	vshll.u32 v3, $0x3  }
0x120: {  	v3 =	vand.u32 $0x7, v3;
	v4 =	vand.u32 $0xFFFFFFC0, v4  }
0x121: {  	v3 =	vor.u32 v3, v4  }
0x122: {  	v4 =	vperm.xlane v3, v0;
	_ =	sdelay $0x1  }
0x123: {  	v4 =	vadd.s32 v1, v4;
	_ =	sdelay $0x3  }
0x124: {  	s23 =	simm.s32 $0x0  }
0x125: {  	[tilespmem:s19], [sflag:$0x1] =	stream.indirect_vreg.gather [hbm4b:s1+s23], $0x80, v4, vm0, $0xb8;
	[tilespmem:$0x18100] =	vst v63  }
0x126: {  	s24 =	simm.s32 $0x4900;
	v3 =	vperm.xlane v3, v2  }
0x127: {  	[tilespmem:s24], [sflag:$0x1] =	stream.indirect_vreg.gather [hbm4b:s8+s23], $0x80, v4, vm0, $0xb8;
	[tilespmem:$0x18100] =	vst v63  }
0x128: {  	s30 =	simm.s32 $0x5100;
	v3 =	vadd.s32 v1, v3  }
0x129: {  	[tilespmem:s30], [sflag:$0x1] =	stream.indirect_vreg.gather [hbm4b:s9+s23], $0x80, v4, vm0, $0xb8;
	[tilespmem:$0x18100] =	vst v63  }
0x12a: {  	s31 =	simm.s32 $0x5900  }
0x12b: {  	[tilespmem:s31], [sflag:$0x1] =	stream.indirect_vreg.gather [hbm4b:s10+s23], $0x80, v4, vm0, $0xb8;
	[tilespmem:$0x18100] =	vst v63  }
0x12c: {  	s25 =	simm.s32 $0x6100  }
0x12d: {  	[tilespmem:s25], [sflag:$0x1] =	stream.indirect_vreg.gather [hbm4b:s1+s23], $0x80, v3, vm0, $0xb8;
	[tilespmem:$0x18100] =	vst v63  }
0x12e: {  	s30 =	simm.s32 $0x6900  }
0x12f: {  	[tilespmem:s30], [sflag:$0x1] =	stream.indirect_vreg.gather [hbm4b:s8+s23], $0x80, v3, vm0, $0xb8;
	[tilespmem:$0x18100] =	vst v63  }
0x130: {  	s31 =	simm.s32 $0x7100  }
0x131: {  	[tilespmem:s31], [sflag:$0x1] =	stream.indirect_vreg.gather [hbm4b:s9+s23], $0x80, v3, vm0, $0xb8;
	[tilespmem:$0x18100] =	vst v63  }
0x132: {  	s25 =	simm.s32 $0x7900  }
0x133: {  	[tilespmem:s25], [sflag:$0x1] =	stream.indirect_vreg.gather [hbm4b:s10+s23], $0x80, v3, vm0, $0xb8;
	[tilespmem:$0x18100] =	vst v63  }
0x134: {  	s30 =	rddreg [dreg:$0xd]  }
0x135: {  	[hbm4b:s30+s23] =	stream.linear.scatter [tilespmem:s26], [sflag:$0x2], $0x4000, $0x38;
	[tilespmem:$0x18100] =	vst v63  }
0x136: {  	s31 =	sand.u32 $0x2000, s23;
	s25 =	sand.u32 $0x1C00, s23;
	_ =	swait.ge [sflag:s7], $0x4000  }
0x137: {  	s24 =	sor.u32 s25, s31;
	s23 =	sand.u32 $0x380, s23;
	[sflag:s7] =	ssyncset.done $0x0  }
0x138: {  	s23 =	sor.u32 s23, s24;
	[sflag:s7] =	ssyncadd.s32 $0xFFFFC000  }
0x139: {  	v3 =	vld [tilespmem:s23+$0x10170]  }
0x13a: {  	v6 =	vld [tilespmem:s23+$0x10100]  }
0x13b: {  	v7 =	vld [tilespmem:s23+$0x10110]  }
0x13c: {  	v8 =	vld [tilespmem:s23+$0x10120]  }
0x13d: {  	v9 =	vld [tilespmem:s23+$0x10130]  }
0x13e: {  	v5 =	vld [tilespmem:s23+$0x10140]  }
0x13f: {  	v4 =	vld [tilespmem:s23+$0x10160]  }
0x140: {  	[tilespmem:s23+$0xC170] =	vst.add.f32.msk $0xffff, v3  }
0x141: {  	v3 =	vld [tilespmem:s23+$0x10150]  }
0x142: {  	[tilespmem:s23+$0xC100] =	vst.add.f32.msk $0xffff, v6  }
0x143: {  	[tilespmem:s23+$0xC110] =	vst.add.f32.msk $0xffff, v7  }
0x144: {  	s28 =	simm.s32 $0x400;
	[tilespmem:s23+$0xC120] =	vst.add.f32.msk $0xffff, v8  }
0x145: {  	s29 =	simm.s32 $0x80;
	s25 =	simm.s32 $0x10;
	s24 =	simm.s32 $0x0;
	[tilespmem:s23+$0xC130] =	vst.add.f32.msk $0xffff, v9  }
.LBB2_8:
0x146: {  	s30 =	sand.u32 $0x2000, s29;
	s31 =	sand.u32 $0x1C00, s28;
	s24 =	sadd.s32 $0x8, s24;
	[tilespmem:s23+$0xC140] =	vst.add.f32.msk $0xffff, v5  }
0x147: {  	s30 =	sor.u32 s31, s30;
	s31 =	sand.u32 $0x380, s25;
	p0 =	slt.u32 s24, $0x3F8;
	[tilespmem:s23+$0xC150] =	vst.add.f32.msk $0xffff, v3  }
0x148: {  	[tilespmem:s23+$0xC160] =	vst.add.f32.msk $0xffff, v4;
	s23 =	sor.u32 s31, s30  }
0x149: {  	v3 =	vld [tilespmem:s23+$0x10170]  }
0x14a: {  	v6 =	vld [tilespmem:s23+$0x10100]  }
0x14b: {  	v7 =	vld [tilespmem:s23+$0x10110]  }
0x14c: {  	v8 =	vld [tilespmem:s23+$0x10120]  }
0x14d: {  	v9 =	vld [tilespmem:s23+$0x10130]  }
0x14e: {  	[tilespmem:s23+$0xC170] =	vst.add.f32.msk $0xffff, v3  }
0x14f: {  	v5 =	vld [tilespmem:s23+$0x10140]  }
0x150: {  	v3 =	vld [tilespmem:s23+$0x10150]  }
.Ltmp3:
0x151: {  	v4 =	vld [tilespmem:s23+$0x10160];
	(pc) =	sbr.rel @p0 .LBB2_8-.Ltmp3, $4  }
0x152: {  	[tilespmem:s23+$0xC100] =	vst.add.f32.msk $0xffff, v6  }
0x153: {  	[tilespmem:s23+$0xC110] =	vst.add.f32.msk $0xffff, v7  }
0x154: {  	[tilespmem:s23+$0xC120] =	vst.add.f32.msk $0xffff, v8  }
0x155: {  	s28 =	sadd.s32 $0x400, s28;
	s29 =	sadd.s32 $0x80, s29;
	s25 =	sadd.s32 $0x10, s25;
	[tilespmem:s23+$0xC130] =	vst.add.f32.msk $0xffff, v9  }
0x156: {  	[tilespmem:s23+$0xC140] =	vst.add.f32.msk $0xffff, v5  }
0x157: {  	[tilespmem:s23+$0xC150] =	vst.add.f32.msk $0xffff, v3  }
0x158: {  	[tilespmem:s23+$0xC160] =	vst.add.f32.msk $0xffff, v4  }
0x159: {  	s23 =	simm.s32 $0x0;
	s25 =	simm.s32 $0x10100;
	s24 =	rddreg [dreg:$0xe]  }
0x15a: {  	[tilespmem:s25], [sflag:$0x3] =	stream.linear.gather [hbm4b:s24+s23], $0x4000, $0x38;
	[tilespmem:$0x18100] =	vst v63  }
0x15b: {  	_ =	swait.ge [sflag:s21], $0x4000  }
0x15c: {  	[sflag:s21] =	ssyncset.done $0x0  }
0x15d: {  	[sflag:s21] =	ssyncadd.s32 $0xFFFFC000  }
0x15e: {  	v3 =	vld [tilespmem:$0x90];
	_ =	sdelay $0x4  }
0x15f: {  	v4 =	vshll.u32 v3, $0x3  }
0x160: {  	v3 =	vand.u32 $0x7, v3;
	v4 =	vand.u32 $0xFFFFFFC0, v4  }
0x161: {  	v3 =	vor.u32 v3, v4  }
0x162: {  	v4 =	vperm.xlane v3, v0;
	_ =	sdelay $0x1  }
0x163: {  	v4 =	vadd.s32 v1, v4;
	_ =	sdelay $0x4  }
0x164: {  	[tilespmem:s26], [sflag:$0x1] =	stream.indirect_vreg.gather [hbm4b:s1+s23], $0x80, v4, vm0, $0xb8;
	[tilespmem:$0x18100] =	vst v63  }
0x165: {  	s31 =	simm.s32 $0x8900;
	v3 =	vperm.xlane v3, v2  }
0x166: {  	[tilespmem:s31], [sflag:$0x1] =	stream.indirect_vreg.gather [hbm4b:s8+s23], $0x80, v4, vm0, $0xb8;
	[tilespmem:$0x18100] =	vst v63  }
0x167: {  	s25 =	simm.s32 $0x9100;
	v3 =	vadd.s32 v1, v3  }
0x168: {  	[tilespmem:s25], [sflag:$0x1] =	stream.indirect_vreg.gather [hbm4b:s9+s23], $0x80, v4, vm0, $0xb8;
	[tilespmem:$0x18100] =	vst v63  }
0x169: {  	s30 =	simm.s32 $0x9900  }
0x16a: {  	[tilespmem:s30], [sflag:$0x1] =	stream.indirect_vreg.gather [hbm4b:s10+s23], $0x80, v4, vm0, $0xb8;
	[tilespmem:$0x18100] =	vst v63  }
0x16b: {  	s31 =	simm.s32 $0xA100  }
0x16c: {  	[tilespmem:s31], [sflag:$0x1] =	stream.indirect_vreg.gather [hbm4b:s1+s23], $0x80, v3, vm0, $0xb8;
	[tilespmem:$0x18100] =	vst v63  }
0x16d: {  	_ = 	snop  }
0x16e: {  	[tilespmem:s2], [sflag:$0x1] =	stream.indirect_vreg.gather [hbm4b:s8+s23], $0x80, v3, vm0, $0xb8;
	[tilespmem:$0x18100] =	vst v63  }
0x16f: {  	_ = 	snop  }
0x170: {  	[tilespmem:s0], [sflag:$0x1] =	stream.indirect_vreg.gather [hbm4b:s9+s23], $0x80, v3, vm0, $0xb8;
	[tilespmem:$0x18100] =	vst v63  }
0x171: {  	_ = 	snop  }
0x172: {  	[tilespmem:s4], [sflag:$0x1] =	stream.indirect_vreg.gather [hbm4b:s10+s23], $0x80, v3, vm0, $0xb8;
	[tilespmem:$0x18100] =	vst v63  }
0x173: {  	s25 =	rddreg [dreg:$0xf]  }
0x174: {  	[hbm4b:s25+s23] =	stream.linear.scatter [tilespmem:s11], [sflag:$0x2], $0x4000, $0x38;
	[tilespmem:$0x18100] =	vst v63  }
0x175: {  	_ =	swait.ge [sflag:s13], $0x4000  }
0x176: {  	[sflag:s13] =	ssyncset.done $0x0  }
0x177: {  	[sflag:s13] =	ssyncadd.s32 $0xFFFFC000  }
0x178: {  	s30 =	sand.u32 $0x2000, s23;
	s31 =	sand.u32 $0x1C00, s23;
	_ =	swait.ge [sflag:s7], $0x4000  }
0x179: {  	s24 =	sor.u32 s31, s30;
	s23 =	sand.u32 $0x380, s23;
	[sflag:s7] =	ssyncset.done $0x0  }
0x17a: {  	s23 =	sor.u32 s23, s24;
	[sflag:s7] =	ssyncadd.s32 $0xFFFFC000  }
0x17b: {  	v3 =	vld [tilespmem:s23+$0x14170]  }
0x17c: {  	v6 =	vld [tilespmem:s23+$0x14100]  }
0x17d: {  	v7 =	vld [tilespmem:s23+$0x14110]  }
0x17e: {  	v8 =	vld [tilespmem:s23+$0x14120]  }
0x17f: {  	v9 =	vld [tilespmem:s23+$0x14130]  }
0x180: {  	v5 =	vld [tilespmem:s23+$0x14140]  }
0x181: {  	v4 =	vld [tilespmem:s23+$0x14160]  }
0x182: {  	[tilespmem:s23+$0x170] =	vst.add.f32.msk $0xffff, v3  }
0x183: {  	v3 =	vld [tilespmem:s23+$0x14150]  }
0x184: {  	[tilespmem:s23+$0x100] =	vst.add.f32.msk $0xffff, v6  }
0x185: {  	[tilespmem:s23+$0x110] =	vst.add.f32.msk $0xffff, v7  }
0x186: {  	s28 =	simm.s32 $0x400;
	[tilespmem:s23+$0x120] =	vst.add.f32.msk $0xffff, v8  }
0x187: {  	s29 =	simm.s32 $0x80;
	s25 =	simm.s32 $0x10;
	s24 =	simm.s32 $0x0;
	[tilespmem:s23+$0x130] =	vst.add.f32.msk $0xffff, v9  }
.LBB2_10:
0x188: {  	s30 =	sand.u32 $0x2000, s29;
	s31 =	sand.u32 $0x1C00, s28;
	s24 =	sadd.s32 $0x8, s24;
	[tilespmem:s23+$0x140] =	vst.add.f32.msk $0xffff, v5  }
0x189: {  	s30 =	sor.u32 s31, s30;
	s31 =	sand.u32 $0x380, s25;
	p0 =	slt.u32 s24, $0x3F8;
	[tilespmem:s23+$0x150] =	vst.add.f32.msk $0xffff, v3  }
0x18a: {  	[tilespmem:s23+$0x160] =	vst.add.f32.msk $0xffff, v4;
	s23 =	sor.u32 s31, s30  }
0x18b: {  	v3 =	vld [tilespmem:s23+$0x14170]  }
0x18c: {  	v6 =	vld [tilespmem:s23+$0x14100]  }
0x18d: {  	v7 =	vld [tilespmem:s23+$0x14110]  }
0x18e: {  	v8 =	vld [tilespmem:s23+$0x14120]  }
0x18f: {  	v9 =	vld [tilespmem:s23+$0x14130]  }
0x190: {  	[tilespmem:s23+$0x170] =	vst.add.f32.msk $0xffff, v3  }
0x191: {  	v5 =	vld [tilespmem:s23+$0x14140]  }
0x192: {  	v3 =	vld [tilespmem:s23+$0x14150]  }
.Ltmp4:
0x193: {  	v4 =	vld [tilespmem:s23+$0x14160];
	(pc) =	sbr.rel @p0 .LBB2_10-.Ltmp4, $4  }
0x194: {  	[tilespmem:s23+$0x100] =	vst.add.f32.msk $0xffff, v6  }
0x195: {  	[tilespmem:s23+$0x110] =	vst.add.f32.msk $0xffff, v7  }
0x196: {  	[tilespmem:s23+$0x120] =	vst.add.f32.msk $0xffff, v8  }
0x197: {  	s28 =	sadd.s32 $0x400, s28;
	s29 =	sadd.s32 $0x80, s29;
	s25 =	sadd.s32 $0x10, s25;
	[tilespmem:s23+$0x130] =	vst.add.f32.msk $0xffff, v9  }
0x198: {  	[tilespmem:s23+$0x140] =	vst.add.f32.msk $0xffff, v5  }
0x199: {  	[tilespmem:s23+$0x150] =	vst.add.f32.msk $0xffff, v3  }
0x19a: {  	[tilespmem:s23+$0x160] =	vst.add.f32.msk $0xffff, v4  }
0x19b: {  	_ =	swait.ge [sflag:s21], $0x4000  }
0x19c: {  	[sflag:s21] =	ssyncset.done $0x0  }
0x19d: {  	[sflag:s21] =	ssyncadd.s32 $0xFFFFC000  }
0x19e: {  	v3 =	vld [tilespmem:$0xD0];
	_ =	sdelay $0x4  }
0x19f: {  	v4 =	vshll.u32 v3, $0x3  }
0x1a0: {  	v3 =	vand.u32 $0x7, v3;
	v4 =	vand.u32 $0xFFFFFFC0, v4  }
0x1a1: {  	v3 =	vor.u32 v3, v4  }
0x1a2: {  	v4 =	vperm.xlane v3, v0;
	_ =	sdelay $0x1  }
0x1a3: {  	v4 =	vadd.s32 v1, v4;
	_ =	sdelay $0x3  }
0x1a4: {  	s30 =	simm.s32 $0x0  }
0x1a5: {  	[tilespmem:s11], [sflag:$0x1] =	stream.indirect_vreg.gather [hbm4b:s1+s30], $0x80, v4, vm0, $0xb8;
	[tilespmem:$0x18100] =	vst v63  }
0x1a6: {  	v3 =	vperm.xlane v3, v2  }
0x1a7: {  	[tilespmem:s12], [sflag:$0x1] =	stream.indirect_vreg.gather [hbm4b:s8+s30], $0x80, v4, vm0, $0xb8;
	[tilespmem:$0x18100] =	vst v63  }
0x1a8: {  	v3 =	vadd.s32 v1, v3  }
0x1a9: {  	[tilespmem:s14], [sflag:$0x1] =	stream.indirect_vreg.gather [hbm4b:s9+s30], $0x80, v4, vm0, $0xb8;
	[tilespmem:$0x18100] =	vst v63  }
0x1aa: {  	_ = 	snop  }
0x1ab: {  	[tilespmem:s15], [sflag:$0x1] =	stream.indirect_vreg.gather [hbm4b:s10+s30], $0x80, v4, vm0, $0xb8;
	[tilespmem:$0x18100] =	vst v63  }
0x1ac: {  	_ = 	snop  }
0x1ad: {  	[tilespmem:s16], [sflag:$0x1] =	stream.indirect_vreg.gather [hbm4b:s1+s30], $0x80, v3, vm0, $0xb8;
	[tilespmem:$0x18100] =	vst v63  }
0x1ae: {  	_ = 	snop  }
0x1af: {  	[tilespmem:s17], [sflag:$0x1] =	stream.indirect_vreg.gather [hbm4b:s8+s30], $0x80, v3, vm0, $0xb8;
	[tilespmem:$0x18100] =	vst v63  }
0x1b0: {  	_ = 	snop  }
0x1b1: {  	[tilespmem:s18], [sflag:$0x1] =	stream.indirect_vreg.gather [hbm4b:s9+s30], $0x80, v3, vm0, $0xb8;
	[tilespmem:$0x18100] =	vst v63  }
0x1b2: {  	_ = 	snop  }
0x1b3: {  	[tilespmem:s20], [sflag:$0x1] =	stream.indirect_vreg.gather [hbm4b:s10+s30], $0x80, v3, vm0, $0xb8;
	[tilespmem:$0x18100] =	vst v63  }
0x1b4: {  	s24 =	rddreg [dreg:$0x10]  }
0x1b5: {  	[hbm4b:s24+s30] =	stream.linear.scatter [tilespmem:s6], [sflag:$0x2], $0x4000, $0x38;
	[tilespmem:$0x18100] =	vst v63  }
0x1b6: {  	s31 =	sand.u32 $0x2000, s30;
	s25 =	sand.u32 $0x1C00, s30;
	_ =	swait.ge [sflag:s7], $0x4000  }
0x1b7: {  	s23 =	sand.u32 $0x380, s30;
	s24 =	sor.u32 s25, s31;
	[sflag:s7] =	ssyncset.done $0x0  }
0x1b8: {  	s23 =	sor.u32 s23, s24;
	[sflag:s7] =	ssyncadd.s32 $0xFFFFC000  }
0x1b9: {  	v3 =	vld [tilespmem:s23+$0x14170]  }
0x1ba: {  	v6 =	vld [tilespmem:s23+$0x14100]  }
0x1bb: {  	v7 =	vld [tilespmem:s23+$0x14110]  }
0x1bc: {  	v8 =	vld [tilespmem:s23+$0x14120]  }
0x1bd: {  	v9 =	vld [tilespmem:s23+$0x14130]  }
0x1be: {  	v5 =	vld [tilespmem:s23+$0x14140]  }
0x1bf: {  	v4 =	vld [tilespmem:s23+$0x14160]  }
0x1c0: {  	[tilespmem:s23+$0x4170] =	vst.add.f32.msk $0xffff, v3  }
0x1c1: {  	v3 =	vld [tilespmem:s23+$0x14150]  }
0x1c2: {  	[tilespmem:s23+$0x4100] =	vst.add.f32.msk $0xffff, v6  }
0x1c3: {  	[tilespmem:s23+$0x4110] =	vst.add.f32.msk $0xffff, v7  }
0x1c4: {  	s28 =	simm.s32 $0x400;
	[tilespmem:s23+$0x4120] =	vst.add.f32.msk $0xffff, v8  }
0x1c5: {  	s29 =	simm.s32 $0x80;
	s25 =	simm.s32 $0x10;
	s24 =	simm.s32 $0x0;
	[tilespmem:s23+$0x4130] =	vst.add.f32.msk $0xffff, v9  }
.LBB2_12:
0x1c6: {  	s30 =	sand.u32 $0x2000, s29;
	s31 =	sand.u32 $0x1C00, s28;
	s24 =	sadd.s32 $0x8, s24;
	[tilespmem:s23+$0x4140] =	vst.add.f32.msk $0xffff, v5  }
0x1c7: {  	s30 =	sor.u32 s31, s30;
	s31 =	sand.u32 $0x380, s25;
	p0 =	slt.u32 s24, $0x3F8;
	[tilespmem:s23+$0x4150] =	vst.add.f32.msk $0xffff, v3  }
0x1c8: {  	[tilespmem:s23+$0x4160] =	vst.add.f32.msk $0xffff, v4;
	s23 =	sor.u32 s31, s30  }
0x1c9: {  	v3 =	vld [tilespmem:s23+$0x14170]  }
0x1ca: {  	v6 =	vld [tilespmem:s23+$0x14100]  }
0x1cb: {  	v7 =	vld [tilespmem:s23+$0x14110]  }
0x1cc: {  	v8 =	vld [tilespmem:s23+$0x14120]  }
0x1cd: {  	v9 =	vld [tilespmem:s23+$0x14130]  }
0x1ce: {  	[tilespmem:s23+$0x4170] =	vst.add.f32.msk $0xffff, v3  }
0x1cf: {  	v5 =	vld [tilespmem:s23+$0x14140]  }
0x1d0: {  	v3 =	vld [tilespmem:s23+$0x14150]  }
.Ltmp5:
0x1d1: {  	v4 =	vld [tilespmem:s23+$0x14160];
	(pc) =	sbr.rel @p0 .LBB2_12-.Ltmp5, $4  }
0x1d2: {  	[tilespmem:s23+$0x4100] =	vst.add.f32.msk $0xffff, v6  }
0x1d3: {  	[tilespmem:s23+$0x4110] =	vst.add.f32.msk $0xffff, v7  }
0x1d4: {  	[tilespmem:s23+$0x4120] =	vst.add.f32.msk $0xffff, v8  }
0x1d5: {  	s28 =	sadd.s32 $0x400, s28;
	s29 =	sadd.s32 $0x80, s29;
	s25 =	sadd.s32 $0x10, s25;
	[tilespmem:s23+$0x4130] =	vst.add.f32.msk $0xffff, v9  }
0x1d6: {  	[tilespmem:s23+$0x4140] =	vst.add.f32.msk $0xffff, v5  }
0x1d7: {  	[tilespmem:s23+$0x4150] =	vst.add.f32.msk $0xffff, v3  }
0x1d8: {  	[tilespmem:s23+$0x4160] =	vst.add.f32.msk $0xffff, v4  }
0x1d9: {  	_ =	swait.ge [sflag:s21], $0x4000  }
0x1da: {  	[sflag:s21] =	ssyncset.done $0x0  }
0x1db: {  	[sflag:s21] =	ssyncadd.s32 $0xFFFFC000  }
0x1dc: {  	v3 =	vld [tilespmem:$0x20];
	_ =	sdelay $0x4  }
0x1dd: {  	v4 =	vshll.u32 v3, $0x3  }
0x1de: {  	v3 =	vand.u32 $0x7, v3;
	v4 =	vand.u32 $0xFFFFFFC0, v4  }
0x1df: {  	v3 =	vor.u32 v3, v4  }
0x1e0: {  	v4 =	vperm.xlane v3, v0;
	_ =	sdelay $0x1  }
0x1e1: {  	v4 =	vadd.s32 v1, v4;
	_ =	sdelay $0x3  }
0x1e2: {  	s23 =	simm.s32 $0x0  }
0x1e3: {  	[tilespmem:s6], [sflag:$0x1] =	stream.indirect_vreg.gather [hbm4b:s1+s23], $0x80, v4, vm0, $0xb8;
	[tilespmem:$0x18100] =	vst v63  }
0x1e4: {  	s24 =	simm.s32 $0x900;
	v3 =	vperm.xlane v3, v2  }
0x1e5: {  	[tilespmem:s24], [sflag:$0x1] =	stream.indirect_vreg.gather [hbm4b:s8+s23], $0x80, v4, vm0, $0xb8;
	[tilespmem:$0x18100] =	vst v63  }
0x1e6: {  	s30 =	simm.s32 $0x1100;
	v3 =	vadd.s32 v1, v3  }
0x1e7: {  	[tilespmem:s30], [sflag:$0x1] =	stream.indirect_vreg.gather [hbm4b:s9+s23], $0x80, v4, vm0, $0xb8;
	[tilespmem:$0x18100] =	vst v63  }
0x1e8: {  	s31 =	simm.s32 $0x1900  }
0x1e9: {  	[tilespmem:s31], [sflag:$0x1] =	stream.indirect_vreg.gather [hbm4b:s10+s23], $0x80, v4, vm0, $0xb8;
	[tilespmem:$0x18100] =	vst v63  }
0x1ea: {  	s25 =	simm.s32 $0x2100  }
0x1eb: {  	[tilespmem:s25], [sflag:$0x1] =	stream.indirect_vreg.gather [hbm4b:s1+s23], $0x80, v3, vm0, $0xb8;
	[tilespmem:$0x18100] =	vst v63  }
0x1ec: {  	s30 =	simm.s32 $0x2900  }
0x1ed: {  	[tilespmem:s30], [sflag:$0x1] =	stream.indirect_vreg.gather [hbm4b:s8+s23], $0x80, v3, vm0, $0xb8;
	[tilespmem:$0x18100] =	vst v63  }
0x1ee: {  	s31 =	simm.s32 $0x3100  }
0x1ef: {  	[tilespmem:s31], [sflag:$0x1] =	stream.indirect_vreg.gather [hbm4b:s9+s23], $0x80, v3, vm0, $0xb8;
	[tilespmem:$0x18100] =	vst v63  }
0x1f0: {  	s25 =	simm.s32 $0x3900  }
0x1f1: {  	[tilespmem:s25], [sflag:$0x1] =	stream.indirect_vreg.gather [hbm4b:s10+s23], $0x80, v3, vm0, $0xb8;
	[tilespmem:$0x18100] =	vst v63  }
0x1f2: {  	s30 =	rddreg [dreg:$0x11]  }
0x1f3: {  	[hbm4b:s30+s23] =	stream.linear.scatter [tilespmem:s19], [sflag:$0x2], $0x4000, $0x38;
	[tilespmem:$0x18100] =	vst v63  }
0x1f4: {  	s31 =	sand.u32 $0x2000, s23;
	s25 =	sand.u32 $0x1C00, s23;
	_ =	swait.ge [sflag:s7], $0x4000  }
0x1f5: {  	s24 =	sor.u32 s25, s31;
	s23 =	sand.u32 $0x380, s23;
	[sflag:s7] =	ssyncset.done $0x0  }
0x1f6: {  	s23 =	sor.u32 s23, s24;
	[sflag:s7] =	ssyncadd.s32 $0xFFFFC000  }
0x1f7: {  	v3 =	vld [tilespmem:s23+$0x14170]  }
0x1f8: {  	v6 =	vld [tilespmem:s23+$0x14100]  }
0x1f9: {  	v7 =	vld [tilespmem:s23+$0x14110]  }
0x1fa: {  	v8 =	vld [tilespmem:s23+$0x14120]  }
0x1fb: {  	v9 =	vld [tilespmem:s23+$0x14130]  }
0x1fc: {  	v5 =	vld [tilespmem:s23+$0x14140]  }
0x1fd: {  	v4 =	vld [tilespmem:s23+$0x14160]  }
0x1fe: {  	[tilespmem:s23+$0x8170] =	vst.add.f32.msk $0xffff, v3  }
0x1ff: {  	v3 =	vld [tilespmem:s23+$0x14150]  }
0x200: {  	[tilespmem:s23+$0x8100] =	vst.add.f32.msk $0xffff, v6  }
0x201: {  	[tilespmem:s23+$0x8110] =	vst.add.f32.msk $0xffff, v7  }
0x202: {  	s28 =	simm.s32 $0x400;
	[tilespmem:s23+$0x8120] =	vst.add.f32.msk $0xffff, v8  }
0x203: {  	s29 =	simm.s32 $0x80;
	s25 =	simm.s32 $0x10;
	s24 =	simm.s32 $0x0;
	[tilespmem:s23+$0x8130] =	vst.add.f32.msk $0xffff, v9  }
.LBB2_14:
0x204: {  	s30 =	sand.u32 $0x2000, s29;
	s31 =	sand.u32 $0x1C00, s28;
	s24 =	sadd.s32 $0x8, s24;
	[tilespmem:s23+$0x8140] =	vst.add.f32.msk $0xffff, v5  }
0x205: {  	s30 =	sor.u32 s31, s30;
	s31 =	sand.u32 $0x380, s25;
	p0 =	slt.u32 s24, $0x3F8;
	[tilespmem:s23+$0x8150] =	vst.add.f32.msk $0xffff, v3  }
0x206: {  	[tilespmem:s23+$0x8160] =	vst.add.f32.msk $0xffff, v4;
	s23 =	sor.u32 s31, s30  }
0x207: {  	v3 =	vld [tilespmem:s23+$0x14170]  }
0x208: {  	v6 =	vld [tilespmem:s23+$0x14100]  }
0x209: {  	v7 =	vld [tilespmem:s23+$0x14110]  }
0x20a: {  	v8 =	vld [tilespmem:s23+$0x14120]  }
0x20b: {  	v9 =	vld [tilespmem:s23+$0x14130]  }
0x20c: {  	[tilespmem:s23+$0x8170] =	vst.add.f32.msk $0xffff, v3  }
0x20d: {  	v5 =	vld [tilespmem:s23+$0x14140]  }
0x20e: {  	v3 =	vld [tilespmem:s23+$0x14150]  }
.Ltmp6:
0x20f: {  	v4 =	vld [tilespmem:s23+$0x14160];
	(pc) =	sbr.rel @p0 .LBB2_14-.Ltmp6, $4  }
0x210: {  	[tilespmem:s23+$0x8100] =	vst.add.f32.msk $0xffff, v6  }
0x211: {  	[tilespmem:s23+$0x8110] =	vst.add.f32.msk $0xffff, v7  }
0x212: {  	[tilespmem:s23+$0x8120] =	vst.add.f32.msk $0xffff, v8  }
0x213: {  	s28 =	sadd.s32 $0x400, s28;
	s29 =	sadd.s32 $0x80, s29;
	s25 =	sadd.s32 $0x10, s25;
	[tilespmem:s23+$0x8130] =	vst.add.f32.msk $0xffff, v9  }
0x214: {  	[tilespmem:s23+$0x8140] =	vst.add.f32.msk $0xffff, v5  }
0x215: {  	[tilespmem:s23+$0x8150] =	vst.add.f32.msk $0xffff, v3  }
0x216: {  	[tilespmem:s23+$0x8160] =	vst.add.f32.msk $0xffff, v4  }
0x217: {  	_ =	swait.ge [sflag:s21], $0x4000  }
0x218: {  	[sflag:s21] =	ssyncset.done $0x0  }
0x219: {  	[sflag:s21] =	ssyncadd.s32 $0xFFFFC000  }
0x21a: {  	v3 =	vld [tilespmem:$0x60];
	_ =	sdelay $0x4  }
0x21b: {  	v4 =	vshll.u32 v3, $0x3  }
0x21c: {  	v3 =	vand.u32 $0x7, v3;
	v4 =	vand.u32 $0xFFFFFFC0, v4  }
0x21d: {  	v3 =	vor.u32 v3, v4  }
0x21e: {  	v4 =	vperm.xlane v3, v0;
	_ =	sdelay $0x1  }
0x21f: {  	v4 =	vadd.s32 v1, v4;
	_ =	sdelay $0x3  }
0x220: {  	s23 =	simm.s32 $0x0  }
0x221: {  	[tilespmem:s19], [sflag:$0x1] =	stream.indirect_vreg.gather [hbm4b:s1+s23], $0x80, v4, vm0, $0xb8;
	[tilespmem:$0x18100] =	vst v63  }
0x222: {  	s24 =	simm.s32 $0x4900;
	v3 =	vperm.xlane v3, v2  }
0x223: {  	[tilespmem:s24], [sflag:$0x1] =	stream.indirect_vreg.gather [hbm4b:s8+s23], $0x80, v4, vm0, $0xb8;
	[tilespmem:$0x18100] =	vst v63  }
0x224: {  	s30 =	simm.s32 $0x5100;
	v3 =	vadd.s32 v1, v3  }
0x225: {  	[tilespmem:s30], [sflag:$0x1] =	stream.indirect_vreg.gather [hbm4b:s9+s23], $0x80, v4, vm0, $0xb8;
	[tilespmem:$0x18100] =	vst v63  }
0x226: {  	s31 =	simm.s32 $0x5900  }
0x227: {  	[tilespmem:s31], [sflag:$0x1] =	stream.indirect_vreg.gather [hbm4b:s10+s23], $0x80, v4, vm0, $0xb8;
	[tilespmem:$0x18100] =	vst v63  }
0x228: {  	s25 =	simm.s32 $0x6100  }
0x229: {  	[tilespmem:s25], [sflag:$0x1] =	stream.indirect_vreg.gather [hbm4b:s1+s23], $0x80, v3, vm0, $0xb8;
	[tilespmem:$0x18100] =	vst v63  }
0x22a: {  	s30 =	simm.s32 $0x6900  }
0x22b: {  	[tilespmem:s30], [sflag:$0x1] =	stream.indirect_vreg.gather [hbm4b:s8+s23], $0x80, v3, vm0, $0xb8;
	[tilespmem:$0x18100] =	vst v63  }
0x22c: {  	s31 =	simm.s32 $0x7100  }
0x22d: {  	[tilespmem:s31], [sflag:$0x1] =	stream.indirect_vreg.gather [hbm4b:s9+s23], $0x80, v3, vm0, $0xb8;
	[tilespmem:$0x18100] =	vst v63  }
0x22e: {  	s25 =	simm.s32 $0x7900  }
0x22f: {  	[tilespmem:s25], [sflag:$0x1] =	stream.indirect_vreg.gather [hbm4b:s10+s23], $0x80, v3, vm0, $0xb8;
	[tilespmem:$0x18100] =	vst v63  }
0x230: {  	s30 =	rddreg [dreg:$0x12]  }
0x231: {  	[hbm4b:s30+s23] =	stream.linear.scatter [tilespmem:s26], [sflag:$0x2], $0x4000, $0x38;
	[tilespmem:$0x18100] =	vst v63  }
0x232: {  	s31 =	sand.u32 $0x2000, s23;
	s25 =	sand.u32 $0x1C00, s23;
	_ =	swait.ge [sflag:s7], $0x4000  }
0x233: {  	s24 =	sor.u32 s25, s31;
	s23 =	sand.u32 $0x380, s23;
	[sflag:s7] =	ssyncset.done $0x0  }
0x234: {  	s23 =	sor.u32 s23, s24;
	[sflag:s7] =	ssyncadd.s32 $0xFFFFC000  }
0x235: {  	v3 =	vld [tilespmem:s23+$0x14170]  }
0x236: {  	v6 =	vld [tilespmem:s23+$0x14100]  }
0x237: {  	v7 =	vld [tilespmem:s23+$0x14110]  }
0x238: {  	v8 =	vld [tilespmem:s23+$0x14120]  }
0x239: {  	v9 =	vld [tilespmem:s23+$0x14130]  }
0x23a: {  	v5 =	vld [tilespmem:s23+$0x14140]  }
0x23b: {  	v4 =	vld [tilespmem:s23+$0x14160]  }
0x23c: {  	[tilespmem:s23+$0xC170] =	vst.add.f32.msk $0xffff, v3  }
0x23d: {  	v3 =	vld [tilespmem:s23+$0x14150]  }
0x23e: {  	[tilespmem:s23+$0xC100] =	vst.add.f32.msk $0xffff, v6  }
0x23f: {  	[tilespmem:s23+$0xC110] =	vst.add.f32.msk $0xffff, v7  }
0x240: {  	s28 =	simm.s32 $0x400;
	[tilespmem:s23+$0xC120] =	vst.add.f32.msk $0xffff, v8  }
0x241: {  	s29 =	simm.s32 $0x80;
	s25 =	simm.s32 $0x10;
	s24 =	simm.s32 $0x0;
	[tilespmem:s23+$0xC130] =	vst.add.f32.msk $0xffff, v9  }
.LBB2_16:
0x242: {  	s30 =	sand.u32 $0x2000, s29;
	s31 =	sand.u32 $0x1C00, s28;
	s24 =	sadd.s32 $0x8, s24;
	[tilespmem:s23+$0xC140] =	vst.add.f32.msk $0xffff, v5  }
0x243: {  	s30 =	sor.u32 s31, s30;
	s31 =	sand.u32 $0x380, s25;
	p0 =	slt.u32 s24, $0x3F8;
	[tilespmem:s23+$0xC150] =	vst.add.f32.msk $0xffff, v3  }
0x244: {  	[tilespmem:s23+$0xC160] =	vst.add.f32.msk $0xffff, v4;
	s23 =	sor.u32 s31, s30  }
0x245: {  	v3 =	vld [tilespmem:s23+$0x14170]  }
0x246: {  	v6 =	vld [tilespmem:s23+$0x14100]  }
0x247: {  	v7 =	vld [tilespmem:s23+$0x14110]  }
0x248: {  	v8 =	vld [tilespmem:s23+$0x14120]  }
0x249: {  	v9 =	vld [tilespmem:s23+$0x14130]  }
0x24a: {  	[tilespmem:s23+$0xC170] =	vst.add.f32.msk $0xffff, v3  }
0x24b: {  	v5 =	vld [tilespmem:s23+$0x14140]  }
0x24c: {  	v3 =	vld [tilespmem:s23+$0x14150]  }
.Ltmp7:
0x24d: {  	v4 =	vld [tilespmem:s23+$0x14160];
	(pc) =	sbr.rel @p0 .LBB2_16-.Ltmp7, $4  }
0x24e: {  	[tilespmem:s23+$0xC100] =	vst.add.f32.msk $0xffff, v6  }
0x24f: {  	[tilespmem:s23+$0xC110] =	vst.add.f32.msk $0xffff, v7  }
0x250: {  	[tilespmem:s23+$0xC120] =	vst.add.f32.msk $0xffff, v8  }
0x251: {  	s28 =	sadd.s32 $0x400, s28;
	s29 =	sadd.s32 $0x80, s29;
	s25 =	sadd.s32 $0x10, s25;
	[tilespmem:s23+$0xC130] =	vst.add.f32.msk $0xffff, v9  }
0x252: {  	[tilespmem:s23+$0xC140] =	vst.add.f32.msk $0xffff, v5  }
0x253: {  	[tilespmem:s23+$0xC150] =	vst.add.f32.msk $0xffff, v3  }
0x254: {  	[tilespmem:s23+$0xC160] =	vst.add.f32.msk $0xffff, v4  }
0x255: {  	s23 =	simm.s32 $0x0;
	s25 =	simm.s32 $0x14100;
	s24 =	rddreg [dreg:$0x13]  }
0x256: {  	[tilespmem:s25], [sflag:$0x3] =	stream.linear.gather [hbm4b:s24+s23], $0x4000, $0x38;
	[tilespmem:$0x18100] =	vst v63  }
0x257: {  	_ =	swait.ge [sflag:s21], $0x4000  }
0x258: {  	[sflag:s21] =	ssyncset.done $0x0  }
0x259: {  	[sflag:s21] =	ssyncadd.s32 $0xFFFFC000  }
0x25a: {  	v3 =	vld [tilespmem:$0xA0];
	_ =	sdelay $0x4  }
0x25b: {  	v4 =	vshll.u32 v3, $0x3  }
0x25c: {  	v3 =	vand.u32 $0x7, v3;
	v4 =	vand.u32 $0xFFFFFFC0, v4  }
0x25d: {  	v3 =	vor.u32 v3, v4  }
0x25e: {  	v4 =	vperm.xlane v3, v0;
	_ =	sdelay $0x1  }
0x25f: {  	v4 =	vadd.s32 v1, v4;
	_ =	sdelay $0x4  }
0x260: {  	[tilespmem:s26], [sflag:$0x1] =	stream.indirect_vreg.gather [hbm4b:s1+s23], $0x80, v4, vm0, $0xb8;
	[tilespmem:$0x18100] =	vst v63  }
0x261: {  	s31 =	simm.s32 $0x8900;
	v3 =	vperm.xlane v3, v2  }
0x262: {  	[tilespmem:s31], [sflag:$0x1] =	stream.indirect_vreg.gather [hbm4b:s8+s23], $0x80, v4, vm0, $0xb8;
	[tilespmem:$0x18100] =	vst v63  }
0x263: {  	s25 =	simm.s32 $0x9100;
	v3 =	vadd.s32 v1, v3  }
0x264: {  	[tilespmem:s25], [sflag:$0x1] =	stream.indirect_vreg.gather [hbm4b:s9+s23], $0x80, v4, vm0, $0xb8;
	[tilespmem:$0x18100] =	vst v63  }
0x265: {  	s30 =	simm.s32 $0x9900  }
0x266: {  	[tilespmem:s30], [sflag:$0x1] =	stream.indirect_vreg.gather [hbm4b:s10+s23], $0x80, v4, vm0, $0xb8;
	[tilespmem:$0x18100] =	vst v63  }
0x267: {  	s31 =	simm.s32 $0xA100  }
0x268: {  	[tilespmem:s31], [sflag:$0x1] =	stream.indirect_vreg.gather [hbm4b:s1+s23], $0x80, v3, vm0, $0xb8;
	[tilespmem:$0x18100] =	vst v63  }
0x269: {  	_ = 	snop  }
0x26a: {  	[tilespmem:s2], [sflag:$0x1] =	stream.indirect_vreg.gather [hbm4b:s8+s23], $0x80, v3, vm0, $0xb8;
	[tilespmem:$0x18100] =	vst v63  }
0x26b: {  	_ = 	snop  }
0x26c: {  	[tilespmem:s0], [sflag:$0x1] =	stream.indirect_vreg.gather [hbm4b:s9+s23], $0x80, v3, vm0, $0xb8;
	[tilespmem:$0x18100] =	vst v63  }
0x26d: {  	_ = 	snop  }
0x26e: {  	[tilespmem:s4], [sflag:$0x1] =	stream.indirect_vreg.gather [hbm4b:s10+s23], $0x80, v3, vm0, $0xb8;
	[tilespmem:$0x18100] =	vst v63  }
0x26f: {  	s25 =	rddreg [dreg:$0x16]  }
0x270: {  	[hbm4b:s25+s23] =	stream.linear.scatter [tilespmem:s11], [sflag:$0x2], $0x4000, $0x38;
	[tilespmem:$0x18100] =	vst v63  }
0x271: {  	_ =	swait.ge [sflag:s13], $0x4000  }
0x272: {  	[sflag:s13] =	ssyncset.done $0x0  }
0x273: {  	[sflag:s13] =	ssyncadd.s32 $0xFFFFC000  }
0x274: {  	s30 =	sand.u32 $0x2000, s23;
	s31 =	sand.u32 $0x1C00, s23;
	_ =	swait.ge [sflag:s7], $0x4000  }
0x275: {  	s24 =	sor.u32 s31, s30;
	s23 =	sand.u32 $0x380, s23;
	[sflag:s7] =	ssyncset.done $0x0  }
0x276: {  	s23 =	sor.u32 s23, s24;
	[sflag:s7] =	ssyncadd.s32 $0xFFFFC000  }
0x277: {  	v3 =	vld [tilespmem:s23+$0x10170]  }
0x278: {  	v6 =	vld [tilespmem:s23+$0x10100]  }
0x279: {  	v7 =	vld [tilespmem:s23+$0x10110]  }
0x27a: {  	v8 =	vld [tilespmem:s23+$0x10120]  }
0x27b: {  	v9 =	vld [tilespmem:s23+$0x10130]  }
0x27c: {  	v5 =	vld [tilespmem:s23+$0x10140]  }
0x27d: {  	v4 =	vld [tilespmem:s23+$0x10160]  }
0x27e: {  	[tilespmem:s23+$0x170] =	vst.add.f32.msk $0xffff, v3  }
0x27f: {  	v3 =	vld [tilespmem:s23+$0x10150]  }
0x280: {  	[tilespmem:s23+$0x100] =	vst.add.f32.msk $0xffff, v6  }
0x281: {  	[tilespmem:s23+$0x110] =	vst.add.f32.msk $0xffff, v7  }
0x282: {  	s28 =	simm.s32 $0x400;
	[tilespmem:s23+$0x120] =	vst.add.f32.msk $0xffff, v8  }
0x283: {  	s29 =	simm.s32 $0x80;
	s25 =	simm.s32 $0x10;
	s24 =	simm.s32 $0x0;
	[tilespmem:s23+$0x130] =	vst.add.f32.msk $0xffff, v9  }
.LBB2_18:
0x284: {  	s30 =	sand.u32 $0x2000, s29;
	s31 =	sand.u32 $0x1C00, s28;
	s24 =	sadd.s32 $0x8, s24;
	[tilespmem:s23+$0x140] =	vst.add.f32.msk $0xffff, v5  }
0x285: {  	s30 =	sor.u32 s31, s30;
	s31 =	sand.u32 $0x380, s25;
	p0 =	slt.u32 s24, $0x3F8;
	[tilespmem:s23+$0x150] =	vst.add.f32.msk $0xffff, v3  }
0x286: {  	[tilespmem:s23+$0x160] =	vst.add.f32.msk $0xffff, v4;
	s23 =	sor.u32 s31, s30  }
0x287: {  	v3 =	vld [tilespmem:s23+$0x10170]  }
0x288: {  	v6 =	vld [tilespmem:s23+$0x10100]  }
0x289: {  	v7 =	vld [tilespmem:s23+$0x10110]  }
0x28a: {  	v8 =	vld [tilespmem:s23+$0x10120]  }
0x28b: {  	v9 =	vld [tilespmem:s23+$0x10130]  }
0x28c: {  	[tilespmem:s23+$0x170] =	vst.add.f32.msk $0xffff, v3  }
0x28d: {  	v5 =	vld [tilespmem:s23+$0x10140]  }
0x28e: {  	v3 =	vld [tilespmem:s23+$0x10150]  }
.Ltmp8:
0x28f: {  	v4 =	vld [tilespmem:s23+$0x10160];
	(pc) =	sbr.rel @p0 .LBB2_18-.Ltmp8, $4  }
0x290: {  	[tilespmem:s23+$0x100] =	vst.add.f32.msk $0xffff, v6  }
0x291: {  	[tilespmem:s23+$0x110] =	vst.add.f32.msk $0xffff, v7  }
0x292: {  	[tilespmem:s23+$0x120] =	vst.add.f32.msk $0xffff, v8  }
0x293: {  	s28 =	sadd.s32 $0x400, s28;
	s29 =	sadd.s32 $0x80, s29;
	s25 =	sadd.s32 $0x10, s25;
	[tilespmem:s23+$0x130] =	vst.add.f32.msk $0xffff, v9  }
0x294: {  	[tilespmem:s23+$0x140] =	vst.add.f32.msk $0xffff, v5  }
0x295: {  	[tilespmem:s23+$0x150] =	vst.add.f32.msk $0xffff, v3  }
0x296: {  	[tilespmem:s23+$0x160] =	vst.add.f32.msk $0xffff, v4  }
0x297: {  	_ =	swait.ge [sflag:s21], $0x4000  }
0x298: {  	[sflag:s21] =	ssyncset.done $0x0  }
0x299: {  	[sflag:s21] =	ssyncadd.s32 $0xFFFFC000  }
0x29a: {  	v3 =	vld [tilespmem:$0xE0];
	_ =	sdelay $0x4  }
0x29b: {  	v4 =	vshll.u32 v3, $0x3  }
0x29c: {  	v3 =	vand.u32 $0x7, v3;
	v4 =	vand.u32 $0xFFFFFFC0, v4  }
0x29d: {  	v3 =	vor.u32 v3, v4  }
0x29e: {  	v4 =	vperm.xlane v3, v0;
	_ =	sdelay $0x1  }
0x29f: {  	v4 =	vadd.s32 v1, v4;
	_ =	sdelay $0x3  }
0x2a0: {  	s30 =	simm.s32 $0x0  }
0x2a1: {  	[tilespmem:s11], [sflag:$0x1] =	stream.indirect_vreg.gather [hbm4b:s1+s30], $0x80, v4, vm0, $0xb8;
	[tilespmem:$0x18100] =	vst v63  }
0x2a2: {  	v3 =	vperm.xlane v3, v2  }
0x2a3: {  	[tilespmem:s12], [sflag:$0x1] =	stream.indirect_vreg.gather [hbm4b:s8+s30], $0x80, v4, vm0, $0xb8;
	[tilespmem:$0x18100] =	vst v63  }
0x2a4: {  	v3 =	vadd.s32 v1, v3  }
0x2a5: {  	[tilespmem:s14], [sflag:$0x1] =	stream.indirect_vreg.gather [hbm4b:s9+s30], $0x80, v4, vm0, $0xb8;
	[tilespmem:$0x18100] =	vst v63  }
0x2a6: {  	_ = 	snop  }
0x2a7: {  	[tilespmem:s15], [sflag:$0x1] =	stream.indirect_vreg.gather [hbm4b:s10+s30], $0x80, v4, vm0, $0xb8;
	[tilespmem:$0x18100] =	vst v63  }
0x2a8: {  	_ = 	snop  }
0x2a9: {  	[tilespmem:s16], [sflag:$0x1] =	stream.indirect_vreg.gather [hbm4b:s1+s30], $0x80, v3, vm0, $0xb8;
	[tilespmem:$0x18100] =	vst v63  }
0x2aa: {  	_ = 	snop  }
0x2ab: {  	[tilespmem:s17], [sflag:$0x1] =	stream.indirect_vreg.gather [hbm4b:s8+s30], $0x80, v3, vm0, $0xb8;
	[tilespmem:$0x18100] =	vst v63  }
0x2ac: {  	_ = 	snop  }
0x2ad: {  	[tilespmem:s18], [sflag:$0x1] =	stream.indirect_vreg.gather [hbm4b:s9+s30], $0x80, v3, vm0, $0xb8;
	[tilespmem:$0x18100] =	vst v63  }
0x2ae: {  	_ = 	snop  }
0x2af: {  	[tilespmem:s20], [sflag:$0x1] =	stream.indirect_vreg.gather [hbm4b:s10+s30], $0x80, v3, vm0, $0xb8;
	[tilespmem:$0x18100] =	vst v63  }
0x2b0: {  	s24 =	rddreg [dreg:$0x14]  }
0x2b1: {  	[hbm4b:s24+s30] =	stream.linear.scatter [tilespmem:s6], [sflag:$0x2], $0x4000, $0x38;
	[tilespmem:$0x18100] =	vst v63  }
0x2b2: {  	s31 =	sand.u32 $0x2000, s30;
	s25 =	sand.u32 $0x1C00, s30;
	_ =	swait.ge [sflag:s7], $0x4000  }
0x2b3: {  	s23 =	sand.u32 $0x380, s30;
	s24 =	sor.u32 s25, s31;
	[sflag:s7] =	ssyncset.done $0x0  }
0x2b4: {  	s23 =	sor.u32 s23, s24;
	[sflag:s7] =	ssyncadd.s32 $0xFFFFC000  }
0x2b5: {  	v3 =	vld [tilespmem:s23+$0x10170]  }
0x2b6: {  	v6 =	vld [tilespmem:s23+$0x10100]  }
0x2b7: {  	v7 =	vld [tilespmem:s23+$0x10110]  }
0x2b8: {  	v8 =	vld [tilespmem:s23+$0x10120]  }
0x2b9: {  	v9 =	vld [tilespmem:s23+$0x10130]  }
0x2ba: {  	v5 =	vld [tilespmem:s23+$0x10140]  }
0x2bb: {  	v4 =	vld [tilespmem:s23+$0x10160]  }
0x2bc: {  	[tilespmem:s23+$0x4170] =	vst.add.f32.msk $0xffff, v3  }
0x2bd: {  	v3 =	vld [tilespmem:s23+$0x10150]  }
0x2be: {  	[tilespmem:s23+$0x4100] =	vst.add.f32.msk $0xffff, v6  }
0x2bf: {  	[tilespmem:s23+$0x4110] =	vst.add.f32.msk $0xffff, v7  }
0x2c0: {  	s28 =	simm.s32 $0x400;
	[tilespmem:s23+$0x4120] =	vst.add.f32.msk $0xffff, v8  }
0x2c1: {  	s29 =	simm.s32 $0x80;
	s25 =	simm.s32 $0x10;
	s24 =	simm.s32 $0x0;
	[tilespmem:s23+$0x4130] =	vst.add.f32.msk $0xffff, v9  }
.LBB2_20:
0x2c2: {  	s30 =	sand.u32 $0x2000, s29;
	s31 =	sand.u32 $0x1C00, s28;
	s24 =	sadd.s32 $0x8, s24;
	[tilespmem:s23+$0x4140] =	vst.add.f32.msk $0xffff, v5  }
0x2c3: {  	s30 =	sor.u32 s31, s30;
	s31 =	sand.u32 $0x380, s25;
	p0 =	slt.u32 s24, $0x3F8;
	[tilespmem:s23+$0x4150] =	vst.add.f32.msk $0xffff, v3  }
0x2c4: {  	[tilespmem:s23+$0x4160] =	vst.add.f32.msk $0xffff, v4;
	s23 =	sor.u32 s31, s30  }
0x2c5: {  	v3 =	vld [tilespmem:s23+$0x10170]  }
0x2c6: {  	v6 =	vld [tilespmem:s23+$0x10100]  }
0x2c7: {  	v7 =	vld [tilespmem:s23+$0x10110]  }
0x2c8: {  	v8 =	vld [tilespmem:s23+$0x10120]  }
0x2c9: {  	v9 =	vld [tilespmem:s23+$0x10130]  }
0x2ca: {  	[tilespmem:s23+$0x4170] =	vst.add.f32.msk $0xffff, v3  }
0x2cb: {  	v5 =	vld [tilespmem:s23+$0x10140]  }
0x2cc: {  	v3 =	vld [tilespmem:s23+$0x10150]  }
.Ltmp9:
0x2cd: {  	v4 =	vld [tilespmem:s23+$0x10160];
	(pc) =	sbr.rel @p0 .LBB2_20-.Ltmp9, $4  }
0x2ce: {  	[tilespmem:s23+$0x4100] =	vst.add.f32.msk $0xffff, v6  }
0x2cf: {  	[tilespmem:s23+$0x4110] =	vst.add.f32.msk $0xffff, v7  }
0x2d0: {  	[tilespmem:s23+$0x4120] =	vst.add.f32.msk $0xffff, v8  }
0x2d1: {  	s28 =	sadd.s32 $0x400, s28;
	s29 =	sadd.s32 $0x80, s29;
	s25 =	sadd.s32 $0x10, s25;
	[tilespmem:s23+$0x4130] =	vst.add.f32.msk $0xffff, v9  }
0x2d2: {  	[tilespmem:s23+$0x4140] =	vst.add.f32.msk $0xffff, v5  }
0x2d3: {  	[tilespmem:s23+$0x4150] =	vst.add.f32.msk $0xffff, v3  }
0x2d4: {  	[tilespmem:s23+$0x4160] =	vst.add.f32.msk $0xffff, v4  }
0x2d5: {  	_ =	swait.ge [sflag:s21], $0x4000  }
0x2d6: {  	[sflag:s21] =	ssyncset.done $0x0  }
0x2d7: {  	[sflag:s21] =	ssyncadd.s32 $0xFFFFC000  }
0x2d8: {  	v3 =	vld [tilespmem:$0x30];
	_ =	sdelay $0x4  }
0x2d9: {  	v4 =	vshll.u32 v3, $0x3  }
0x2da: {  	v3 =	vand.u32 $0x7, v3;
	v4 =	vand.u32 $0xFFFFFFC0, v4  }
0x2db: {  	v3 =	vor.u32 v3, v4  }
0x2dc: {  	v4 =	vperm.xlane v3, v0;
	_ =	sdelay $0x1  }
0x2dd: {  	v4 =	vadd.s32 v1, v4;
	_ =	sdelay $0x3  }
0x2de: {  	s23 =	simm.s32 $0x0  }
0x2df: {  	[tilespmem:s6], [sflag:$0x1] =	stream.indirect_vreg.gather [hbm4b:s1+s23], $0x80, v4, vm0, $0xb8;
	[tilespmem:$0x18100] =	vst v63  }
0x2e0: {  	s24 =	simm.s32 $0x900;
	v3 =	vperm.xlane v3, v2  }
0x2e1: {  	[tilespmem:s24], [sflag:$0x1] =	stream.indirect_vreg.gather [hbm4b:s8+s23], $0x80, v4, vm0, $0xb8;
	[tilespmem:$0x18100] =	vst v63  }
0x2e2: {  	s30 =	simm.s32 $0x1100;
	v3 =	vadd.s32 v1, v3  }
0x2e3: {  	[tilespmem:s30], [sflag:$0x1] =	stream.indirect_vreg.gather [hbm4b:s9+s23], $0x80, v4, vm0, $0xb8;
	[tilespmem:$0x18100] =	vst v63  }
0x2e4: {  	s31 =	simm.s32 $0x1900  }
0x2e5: {  	[tilespmem:s31], [sflag:$0x1] =	stream.indirect_vreg.gather [hbm4b:s10+s23], $0x80, v4, vm0, $0xb8;
	[tilespmem:$0x18100] =	vst v63  }
0x2e6: {  	s25 =	simm.s32 $0x2100  }
0x2e7: {  	[tilespmem:s25], [sflag:$0x1] =	stream.indirect_vreg.gather [hbm4b:s1+s23], $0x80, v3, vm0, $0xb8;
	[tilespmem:$0x18100] =	vst v63  }
0x2e8: {  	s30 =	simm.s32 $0x2900  }
0x2e9: {  	[tilespmem:s30], [sflag:$0x1] =	stream.indirect_vreg.gather [hbm4b:s8+s23], $0x80, v3, vm0, $0xb8;
	[tilespmem:$0x18100] =	vst v63  }
0x2ea: {  	s31 =	simm.s32 $0x3100  }
0x2eb: {  	[tilespmem:s31], [sflag:$0x1] =	stream.indirect_vreg.gather [hbm4b:s9+s23], $0x80, v3, vm0, $0xb8;
	[tilespmem:$0x18100] =	vst v63  }
0x2ec: {  	s25 =	simm.s32 $0x3900  }
0x2ed: {  	[tilespmem:s25], [sflag:$0x1] =	stream.indirect_vreg.gather [hbm4b:s10+s23], $0x80, v3, vm0, $0xb8;
	[tilespmem:$0x18100] =	vst v63  }
0x2ee: {  	s30 =	rddreg [dreg:$0x18]  }
0x2ef: {  	[hbm4b:s30+s23] =	stream.linear.scatter [tilespmem:s19], [sflag:$0x2], $0x4000, $0x38;
	[tilespmem:$0x18100] =	vst v63  }
0x2f0: {  	s31 =	sand.u32 $0x2000, s23;
	s25 =	sand.u32 $0x1C00, s23;
	_ =	swait.ge [sflag:s7], $0x4000  }
0x2f1: {  	s24 =	sor.u32 s25, s31;
	s23 =	sand.u32 $0x380, s23;
	[sflag:s7] =	ssyncset.done $0x0  }
0x2f2: {  	s23 =	sor.u32 s23, s24;
	[sflag:s7] =	ssyncadd.s32 $0xFFFFC000  }
0x2f3: {  	v3 =	vld [tilespmem:s23+$0x10170]  }
0x2f4: {  	v6 =	vld [tilespmem:s23+$0x10100]  }
0x2f5: {  	v7 =	vld [tilespmem:s23+$0x10110]  }
0x2f6: {  	v8 =	vld [tilespmem:s23+$0x10120]  }
0x2f7: {  	v9 =	vld [tilespmem:s23+$0x10130]  }
0x2f8: {  	v5 =	vld [tilespmem:s23+$0x10140]  }
0x2f9: {  	v4 =	vld [tilespmem:s23+$0x10160]  }
0x2fa: {  	[tilespmem:s23+$0x8170] =	vst.add.f32.msk $0xffff, v3  }
0x2fb: {  	v3 =	vld [tilespmem:s23+$0x10150]  }
0x2fc: {  	[tilespmem:s23+$0x8100] =	vst.add.f32.msk $0xffff, v6  }
0x2fd: {  	[tilespmem:s23+$0x8110] =	vst.add.f32.msk $0xffff, v7  }
0x2fe: {  	s28 =	simm.s32 $0x400;
	[tilespmem:s23+$0x8120] =	vst.add.f32.msk $0xffff, v8  }
0x2ff: {  	s29 =	simm.s32 $0x80;
	s25 =	simm.s32 $0x10;
	s24 =	simm.s32 $0x0;
	[tilespmem:s23+$0x8130] =	vst.add.f32.msk $0xffff, v9  }
.LBB2_22:
0x300: {  	s30 =	sand.u32 $0x2000, s29;
	s31 =	sand.u32 $0x1C00, s28;
	s24 =	sadd.s32 $0x8, s24;
	[tilespmem:s23+$0x8140] =	vst.add.f32.msk $0xffff, v5  }
0x301: {  	s30 =	sor.u32 s31, s30;
	s31 =	sand.u32 $0x380, s25;
	p0 =	slt.u32 s24, $0x3F8;
	[tilespmem:s23+$0x8150] =	vst.add.f32.msk $0xffff, v3  }
0x302: {  	[tilespmem:s23+$0x8160] =	vst.add.f32.msk $0xffff, v4;
	s23 =	sor.u32 s31, s30  }
0x303: {  	v3 =	vld [tilespmem:s23+$0x10170]  }
0x304: {  	v6 =	vld [tilespmem:s23+$0x10100]  }
0x305: {  	v7 =	vld [tilespmem:s23+$0x10110]  }
0x306: {  	v8 =	vld [tilespmem:s23+$0x10120]  }
0x307: {  	v9 =	vld [tilespmem:s23+$0x10130]  }
0x308: {  	[tilespmem:s23+$0x8170] =	vst.add.f32.msk $0xffff, v3  }
0x309: {  	v5 =	vld [tilespmem:s23+$0x10140]  }
0x30a: {  	v3 =	vld [tilespmem:s23+$0x10150]  }
.Ltmp10:
0x30b: {  	v4 =	vld [tilespmem:s23+$0x10160];
	(pc) =	sbr.rel @p0 .LBB2_22-.Ltmp10, $4  }
0x30c: {  	[tilespmem:s23+$0x8100] =	vst.add.f32.msk $0xffff, v6  }
0x30d: {  	[tilespmem:s23+$0x8110] =	vst.add.f32.msk $0xffff, v7  }
0x30e: {  	[tilespmem:s23+$0x8120] =	vst.add.f32.msk $0xffff, v8  }
0x30f: {  	s28 =	sadd.s32 $0x400, s28;
	s29 =	sadd.s32 $0x80, s29;
	s25 =	sadd.s32 $0x10, s25;
	[tilespmem:s23+$0x8130] =	vst.add.f32.msk $0xffff, v9  }
0x310: {  	[tilespmem:s23+$0x8140] =	vst.add.f32.msk $0xffff, v5  }
0x311: {  	[tilespmem:s23+$0x8150] =	vst.add.f32.msk $0xffff, v3  }
0x312: {  	[tilespmem:s23+$0x8160] =	vst.add.f32.msk $0xffff, v4  }
0x313: {  	_ =	swait.ge [sflag:s21], $0x4000  }
0x314: {  	[sflag:s21] =	ssyncset.done $0x0  }
0x315: {  	[sflag:s21] =	ssyncadd.s32 $0xFFFFC000  }
0x316: {  	v3 =	vld [tilespmem:$0x70];
	_ =	sdelay $0x4  }
0x317: {  	v4 =	vshll.u32 v3, $0x3  }
0x318: {  	v3 =	vand.u32 $0x7, v3;
	v4 =	vand.u32 $0xFFFFFFC0, v4  }
0x319: {  	v3 =	vor.u32 v3, v4  }
0x31a: {  	v4 =	vperm.xlane v3, v0;
	_ =	sdelay $0x1  }
0x31b: {  	v4 =	vadd.s32 v1, v4;
	_ =	sdelay $0x3  }
0x31c: {  	s23 =	simm.s32 $0x0  }
0x31d: {  	[tilespmem:s19], [sflag:$0x1] =	stream.indirect_vreg.gather [hbm4b:s1+s23], $0x80, v4, vm0, $0xb8;
	[tilespmem:$0x18100] =	vst v63  }
0x31e: {  	s24 =	simm.s32 $0x4900;
	v3 =	vperm.xlane v3, v2  }
0x31f: {  	[tilespmem:s24], [sflag:$0x1] =	stream.indirect_vreg.gather [hbm4b:s8+s23], $0x80, v4, vm0, $0xb8;
	[tilespmem:$0x18100] =	vst v63  }
0x320: {  	s30 =	simm.s32 $0x5100;
	v3 =	vadd.s32 v1, v3  }
0x321: {  	[tilespmem:s30], [sflag:$0x1] =	stream.indirect_vreg.gather [hbm4b:s9+s23], $0x80, v4, vm0, $0xb8;
	[tilespmem:$0x18100] =	vst v63  }
0x322: {  	s31 =	simm.s32 $0x5900  }
0x323: {  	[tilespmem:s31], [sflag:$0x1] =	stream.indirect_vreg.gather [hbm4b:s10+s23], $0x80, v4, vm0, $0xb8;
	[tilespmem:$0x18100] =	vst v63  }
0x324: {  	s25 =	simm.s32 $0x6100  }
0x325: {  	[tilespmem:s25], [sflag:$0x1] =	stream.indirect_vreg.gather [hbm4b:s1+s23], $0x80, v3, vm0, $0xb8;
	[tilespmem:$0x18100] =	vst v63  }
0x326: {  	s30 =	simm.s32 $0x6900  }
0x327: {  	[tilespmem:s30], [sflag:$0x1] =	stream.indirect_vreg.gather [hbm4b:s8+s23], $0x80, v3, vm0, $0xb8;
	[tilespmem:$0x18100] =	vst v63  }
0x328: {  	s31 =	simm.s32 $0x7100  }
0x329: {  	[tilespmem:s31], [sflag:$0x1] =	stream.indirect_vreg.gather [hbm4b:s9+s23], $0x80, v3, vm0, $0xb8;
	[tilespmem:$0x18100] =	vst v63  }
0x32a: {  	s25 =	simm.s32 $0x7900  }
0x32b: {  	[tilespmem:s25], [sflag:$0x1] =	stream.indirect_vreg.gather [hbm4b:s10+s23], $0x80, v3, vm0, $0xb8;
	[tilespmem:$0x18100] =	vst v63  }
0x32c: {  	s30 =	rddreg [dreg:$0x19]  }
0x32d: {  	[hbm4b:s30+s23] =	stream.linear.scatter [tilespmem:s26], [sflag:$0x2], $0x4000, $0x38;
	[tilespmem:$0x18100] =	vst v63  }
0x32e: {  	s31 =	sand.u32 $0x2000, s23;
	s25 =	sand.u32 $0x1C00, s23;
	_ =	swait.ge [sflag:s7], $0x4000  }
0x32f: {  	s24 =	sor.u32 s25, s31;
	s23 =	sand.u32 $0x380, s23;
	[sflag:s7] =	ssyncset.done $0x0  }
0x330: {  	s23 =	sor.u32 s23, s24;
	[sflag:s7] =	ssyncadd.s32 $0xFFFFC000  }
0x331: {  	v3 =	vld [tilespmem:s23+$0x10170]  }
0x332: {  	v6 =	vld [tilespmem:s23+$0x10100]  }
0x333: {  	v7 =	vld [tilespmem:s23+$0x10110]  }
0x334: {  	v8 =	vld [tilespmem:s23+$0x10120]  }
0x335: {  	v9 =	vld [tilespmem:s23+$0x10130]  }
0x336: {  	v5 =	vld [tilespmem:s23+$0x10140]  }
0x337: {  	v4 =	vld [tilespmem:s23+$0x10160]  }
0x338: {  	[tilespmem:s23+$0xC170] =	vst.add.f32.msk $0xffff, v3  }
0x339: {  	v3 =	vld [tilespmem:s23+$0x10150]  }
0x33a: {  	[tilespmem:s23+$0xC100] =	vst.add.f32.msk $0xffff, v6  }
0x33b: {  	[tilespmem:s23+$0xC110] =	vst.add.f32.msk $0xffff, v7  }
0x33c: {  	s28 =	simm.s32 $0x400;
	[tilespmem:s23+$0xC120] =	vst.add.f32.msk $0xffff, v8  }
0x33d: {  	s29 =	simm.s32 $0x80;
	s25 =	simm.s32 $0x10;
	s24 =	simm.s32 $0x0;
	[tilespmem:s23+$0xC130] =	vst.add.f32.msk $0xffff, v9  }
.LBB2_24:
0x33e: {  	s30 =	sand.u32 $0x2000, s29;
	s31 =	sand.u32 $0x1C00, s28;
	s24 =	sadd.s32 $0x8, s24;
	[tilespmem:s23+$0xC140] =	vst.add.f32.msk $0xffff, v5  }
0x33f: {  	s30 =	sor.u32 s31, s30;
	s31 =	sand.u32 $0x380, s25;
	p0 =	slt.u32 s24, $0x3F8;
	[tilespmem:s23+$0xC150] =	vst.add.f32.msk $0xffff, v3  }
0x340: {  	[tilespmem:s23+$0xC160] =	vst.add.f32.msk $0xffff, v4;
	s23 =	sor.u32 s31, s30  }
0x341: {  	v3 =	vld [tilespmem:s23+$0x10170]  }
0x342: {  	v6 =	vld [tilespmem:s23+$0x10100]  }
0x343: {  	v7 =	vld [tilespmem:s23+$0x10110]  }
0x344: {  	v8 =	vld [tilespmem:s23+$0x10120]  }
0x345: {  	v9 =	vld [tilespmem:s23+$0x10130]  }
0x346: {  	[tilespmem:s23+$0xC170] =	vst.add.f32.msk $0xffff, v3  }
0x347: {  	v5 =	vld [tilespmem:s23+$0x10140]  }
0x348: {  	v3 =	vld [tilespmem:s23+$0x10150]  }
.Ltmp11:
0x349: {  	v4 =	vld [tilespmem:s23+$0x10160];
	(pc) =	sbr.rel @p0 .LBB2_24-.Ltmp11, $4  }
0x34a: {  	[tilespmem:s23+$0xC100] =	vst.add.f32.msk $0xffff, v6  }
0x34b: {  	[tilespmem:s23+$0xC110] =	vst.add.f32.msk $0xffff, v7  }
0x34c: {  	[tilespmem:s23+$0xC120] =	vst.add.f32.msk $0xffff, v8  }
0x34d: {  	s28 =	sadd.s32 $0x400, s28;
	s29 =	sadd.s32 $0x80, s29;
	s25 =	sadd.s32 $0x10, s25;
	[tilespmem:s23+$0xC130] =	vst.add.f32.msk $0xffff, v9  }
0x34e: {  	[tilespmem:s23+$0xC140] =	vst.add.f32.msk $0xffff, v5  }
0x34f: {  	[tilespmem:s23+$0xC150] =	vst.add.f32.msk $0xffff, v3  }
0x350: {  	[tilespmem:s23+$0xC160] =	vst.add.f32.msk $0xffff, v4  }
0x351: {  	_ =	swait.ge [sflag:s21], $0x4000  }
0x352: {  	[sflag:s21] =	ssyncset.done $0x0  }
0x353: {  	[sflag:s21] =	ssyncadd.s32 $0xFFFFC000  }
0x354: {  	v3 =	vld [tilespmem:$0xB0];
	_ =	sdelay $0x4  }
0x355: {  	v4 =	vshll.u32 v3, $0x3  }
0x356: {  	v3 =	vand.u32 $0x7, v3;
	v4 =	vand.u32 $0xFFFFFFC0, v4  }
0x357: {  	v3 =	vor.u32 v3, v4  }
0x358: {  	v4 =	vperm.xlane v3, v0;
	_ =	sdelay $0x1  }
0x359: {  	v4 =	vadd.s32 v1, v4;
	_ =	sdelay $0x3  }
0x35a: {  	s23 =	simm.s32 $0x0  }
0x35b: {  	[tilespmem:s26], [sflag:$0x1] =	stream.indirect_vreg.gather [hbm4b:s1+s23], $0x80, v4, vm0, $0xb8;
	[tilespmem:$0x18100] =	vst v63  }
0x35c: {  	s24 =	simm.s32 $0x8900;
	v3 =	vperm.xlane v3, v2  }
0x35d: {  	[tilespmem:s24], [sflag:$0x1] =	stream.indirect_vreg.gather [hbm4b:s8+s23], $0x80, v4, vm0, $0xb8;
	[tilespmem:$0x18100] =	vst v63  }
0x35e: {  	s30 =	simm.s32 $0x9100;
	v3 =	vadd.s32 v1, v3  }
0x35f: {  	[tilespmem:s30], [sflag:$0x1] =	stream.indirect_vreg.gather [hbm4b:s9+s23], $0x80, v4, vm0, $0xb8;
	[tilespmem:$0x18100] =	vst v63  }
0x360: {  	s31 =	simm.s32 $0x9900  }
0x361: {  	[tilespmem:s31], [sflag:$0x1] =	stream.indirect_vreg.gather [hbm4b:s10+s23], $0x80, v4, vm0, $0xb8;
	[tilespmem:$0x18100] =	vst v63  }
0x362: {  	s25 =	simm.s32 $0xA100  }
0x363: {  	[tilespmem:s25], [sflag:$0x1] =	stream.indirect_vreg.gather [hbm4b:s1+s23], $0x80, v3, vm0, $0xb8;
	[tilespmem:$0x18100] =	vst v63  }
0x364: {  	_ = 	snop  }
0x365: {  	[tilespmem:s2], [sflag:$0x1] =	stream.indirect_vreg.gather [hbm4b:s8+s23], $0x80, v3, vm0, $0xb8;
	[tilespmem:$0x18100] =	vst v63  }
0x366: {  	_ = 	snop  }
0x367: {  	[tilespmem:s0], [sflag:$0x1] =	stream.indirect_vreg.gather [hbm4b:s9+s23], $0x80, v3, vm0, $0xb8;
	[tilespmem:$0x18100] =	vst v63  }
0x368: {  	_ = 	snop  }
0x369: {  	[tilespmem:s4], [sflag:$0x1] =	stream.indirect_vreg.gather [hbm4b:s10+s23], $0x80, v3, vm0, $0xb8;
	[tilespmem:$0x18100] =	vst v63  }
0x36a: {  	s30 =	rddreg [dreg:$0x1a]  }
0x36b: {  	[hbm4b:s30+s23] =	stream.linear.scatter [tilespmem:s11], [sflag:$0x2], $0x4000, $0x38;
	[tilespmem:$0x18100] =	vst v63  }
0x36c: {  	_ =	swait.ge [sflag:s13], $0x4000  }
0x36d: {  	[sflag:s13] =	ssyncset.done $0x0  }
0x36e: {  	[sflag:s13] =	ssyncadd.s32 $0xFFFFC000  }
0x36f: {  	s31 =	sand.u32 $0x2000, s23;
	s25 =	sand.u32 $0x1C00, s23;
	_ =	swait.ge [sflag:s7], $0x4000  }
0x370: {  	s24 =	sor.u32 s25, s31;
	s23 =	sand.u32 $0x380, s23;
	[sflag:s7] =	ssyncset.done $0x0  }
0x371: {  	s23 =	sor.u32 s23, s24;
	[sflag:s7] =	ssyncadd.s32 $0xFFFFC000  }
0x372: {  	v3 =	vld [tilespmem:s23+$0x14170]  }
0x373: {  	v6 =	vld [tilespmem:s23+$0x14100]  }
0x374: {  	v7 =	vld [tilespmem:s23+$0x14110]  }
0x375: {  	v8 =	vld [tilespmem:s23+$0x14120]  }
0x376: {  	v9 =	vld [tilespmem:s23+$0x14130]  }
0x377: {  	v5 =	vld [tilespmem:s23+$0x14140]  }
0x378: {  	v4 =	vld [tilespmem:s23+$0x14160]  }
0x379: {  	[tilespmem:s23+$0x170] =	vst.add.f32.msk $0xffff, v3  }
0x37a: {  	v3 =	vld [tilespmem:s23+$0x14150]  }
0x37b: {  	[tilespmem:s23+$0x100] =	vst.add.f32.msk $0xffff, v6  }
0x37c: {  	[tilespmem:s23+$0x110] =	vst.add.f32.msk $0xffff, v7  }
0x37d: {  	s28 =	simm.s32 $0x400;
	[tilespmem:s23+$0x120] =	vst.add.f32.msk $0xffff, v8  }
0x37e: {  	s29 =	simm.s32 $0x80;
	s25 =	simm.s32 $0x10;
	s24 =	simm.s32 $0x0;
	[tilespmem:s23+$0x130] =	vst.add.f32.msk $0xffff, v9  }
.LBB2_26:
0x37f: {  	s30 =	sand.u32 $0x2000, s29;
	s31 =	sand.u32 $0x1C00, s28;
	s24 =	sadd.s32 $0x8, s24;
	[tilespmem:s23+$0x140] =	vst.add.f32.msk $0xffff, v5  }
0x380: {  	s30 =	sor.u32 s31, s30;
	s31 =	sand.u32 $0x380, s25;
	p0 =	slt.u32 s24, $0x3F8;
	[tilespmem:s23+$0x150] =	vst.add.f32.msk $0xffff, v3  }
0x381: {  	[tilespmem:s23+$0x160] =	vst.add.f32.msk $0xffff, v4;
	s23 =	sor.u32 s31, s30  }
0x382: {  	v3 =	vld [tilespmem:s23+$0x14170]  }
0x383: {  	v6 =	vld [tilespmem:s23+$0x14100]  }
0x384: {  	v7 =	vld [tilespmem:s23+$0x14110]  }
0x385: {  	v8 =	vld [tilespmem:s23+$0x14120]  }
0x386: {  	v9 =	vld [tilespmem:s23+$0x14130]  }
0x387: {  	[tilespmem:s23+$0x170] =	vst.add.f32.msk $0xffff, v3  }
0x388: {  	v5 =	vld [tilespmem:s23+$0x14140]  }
0x389: {  	v3 =	vld [tilespmem:s23+$0x14150]  }
.Ltmp12:
0x38a: {  	v4 =	vld [tilespmem:s23+$0x14160];
	(pc) =	sbr.rel @p0 .LBB2_26-.Ltmp12, $4  }
0x38b: {  	[tilespmem:s23+$0x100] =	vst.add.f32.msk $0xffff, v6  }
0x38c: {  	[tilespmem:s23+$0x110] =	vst.add.f32.msk $0xffff, v7  }
0x38d: {  	[tilespmem:s23+$0x120] =	vst.add.f32.msk $0xffff, v8  }
0x38e: {  	s28 =	sadd.s32 $0x400, s28;
	s29 =	sadd.s32 $0x80, s29;
	s25 =	sadd.s32 $0x10, s25;
	[tilespmem:s23+$0x130] =	vst.add.f32.msk $0xffff, v9  }
0x38f: {  	[tilespmem:s23+$0x140] =	vst.add.f32.msk $0xffff, v5  }
0x390: {  	[tilespmem:s23+$0x150] =	vst.add.f32.msk $0xffff, v3  }
0x391: {  	[tilespmem:s23+$0x160] =	vst.add.f32.msk $0xffff, v4  }
0x392: {  	_ =	swait.ge [sflag:s21], $0x4000  }
0x393: {  	[sflag:s21] =	ssyncset.done $0x0  }
0x394: {  	[sflag:s21] =	ssyncadd.s32 $0xFFFFC000  }
0x395: {  	v3 =	vld [tilespmem:$0xF0];
	_ =	sdelay $0x4  }
0x396: {  	v4 =	vshll.u32 v3, $0x3  }
0x397: {  	v3 =	vand.u32 $0x7, v3;
	v4 =	vand.u32 $0xFFFFFFC0, v4  }
0x398: {  	v3 =	vor.u32 v3, v4  }
0x399: {  	v4 =	vperm.xlane v3, v0;
	_ =	sdelay $0x1  }
0x39a: {  	v4 =	vadd.s32 v1, v4;
	_ =	sdelay $0x3  }
0x39b: {  	s30 =	simm.s32 $0x0  }
0x39c: {  	[tilespmem:s11], [sflag:$0x1] =	stream.indirect_vreg.gather [hbm4b:s1+s30], $0x80, v4, vm0, $0xb8;
	[tilespmem:$0x18100] =	vst v63  }
0x39d: {  	v3 =	vperm.xlane v3, v2  }
0x39e: {  	[tilespmem:s12], [sflag:$0x1] =	stream.indirect_vreg.gather [hbm4b:s8+s30], $0x80, v4, vm0, $0xb8;
	[tilespmem:$0x18100] =	vst v63  }
0x39f: {  	v3 =	vadd.s32 v1, v3  }
0x3a0: {  	[tilespmem:s14], [sflag:$0x1] =	stream.indirect_vreg.gather [hbm4b:s9+s30], $0x80, v4, vm0, $0xb8;
	[tilespmem:$0x18100] =	vst v63  }
0x3a1: {  	_ = 	snop  }
0x3a2: {  	[tilespmem:s15], [sflag:$0x1] =	stream.indirect_vreg.gather [hbm4b:s10+s30], $0x80, v4, vm0, $0xb8;
	[tilespmem:$0x18100] =	vst v63  }
0x3a3: {  	_ = 	snop  }
0x3a4: {  	[tilespmem:s16], [sflag:$0x1] =	stream.indirect_vreg.gather [hbm4b:s1+s30], $0x80, v3, vm0, $0xb8;
	[tilespmem:$0x18100] =	vst v63  }
0x3a5: {  	_ = 	snop  }
0x3a6: {  	[tilespmem:s17], [sflag:$0x1] =	stream.indirect_vreg.gather [hbm4b:s8+s30], $0x80, v3, vm0, $0xb8;
	[tilespmem:$0x18100] =	vst v63  }
0x3a7: {  	_ = 	snop  }
0x3a8: {  	[tilespmem:s18], [sflag:$0x1] =	stream.indirect_vreg.gather [hbm4b:s9+s30], $0x80, v3, vm0, $0xb8;
	[tilespmem:$0x18100] =	vst v63  }
0x3a9: {  	_ = 	snop  }
0x3aa: {  	[tilespmem:s20], [sflag:$0x1] =	stream.indirect_vreg.gather [hbm4b:s10+s30], $0x80, v3, vm0, $0xb8;
	[tilespmem:$0x18100] =	vst v63  }
0x3ab: {  	s24 =	rddreg [dreg:$0x15]  }
0x3ac: {  	[hbm4b:s24+s30] =	stream.linear.scatter [tilespmem:s6], [sflag:$0x2], $0x4000, $0x38;
	[tilespmem:$0x18100] =	vst v63  }
0x3ad: {  	s31 =	sand.u32 $0x2000, s30;
	s25 =	sand.u32 $0x1C00, s30;
	_ =	swait.ge [sflag:s7], $0x4000  }
0x3ae: {  	s23 =	sand.u32 $0x380, s30;
	s24 =	sor.u32 s25, s31;
	[sflag:s7] =	ssyncset.done $0x0  }
0x3af: {  	s23 =	sor.u32 s23, s24;
	[sflag:s7] =	ssyncadd.s32 $0xFFFFC000  }
0x3b0: {  	v3 =	vld [tilespmem:s23+$0x14170]  }
0x3b1: {  	v6 =	vld [tilespmem:s23+$0x14100]  }
0x3b2: {  	v7 =	vld [tilespmem:s23+$0x14110]  }
0x3b3: {  	v8 =	vld [tilespmem:s23+$0x14120]  }
0x3b4: {  	v9 =	vld [tilespmem:s23+$0x14130]  }
0x3b5: {  	v5 =	vld [tilespmem:s23+$0x14140]  }
0x3b6: {  	v4 =	vld [tilespmem:s23+$0x14160]  }
0x3b7: {  	[tilespmem:s23+$0x4170] =	vst.add.f32.msk $0xffff, v3  }
0x3b8: {  	v3 =	vld [tilespmem:s23+$0x14150]  }
0x3b9: {  	[tilespmem:s23+$0x4100] =	vst.add.f32.msk $0xffff, v6  }
0x3ba: {  	[tilespmem:s23+$0x4110] =	vst.add.f32.msk $0xffff, v7  }
0x3bb: {  	s28 =	simm.s32 $0x400;
	[tilespmem:s23+$0x4120] =	vst.add.f32.msk $0xffff, v8  }
0x3bc: {  	s29 =	simm.s32 $0x80;
	s25 =	simm.s32 $0x10;
	s24 =	simm.s32 $0x0;
	[tilespmem:s23+$0x4130] =	vst.add.f32.msk $0xffff, v9  }
.LBB2_28:
0x3bd: {  	s30 =	sand.u32 $0x2000, s29;
	s31 =	sand.u32 $0x1C00, s28;
	s24 =	sadd.s32 $0x8, s24;
	[tilespmem:s23+$0x4140] =	vst.add.f32.msk $0xffff, v5  }
0x3be: {  	s30 =	sor.u32 s31, s30;
	s31 =	sand.u32 $0x380, s25;
	p0 =	slt.u32 s24, $0x3F8;
	[tilespmem:s23+$0x4150] =	vst.add.f32.msk $0xffff, v3  }
0x3bf: {  	[tilespmem:s23+$0x4160] =	vst.add.f32.msk $0xffff, v4;
	s23 =	sor.u32 s31, s30  }
0x3c0: {  	v3 =	vld [tilespmem:s23+$0x14170]  }
0x3c1: {  	v6 =	vld [tilespmem:s23+$0x14100]  }
0x3c2: {  	v7 =	vld [tilespmem:s23+$0x14110]  }
0x3c3: {  	v8 =	vld [tilespmem:s23+$0x14120]  }
0x3c4: {  	v9 =	vld [tilespmem:s23+$0x14130]  }
0x3c5: {  	[tilespmem:s23+$0x4170] =	vst.add.f32.msk $0xffff, v3  }
0x3c6: {  	v5 =	vld [tilespmem:s23+$0x14140]  }
0x3c7: {  	v3 =	vld [tilespmem:s23+$0x14150]  }
.Ltmp13:
0x3c8: {  	v4 =	vld [tilespmem:s23+$0x14160];
	(pc) =	sbr.rel @p0 .LBB2_28-.Ltmp13, $4  }
0x3c9: {  	[tilespmem:s23+$0x4100] =	vst.add.f32.msk $0xffff, v6  }
0x3ca: {  	[tilespmem:s23+$0x4110] =	vst.add.f32.msk $0xffff, v7  }
0x3cb: {  	[tilespmem:s23+$0x4120] =	vst.add.f32.msk $0xffff, v8  }
0x3cc: {  	s28 =	sadd.s32 $0x400, s28;
	s29 =	sadd.s32 $0x80, s29;
	s25 =	sadd.s32 $0x10, s25;
	[tilespmem:s23+$0x4130] =	vst.add.f32.msk $0xffff, v9  }
0x3cd: {  	[tilespmem:s23+$0x4140] =	vst.add.f32.msk $0xffff, v5  }
0x3ce: {  	[tilespmem:s23+$0x4150] =	vst.add.f32.msk $0xffff, v3  }
0x3cf: {  	[tilespmem:s23+$0x4160] =	vst.add.f32.msk $0xffff, v4  }
0x3d0: {  	_ =	swait.ge [sflag:s21], $0x4000  }
0x3d1: {  	[sflag:s21] =	ssyncset.done $0x0  }
0x3d2: {  	s30 =	simm.s32 $0x0;
	s24 =	rddreg [dreg:$0x1b];
	[sflag:s21] =	ssyncadd.s32 $0xFFFFC000  }
0x3d3: {  	[hbm4b:s24+s30] =	stream.linear.scatter [tilespmem:s19], [sflag:$0x2], $0x4000, $0x38;
	[tilespmem:$0x18100] =	vst v63  }
0x3d4: {  	s31 =	sand.u32 $0x2000, s30;
	s25 =	sand.u32 $0x1C00, s30;
	_ =	swait.ge [sflag:s7], $0x4000  }
0x3d5: {  	s23 =	sand.u32 $0x380, s30;
	s24 =	sor.u32 s25, s31;
	[sflag:s7] =	ssyncset.done $0x0  }
0x3d6: {  	s23 =	sor.u32 s23, s24;
	[sflag:s7] =	ssyncadd.s32 $0xFFFFC000  }
0x3d7: {  	v3 =	vld [tilespmem:s23+$0x14170]  }
0x3d8: {  	v6 =	vld [tilespmem:s23+$0x14100]  }
0x3d9: {  	v7 =	vld [tilespmem:s23+$0x14110]  }
0x3da: {  	v8 =	vld [tilespmem:s23+$0x14120]  }
0x3db: {  	v9 =	vld [tilespmem:s23+$0x14130]  }
0x3dc: {  	v5 =	vld [tilespmem:s23+$0x14140]  }
0x3dd: {  	v4 =	vld [tilespmem:s23+$0x14160]  }
0x3de: {  	[tilespmem:s23+$0x8170] =	vst.add.f32.msk $0xffff, v3  }
0x3df: {  	v3 =	vld [tilespmem:s23+$0x14150]  }
0x3e0: {  	[tilespmem:s23+$0x8100] =	vst.add.f32.msk $0xffff, v6  }
0x3e1: {  	[tilespmem:s23+$0x8110] =	vst.add.f32.msk $0xffff, v7  }
0x3e2: {  	s28 =	simm.s32 $0x400;
	[tilespmem:s23+$0x8120] =	vst.add.f32.msk $0xffff, v8  }
0x3e3: {  	s29 =	simm.s32 $0x80;
	s25 =	simm.s32 $0x10;
	s24 =	simm.s32 $0x0;
	[tilespmem:s23+$0x8130] =	vst.add.f32.msk $0xffff, v9  }
.LBB2_30:
0x3e4: {  	s30 =	sand.u32 $0x2000, s29;
	s31 =	sand.u32 $0x1C00, s28;
	s24 =	sadd.s32 $0x8, s24;
	[tilespmem:s23+$0x8140] =	vst.add.f32.msk $0xffff, v5  }
0x3e5: {  	s30 =	sor.u32 s31, s30;
	s31 =	sand.u32 $0x380, s25;
	p0 =	slt.u32 s24, $0x3F8;
	[tilespmem:s23+$0x8150] =	vst.add.f32.msk $0xffff, v3  }
0x3e6: {  	[tilespmem:s23+$0x8160] =	vst.add.f32.msk $0xffff, v4;
	s23 =	sor.u32 s31, s30  }
0x3e7: {  	v3 =	vld [tilespmem:s23+$0x14170]  }
0x3e8: {  	v6 =	vld [tilespmem:s23+$0x14100]  }
0x3e9: {  	v7 =	vld [tilespmem:s23+$0x14110]  }
0x3ea: {  	v8 =	vld [tilespmem:s23+$0x14120]  }
0x3eb: {  	v9 =	vld [tilespmem:s23+$0x14130]  }
0x3ec: {  	[tilespmem:s23+$0x8170] =	vst.add.f32.msk $0xffff, v3  }
0x3ed: {  	v5 =	vld [tilespmem:s23+$0x14140]  }
0x3ee: {  	v3 =	vld [tilespmem:s23+$0x14150]  }
.Ltmp14:
0x3ef: {  	v4 =	vld [tilespmem:s23+$0x14160];
	(pc) =	sbr.rel @p0 .LBB2_30-.Ltmp14, $4  }
0x3f0: {  	[tilespmem:s23+$0x8100] =	vst.add.f32.msk $0xffff, v6  }
0x3f1: {  	[tilespmem:s23+$0x8110] =	vst.add.f32.msk $0xffff, v7  }
0x3f2: {  	[tilespmem:s23+$0x8120] =	vst.add.f32.msk $0xffff, v8  }
0x3f3: {  	s28 =	sadd.s32 $0x400, s28;
	s29 =	sadd.s32 $0x80, s29;
	s25 =	sadd.s32 $0x10, s25;
	[tilespmem:s23+$0x8130] =	vst.add.f32.msk $0xffff, v9  }
0x3f4: {  	[tilespmem:s23+$0x8140] =	vst.add.f32.msk $0xffff, v5  }
0x3f5: {  	[tilespmem:s23+$0x8150] =	vst.add.f32.msk $0xffff, v3  }
0x3f6: {  	[tilespmem:s23+$0x8160] =	vst.add.f32.msk $0xffff, v4  }
0x3f7: {  	_ =	swait.ge [sflag:s21], $0x4000  }
0x3f8: {  	[sflag:s21] =	ssyncset.done $0x0  }
0x3f9: {  	s23 =	simm.s32 $0x0;
	s24 =	rddreg [dreg:$0x1c];
	[sflag:s21] =	ssyncadd.s32 $0xFFFFC000  }
0x3fa: {  	[hbm4b:s24+s23] =	stream.linear.scatter [tilespmem:s26], [sflag:$0x2], $0x4000, $0x38;
	[tilespmem:$0x18100] =	vst v63  }
0x3fb: {  	s31 =	sand.u32 $0x1C00, s23;
	_ =	swait.ge [sflag:s7], $0x4000  }
0x3fc: {  	s25 =	sor.u32 s31, s23;
	[sflag:s7] =	ssyncset.done $0x0  }
0x3fd: {  	s28 =	sand.u32 $0x380, s23;
	s25 =	sor.u32 $0x70, s25;
	[sflag:s7] =	ssyncadd.s32 $0xFFFFC000  }
0x3fe: {  	s24 =	sor.u32 s28, s31;
	v3 =	vld [tilespmem:s25+$0x14100]  }
0x3ff: {  	v6 =	vld [tilespmem:s24+$0x14100]  }
0x400: {  	v7 =	vld [tilespmem:s24+$0x14110]  }
0x401: {  	v8 =	vld [tilespmem:s24+$0x14120]  }
0x402: {  	v9 =	vld [tilespmem:s24+$0x14130]  }
0x403: {  	v5 =	vld [tilespmem:s24+$0x14140]  }
0x404: {  	v4 =	vld [tilespmem:s24+$0x14150]  }
0x405: {  	[tilespmem:s25+$0xC100] =	vst.add.f32.msk $0xffff, v3  }
0x406: {  	v3 =	vld [tilespmem:s24+$0x14160]  }
0x407: {  	[tilespmem:s24+$0xC100] =	vst.add.f32.msk $0xffff, v6  }
0x408: {  	[tilespmem:s24+$0xC110] =	vst.add.f32.msk $0xffff, v7  }
0x409: {  	[tilespmem:s24+$0xC120] =	vst.add.f32.msk $0xffff, v8  }
0x40a: {  	s28 =	simm.s32 $0x400;
	s25 =	simm.s32 $0x0;
	[tilespmem:s24+$0xC130] =	vst.add.f32.msk $0xffff, v9  }
.LBB2_32:
0x40b: {  	s29 =	sand.u32 $0x1C00, s28;
	s25 =	sadd.s32 $0x8, s25;
	[tilespmem:s24+$0xC140] =	vst.add.f32.msk $0xffff, v5;
	s23 =	sadd.s32 $0x10, s23  }
0x40c: {  	s30 =	sand.u32 $0x380, s23;
	s31 =	sor.u32 s29, s23;
	p0 =	slt.u32 s25, $0x1F8;
	[tilespmem:s24+$0xC150] =	vst.add.f32.msk $0xffff, v4  }
0x40d: {  	s31 =	sor.u32 $0x70, s31;
	[tilespmem:s24+$0xC160] =	vst.add.f32.msk $0xffff, v3;
	s24 =	sor.u32 s30, s29  }
0x40e: {  	v3 =	vld [tilespmem:s31+$0x14100]  }
0x40f: {  	v6 =	vld [tilespmem:s24+$0x14100]  }
0x410: {  	v7 =	vld [tilespmem:s24+$0x14110]  }
0x411: {  	v8 =	vld [tilespmem:s24+$0x14120]  }
0x412: {  	v9 =	vld [tilespmem:s24+$0x14130]  }
0x413: {  	[tilespmem:s31+$0xC100] =	vst.add.f32.msk $0xffff, v3  }
0x414: {  	v5 =	vld [tilespmem:s24+$0x14140]  }
0x415: {  	v4 =	vld [tilespmem:s24+$0x14150]  }
.Ltmp15:
0x416: {  	v3 =	vld [tilespmem:s24+$0x14160];
	(pc) =	sbr.rel @p0 .LBB2_32-.Ltmp15, $4  }
0x417: {  	[tilespmem:s24+$0xC100] =	vst.add.f32.msk $0xffff, v6  }
0x418: {  	[tilespmem:s24+$0xC110] =	vst.add.f32.msk $0xffff, v7  }
0x419: {  	[tilespmem:s24+$0xC120] =	vst.add.f32.msk $0xffff, v8  }
0x41a: {  	s28 =	sadd.s32 $0x400, s28;
	[tilespmem:s24+$0xC130] =	vst.add.f32.msk $0xffff, v9  }
0x41b: {  	[tilespmem:s24+$0xC140] =	vst.add.f32.msk $0xffff, v5  }
0x41c: {  	[tilespmem:s24+$0xC150] =	vst.add.f32.msk $0xffff, v4  }
0x41d: {  	[tilespmem:s24+$0xC160] =	vst.add.f32.msk $0xffff, v3;
	s23 =	simm.s32 $0x0  }
0x41e: {  	s24 =	rddreg [dreg:$0x1d];
	s31 =	sand.u32 $0x1C00, s23;
	s28 =	sand.u32 $0x380, s23  }
0x41f: {  	[hbm4b:s24+s23] =	stream.linear.scatter [tilespmem:s11], [sflag:$0x2], $0x2000, $0x38;
	[tilespmem:$0x18100] =	vst v63  }
0x420: {  	s24 =	sor.u32 s28, s31  }
0x421: {  	v6 =	vld [tilespmem:s24+$0x16100]  }
0x422: {  	v7 =	vld [tilespmem:s24+$0x16110]  }
0x423: {  	s25 =	sor.u32 s31, s23;
	v8 =	vld [tilespmem:s24+$0x16120]  }
0x424: {  	s25 =	sor.u32 $0x2070, s25;
	v9 =	vld [tilespmem:s24+$0x16130]  }
0x425: {  	v3 =	vld [tilespmem:s25+$0x14100]  }
0x426: {  	v5 =	vld [tilespmem:s24+$0x16140]  }
0x427: {  	v4 =	vld [tilespmem:s24+$0x16150]  }
0x428: {  	[tilespmem:s24+$0xE100] =	vst.add.f32.msk $0xffff, v6  }
0x429: {  	[tilespmem:s24+$0xE110] =	vst.add.f32.msk $0xffff, v7  }
0x42a: {  	[tilespmem:s25+$0xC100] =	vst.add.f32.msk $0xffff, v3  }
0x42b: {  	v3 =	vld [tilespmem:s24+$0x16160]  }
0x42c: {  	[tilespmem:s24+$0xE120] =	vst.add.f32.msk $0xffff, v8  }
0x42d: {  	s28 =	simm.s32 $0x400;
	[tilespmem:s24+$0xE130] =	vst.add.f32.msk $0xffff, v9;
	s25 =	simm.s32 $0x0  }
.LBB2_34:
0x42e: {  	s29 =	sand.u32 $0x1C00, s28;
	s25 =	sadd.s32 $0x8, s25;
	[tilespmem:s24+$0xE140] =	vst.add.f32.msk $0xffff, v5;
	s23 =	sadd.s32 $0x10, s23  }
0x42f: {  	s30 =	sand.u32 $0x380, s23;
	s31 =	sor.u32 s29, s23;
	p0 =	slt.u32 s25, $0x1F8;
	[tilespmem:s24+$0xE150] =	vst.add.f32.msk $0xffff, v4  }
0x430: {  	s31 =	sor.u32 $0x2070, s31;
	[tilespmem:s24+$0xE160] =	vst.add.f32.msk $0xffff, v3;
	s24 =	sor.u32 s30, s29  }
0x431: {  	v3 =	vld [tilespmem:s31+$0x14100]  }
0x432: {  	v6 =	vld [tilespmem:s24+$0x16100]  }
0x433: {  	v7 =	vld [tilespmem:s24+$0x16110]  }
0x434: {  	v8 =	vld [tilespmem:s24+$0x16120]  }
0x435: {  	v9 =	vld [tilespmem:s24+$0x16130]  }
0x436: {  	[tilespmem:s31+$0xC100] =	vst.add.f32.msk $0xffff, v3  }
0x437: {  	v5 =	vld [tilespmem:s24+$0x16140]  }
0x438: {  	v4 =	vld [tilespmem:s24+$0x16150]  }
.Ltmp16:
0x439: {  	v3 =	vld [tilespmem:s24+$0x16160];
	(pc) =	sbr.rel @p0 .LBB2_34-.Ltmp16, $4  }
0x43a: {  	[tilespmem:s24+$0xE100] =	vst.add.f32.msk $0xffff, v6  }
0x43b: {  	[tilespmem:s24+$0xE110] =	vst.add.f32.msk $0xffff, v7  }
0x43c: {  	[tilespmem:s24+$0xE120] =	vst.add.f32.msk $0xffff, v8  }
0x43d: {  	s28 =	sadd.s32 $0x400, s28;
	[tilespmem:s24+$0xE130] =	vst.add.f32.msk $0xffff, v9  }
0x43e: {  	[tilespmem:s24+$0xE140] =	vst.add.f32.msk $0xffff, v5  }
0x43f: {  	[tilespmem:s24+$0xE150] =	vst.add.f32.msk $0xffff, v4  }
0x440: {  	[tilespmem:s24+$0xE160] =	vst.add.f32.msk $0xffff, v3  }
0x441: {  	s23 =	rddreg [dreg:$0x1e]  }
0x442: {  	[hbm4b:s23+s3] =	stream.linear.scatter [tilespmem:s16], [sflag:$0x2], $0x2000, $0x38;
	[tilespmem:$0x18100] =	vst v63  }
0x443: {  	_ =	swait.ge [sflag:s21], $0x4000  }
0x444: {  	[sflag:s21] =	ssyncset.done $0x0  }
0x445: {  	[sflag:s21] =	ssyncadd.s32 $0xFFFFC000  }
0x446: {  	_ =	swait.ge [sflag:s21], $0x2000  }
0x447: {  	[sflag:s21] =	ssyncset.done $0x0  }
0x448: {  	[sflag:s21] =	ssyncadd.s32 $0xFFFFE000  }
0x449: {  	_ =	swait.ge [sflag:s21], $0x2000  }
0x44a: {  	s22 =	sadd.s32 $0x1, s22;
	s31 =	rddreg [dreg:$0x17]  }
0x44b: {  	p0 =	sne.s32 s22, s31  }
.Ltmp17:
0x44c: {  	_ = 	snop;
	(pc) =	sbr.rel @p0 .LBB2_1-.Ltmp17, $3  }
0x44d: {  	_ =	sdelay $0x1  }
0x44e: {  	[sflag:s21] =	ssyncset.done $0x0  }
0x44f: {  	[sflag:s21] =	ssyncadd.s32 $0xFFFFE000  }
0x450: {  	_ =	sfence.sel $0x180000  }
0x451: {  	[bflag:$0x0] =	sbarrier.arrive $0xFFFF  }
0x452: {  	_ =	strace $0x90000047  }
0x453: {  	s0 =	stileid.u32;
	[bflag:$0x2] =	sbarrier.arrive $0xFFFF  }
0x454: {  	p0 =	sne.s32 s0, $0x0;
	s0 =	rddreg [dreg:$0x4]  }
0x455: {  	s0 =	sadd.s32 @!p0 $0x100000, s0  }
0x456: {  	[sflag:s0] =	ssyncadd.tile.s32 @!p0 $0x1;
	_ =	shalt  }
.Lfunc_end2:
_tile_overlayer_lowered:
.L_overlay_start_2:
0x457: {  	(tag) =	ssettag $0x2  }
0x458: {  	s0 =	rddreg [dreg:$0x0];
	s2 =	stileid.u32  }
0x459: {  	s1 =	rddreg [dreg:$0x1];
	p0 =	sne.s32 s2, $0x0  }
0x45a: {  	s3 =	rddreg [dreg:$0x2];
	[bflag:$0x3] =	sbarrier.arrive $0xFFFF;
	s2 =	simm.s32 @!p0 $0x1C05  }
0x45b: {  	[timem:s3], [sflag:s2] =	dma.local @!p0 [hbm:s0], s1  }
0x45c: {  	s0 =	simm.s32 @!p0 $0x5  }
0x45d: {  	_ =	swait.ge @!p0 [sflag:s0], s1  }
0x45e: {  	s1 =	ssub.s32 @!p0 $0x0, s1;
	[sflag:s0] =	ssyncset.done @!p0 $0x0  }
0x45f: {  	[sflag:s0] =	ssyncadd.s32 @!p0 s1  }
0x460: {  	[bflag:$0x3] =	sbarrier.arrive $0xFFFF  }
0x461: {  	_ =	shalt  }

</sc_bundles>
